<compile_context>
chip_gen: v7x
topology: tpu7x:2x2x1
jax: 0.10.2.dev20260603
libtpu: 0.0.44.dev20260713+nightly
codegen_flags: <defaults>
</compile_context>

<pallas_src>
import functools

import jax
import jax.numpy as jnp
from jax import lax
from jax.experimental import pallas as pl
from jax.experimental.pallas import tpu as pltpu
from jax.experimental.pallas import tpu_sc as plsc

B = 16
NQ = 20000
NCLS = 80
K = 300
KPAD = 384
NLANE = 16



def _count_ge(u, cand):
    return jnp.sum((u >= cand).astype(jnp.int32))


def _radix_select(u, g, k):
    def vstep(i, t):
        cand = t | (jnp.int32(1) << (30 - i))
        cnt = jnp.sum((u >= cand).astype(jnp.int32))
        return jnp.where(cnt >= k, cand, t)

    ustar = lax.fori_loop(0, 31, vstep, jnp.int32(0))
    n_gt = jnp.sum((u > ustar).astype(jnp.int32))
    k_tie = k - n_gt
    tie = u == ustar

    def istep(i, s):
        test = s + (jnp.int32(1) << (20 - i))
        cnt = jnp.sum((tie & (g < test)).astype(jnp.int32))
        return jnp.where(cnt >= k_tie, s, test)

    sstar = lax.fori_loop(0, 21, istep, jnp.int32(0))
    return ustar, sstar


QB = 4000
G1 = NQ // QB


def _radix_select_batch(u, g, k, idx_bits=21):
    axes = tuple(range(1, u.ndim))
    nb = u.shape[0]
    exp = (slice(None),) + (None,) * len(axes)

    def vstep(i, t):
        cand = t | (jnp.int32(1) << (30 - i))
        cnt = jnp.sum((u >= cand[exp]).astype(jnp.int32), axis=axes)
        return jnp.where(cnt >= k, cand, t)

    ustar = lax.fori_loop(0, 31, vstep, jnp.zeros((nb,), jnp.int32))
    n_gt = jnp.sum((u > ustar[exp]).astype(jnp.int32), axis=axes)
    k_tie = k - n_gt
    tie = u == ustar[exp]

    def istep(i, s):
        test = s + (jnp.int32(1) << (idx_bits - 1 - i))
        cnt = jnp.sum((tie & (g < test[exp])).astype(jnp.int32), axis=axes)
        return jnp.where(cnt >= k_tie, s, test)

    sstar = lax.fori_loop(0, idx_bits, istep, jnp.zeros((nb,), jnp.int32))
    return ustar, sstar


def _stage1_body(x_ref, sig_ref, qmax_ref, mscr):
    gi = pl.program_id(1)
    x = x_ref[0]
    sig = 1.0 / (1.0 + jnp.exp(-x))
    sig_ref[0] = sig
    mscr[gi, 0] = jnp.max(sig, axis=1)

    @pl.when(gi == G1 - 1)
    def _():
        qmax_ref[0] = mscr[...]


_stage1 = pl.pallas_call(
    _stage1_body,
    grid=(B, G1),
    in_specs=[pl.BlockSpec((1, QB, NCLS), lambda b, g: (b, g, 0))],
    out_specs=[
        pl.BlockSpec((1, QB, NCLS), lambda b, g: (b, g, 0)),
        pl.BlockSpec((1, G1, 1, QB), lambda b, g: (b, 0, 0, 0)),
    ],
    out_shape=[
        jax.ShapeDtypeStruct((B, NQ, NCLS), jnp.float32),
        jax.ShapeDtypeStruct((B, G1, 1, QB), jnp.float32),
    ],
    scratch_shapes=[
        pltpu.VMEM((G1, 1, QB), jnp.float32),
    ],
)


def _stage1b_body(qmax_ref, thrv_ref, thrs_ref):
    mm = qmax_ref[...]
    gg = (lax.broadcasted_iota(jnp.int32, (B, G1, 1, QB), 1) * QB
          + lax.broadcasted_iota(jnp.int32, (B, G1, 1, QB), 3))
    ustar, sstar = _radix_select_batch(
        lax.bitcast_convert_type(mm, jnp.int32), gg, K, idx_bits=15)
    fstar = lax.bitcast_convert_type(ustar, jnp.float32)
    thrv_ref[...] = jnp.broadcast_to(fstar[:, None, None], (B, 1, NLANE))
    thrs_ref[...] = jnp.broadcast_to(sstar[:, None, None], (B, 1, NLANE))


_stage1b = pl.pallas_call(
    _stage1b_body,
    out_shape=[
        jax.ShapeDtypeStruct((B, 1, NLANE), jnp.float32),
        jax.ShapeDtypeStruct((B, 1, NLANE), jnp.int32),
    ],
)



def _stage2_sc_body(sig_hbm, qmax_hbm, thrv_hbm, thrs_hbm,
                    cand_hbm, candq_hbm,
                    qmax_v, thrv_v, thrs_v, qsel_v, qselg_v, rows_v,
                    sem):
    b = lax.axis_index("s") * 2 + lax.axis_index("c")

    @pl.when(b < B)
    def _():
        pltpu.sync_copy(qmax_hbm.at[b], qmax_v)
        pltpu.sync_copy(thrv_hbm.at[b], thrv_v)
        pltpu.sync_copy(thrs_hbm.at[b], thrs_v)
        fstar = thrv_v[0, :]
        sstar = thrs_v[0, :]

        def zstep(i, c):
            z = jnp.zeros((NLANE,), jnp.int32)
            qsel_v[pl.ds(i * NLANE, NLANE)] = z
            qselg_v[pl.ds(i * NLANE, NLANE)] = z
            return c

        lax.fori_loop(0, KPAD // NLANE, zstep, 0)

        lane = lax.iota(jnp.int32, NLANE)

        def scan(i, pos):
            v16 = qmax_v[pl.ds(i * NLANE, NLANE)]
            q16 = i * NLANE + lane
            sel = (v16 > fstar) | ((v16 == fstar) & (q16 <= sstar))
            plsc.store_compressed(qsel_v.at[pl.ds(pos, NLANE)], q16, mask=sel)
            plsc.store_compressed(qselg_v.at[pl.ds(pos, NLANE)],
                                  q16 + b * NQ, mask=sel)
            cnt = plsc.all_reduce_population_count(sel)
            return pos + lax.reduce_max(cnt, axes=(0,))

        lax.fori_loop(0, NQ // NLANE, scan, jnp.int32(0))

        for kk in range(KPAD // 128):
            pltpu.async_copy(
                sig_hbm.at[qselg_v.at[pl.ds(kk * 128, 128)]],
                rows_v.at[pl.ds(kk * 128, 128)], sem).wait()
        pltpu.sync_copy(rows_v, cand_hbm.at[b])
        pltpu.sync_copy(qsel_v, candq_hbm.at[b])


@functools.cache
def _make_stage2():
    return pl.kernel(
        _stage2_sc_body,
        compiler_params=pltpu.CompilerParams(needs_layout_passes=False,
                                             use_tc_tiling_on_sc=False),
        mesh=plsc.VectorSubcoreMesh(core_axis_name="c", subcore_axis_name="s"),
        out_type=[
            jax.ShapeDtypeStruct((B, KPAD, NCLS), jnp.float32),
            jax.ShapeDtypeStruct((B, KPAD), jnp.int32),
        ],
        scratch_types=[
            pltpu.VMEM((NQ,), jnp.float32),
            pltpu.VMEM((1, NLANE), jnp.float32),
            pltpu.VMEM((1, NLANE), jnp.int32),
            pltpu.VMEM((KPAD,), jnp.int32),
            pltpu.VMEM((KPAD,), jnp.int32),
            pltpu.VMEM((KPAD, NCLS), jnp.float32),
            pltpu.SemaphoreType.DMA,
        ],
    )



B3 = 4


def _stage3_body(cand_ref, candq_ref, thr2v_ref, thr2s_ref):
    v = cand_ref[...][:, :K, :]
    qid = candq_ref[:, 0, :K]
    u = lax.bitcast_convert_type(v, jnp.int32)
    g = (qid[:, :, None] * NCLS
         + lax.broadcasted_iota(jnp.int32, (B3, K, NCLS), 2))
    ustar, sstar = _radix_select_batch(u, g, K)
    fstar = lax.bitcast_convert_type(ustar, jnp.float32)
    thr2v_ref[...] = jnp.broadcast_to(fstar[:, None, None], (B3, 1, NLANE))
    thr2s_ref[...] = jnp.broadcast_to(sstar[:, None, None], (B3, 1, NLANE))


_stage3 = pl.pallas_call(
    _stage3_body,
    grid=(B // B3,),
    in_specs=[
        pl.BlockSpec((B3, KPAD, NCLS), lambda b: (b, 0, 0)),
        pl.BlockSpec((B3, 1, KPAD), lambda b: (b, 0, 0)),
    ],
    out_specs=[
        pl.BlockSpec((B3, 1, NLANE), lambda b: (b, 0, 0)),
        pl.BlockSpec((B3, 1, NLANE), lambda b: (b, 0, 0)),
    ],
    out_shape=[
        jax.ShapeDtypeStruct((B, 1, NLANE), jnp.float32),
        jax.ShapeDtypeStruct((B, 1, NLANE), jnp.int32),
    ],
)



def _stage4_sc_body(cand_hbm, candq_hbm, thr2v_hbm, thr2s_hbm, boxes_hbm,
                    wv_hbm, wg_hbm, boxr_hbm,
                    cand_v, candq_v, thrv_v, thrs_v, wv_v, wg_v, wq_v,
                    boxall_v, boxes_v):
    b = lax.axis_index("s") * 2 + lax.axis_index("c")

    @pl.when(b < B)
    def _():
        pltpu.sync_copy(cand_hbm.at[b], cand_v)
        pltpu.sync_copy(candq_hbm.at[b], candq_v)
        pltpu.sync_copy(thr2v_hbm.at[b], thrv_v)
        pltpu.sync_copy(thr2s_hbm.at[b], thrs_v)
        pltpu.sync_copy(boxes_hbm.at[b], boxall_v)
        fstar = thrv_v[0, :]
        sstar = thrs_v[0, :]

        def zstep(i, c):
            wq_v[pl.ds(i * NLANE, NLANE)] = jnp.zeros((NLANE,), jnp.int32)
            return c

        lax.fori_loop(0, KPAD // NLANE, zstep, 0)

        lane = lax.iota(jnp.int32, NLANE)

        def row(r, pos):
            qid16 = plsc.load_gather(candq_v, [jnp.full((NLANE,), r, jnp.int32)])
            for j in range(NCLS // NLANE):
                v16 = cand_v[r, pl.ds(j * NLANE, NLANE)]
                g16 = qid16 * NCLS + (j * NLANE + lane)
                sel = (v16 > fstar) | ((v16 == fstar) & (g16 <= sstar))
                plsc.store_compressed(wv_v.at[pl.ds(pos, NLANE)], v16, mask=sel)
                plsc.store_compressed(wg_v.at[pl.ds(pos, NLANE)], g16, mask=sel)
                plsc.store_compressed(wq_v.at[pl.ds(pos, NLANE)],
                                      g16 // NCLS, mask=sel)
                cnt = plsc.all_reduce_population_count(sel)
                pos = pos + lax.reduce_max(cnt, axes=(0,))
            return pos

        lax.fori_loop(0, K, row, jnp.int32(0))

        def bstep(t, c):
            ev = t * NLANE + lane
            r16 = ev >> 2
            c16 = ev & 3
            qrow16 = plsc.load_gather(wq_v, [r16])
            box16 = plsc.load_gather(boxall_v, [qrow16 * 4 + c16])
            boxes_v[pl.ds(t * NLANE, NLANE)] = box16
            return c

        lax.fori_loop(0, KPAD * 4 // NLANE, bstep, 0)
        pltpu.sync_copy(wv_v, wv_hbm.at[b])
        pltpu.sync_copy(wg_v, wg_hbm.at[b])
        pltpu.sync_copy(boxes_v, boxr_hbm.at[b])


@functools.cache
def _make_stage4():
    return pl.kernel(
        _stage4_sc_body,
        compiler_params=pltpu.CompilerParams(needs_layout_passes=False,
                                             use_tc_tiling_on_sc=False),
        mesh=plsc.VectorSubcoreMesh(core_axis_name="c", subcore_axis_name="s"),
        out_type=[
            jax.ShapeDtypeStruct((B, KPAD), jnp.float32),
            jax.ShapeDtypeStruct((B, KPAD), jnp.int32),
            jax.ShapeDtypeStruct((B, KPAD * 4), jnp.float32),
        ],
        scratch_types=[
            pltpu.VMEM((KPAD, NCLS), jnp.float32),
            pltpu.VMEM((KPAD,), jnp.int32),
            pltpu.VMEM((1, NLANE), jnp.float32),
            pltpu.VMEM((1, NLANE), jnp.int32),
            pltpu.VMEM((KPAD,), jnp.float32),
            pltpu.VMEM((KPAD,), jnp.int32),
            pltpu.VMEM((KPAD,), jnp.int32),
            pltpu.VMEM((NQ * 4,), jnp.float32),
            pltpu.VMEM((KPAD * 4,), jnp.float32),
        ],
    )



def _stage5_body(wv_ref, wg_ref, boxr_ref, scale_ref, lab_ref, box_ref, sc_ref):
    v = wv_ref[0, 0, :K]
    g = wg_ref[0, 0, :K]
    u = lax.bitcast_convert_type(v, jnp.int32)
    gt = (u[:, None] < u[None, :]) | ((u[:, None] == u[None, :])
                                      & (g[:, None] > g[None, :]))
    rank = jnp.sum(gt.astype(jnp.int32), axis=1)
    jidx = lax.broadcasted_iota(jnp.int32, (K, K), 0)
    oh_f = (rank[None, :] == jidx).astype(jnp.float32)
    raw = boxr_ref[0, :K, :]
    cx, cy, w, h = raw[:, 0], raw[:, 1], raw[:, 2], raw[:, 3]
    sc = scale_ref[0, 0, :]
    m = jnp.stack([v, g.astype(jnp.float32),
                   (cx - 0.5 * w) * sc[0], (cy - 0.5 * h) * sc[1],
                   (cx + 0.5 * w) * sc[2], (cy + 0.5 * h) * sc[3]],
                  axis=1)
    srt = jnp.dot(oh_f, m, precision=lax.Precision.HIGHEST)
    sc_ref[0, 0, :] = srt[:, 0]
    lab_ref[0, 0, :] = srt[:, 1].astype(jnp.int32) % NCLS
    box_ref[0] = srt[:, 2:6]


_stage5 = pl.pallas_call(
    _stage5_body,
    grid=(B,),
    in_specs=[
        pl.BlockSpec((1, 1, KPAD), lambda b: (b, 0, 0)),
        pl.BlockSpec((1, 1, KPAD), lambda b: (b, 0, 0)),
        pl.BlockSpec((1, KPAD, 4), lambda b: (b, 0, 0)),
        pl.BlockSpec((1, 1, 4), lambda b: (b, 0, 0)),
    ],
    out_specs=[
        pl.BlockSpec((1, 1, K), lambda b: (b, 0, 0)),
        pl.BlockSpec((1, K, 4), lambda b: (b, 0, 0)),
        pl.BlockSpec((1, 1, K), lambda b: (b, 0, 0)),
    ],
    out_shape=[
        jax.ShapeDtypeStruct((B, 1, K), jnp.int32),
        jax.ShapeDtypeStruct((B, K, 4), jnp.float32),
        jax.ShapeDtypeStruct((B, 1, K), jnp.float32),
    ],
)


def kernel(pred_logits, pred_boxes, orig_target_sizes):
    sig, qmax3 = _stage1(pred_logits)
    thrv, thrs = _stage1b(qmax3)
    cand, candq = _make_stage2()(
        sig.reshape(B * NQ, NCLS), qmax3.reshape(B, NQ), thrv, thrs)
    thr2v, thr2s = _stage3(cand, candq.reshape(B, 1, KPAD))
    wv, wg, boxrf = _make_stage4()(cand, candq, thr2v, thr2s,
                                   pred_boxes.reshape(B, NQ * 4))
    boxr = boxrf.reshape(B, KPAD, 4)
    scale = jnp.tile(orig_target_sizes, (1, 2)).reshape(B, 1, 4)
    lab3, boxes, sc3 = _stage5(
        wv.reshape(B, 1, KPAD), wg.reshape(B, 1, KPAD), boxr, scale)
    return (lab3.reshape(B, K), boxes, sc3.reshape(B, K), sig)

# --- scband reference (transcript-rebuilt; emitter-appended) ---
"""Pipeline reference for scband-dfinepost-processor-21191368638974 (READ-ONLY COPY).

The authoritative reference and input builder live on the scoring server;
editing this copy changes nothing except your own understanding.
"""

import jax, jax.numpy as jnp
import numpy as np

NUM_CLASSES = 80
NUM_TOP_QUERIES = 300


def setup_inputs(seed: int = 0) -> dict:
    key = jax.random.key(seed)
    k1, k2, k3 = jax.random.split(key, 3)
    pred_logits = jax.random.normal(k1, (16, 20000, 80), dtype=jnp.float32)
    pred_boxes = jax.random.uniform(k2, (16, 20000, 4), dtype=jnp.float32)
    orig_target_sizes = jax.random.uniform(k3, (16, 2), dtype=jnp.float32) * 1024.0
    return {"pred_logits": pred_logits, "pred_boxes": pred_boxes, "orig_target_sizes": orig_target_sizes}


def reference(pred_logits, pred_boxes, orig_target_sizes):
    # box_convert cxcywh -> xyxy
    cx = pred_boxes[..., 0]
    cy = pred_boxes[..., 1]
    w = pred_boxes[..., 2]
    h = pred_boxes[..., 3]
    bbox_pred = jnp.stack([cx - 0.5 * w, cy - 0.5 * h, cx + 0.5 * w, cy + 0.5 * h], axis=-1)
    # scale by original target sizes: sizes.repeat(1,2).unsqueeze(1)
    scale = jnp.tile(orig_target_sizes, (1, 2))[:, None, :]
    bbox_pred = bbox_pred * scale
    # focal-loss path
    sig = jax.nn.sigmoid(pred_logits)
    logits_sigged = sig
    B = sig.shape[0]
    flat = sig.reshape(B, -1)
    scores, index = jax.lax.top_k(flat, NUM_TOP_QUERIES)
    labels = index - (index // NUM_CLASSES) * NUM_CLASSES  # mod
    qidx = index // NUM_CLASSES
    gidx = jnp.repeat(qidx[..., None], bbox_pred.shape[-1], axis=-1)
    boxes = jnp.take_along_axis(bbox_pred, gidx, axis=1)
    return (labels, boxes, scores, logits_sigged)

if __name__ == "__main__":
    import jax
    _d = setup_inputs()
    print(jax.jit(kernel)(*tuple(_d.values())))

</pallas_src>

<mosaic_0001>
#map = affine_map<(d0, d1) -> (0, 0, 0)>
#map1 = affine_map<(d0, d1) -> (0, 0)>
module attributes {stable_mosaic.version = 14 : i64} {
  func.func @_stage4_sc_body(%arg0: i32, %arg1: i32, %arg2: memref<16x384x80xf32, #tpu.memory_space<hbm>>, %arg3: memref<16x384xi32, #tpu.memory_space<hbm>>, %arg4: memref<16x1x16xf32, #tpu.memory_space<hbm>>, %arg5: memref<16x1x16xi32, #tpu.memory_space<hbm>>, %arg6: memref<16x80000xf32, #tpu.memory_space<hbm>>, %arg7: memref<16x384xf32, #tpu.memory_space<hbm>>, %arg8: memref<16x384xi32, #tpu.memory_space<hbm>>, %arg9: memref<16x1536xf32, #tpu.memory_space<hbm>>, %arg10: memref<384x80xf32, #tpu.memory_space<vmem>>, %arg11: memref<384xi32, #tpu.memory_space<vmem>>, %arg12: memref<1x16xf32, #tpu.memory_space<vmem>>, %arg13: memref<1x16xi32, #tpu.memory_space<vmem>>, %arg14: memref<384xf32, #tpu.memory_space<vmem>>, %arg15: memref<384xi32, #tpu.memory_space<vmem>>, %arg16: memref<384xi32, #tpu.memory_space<vmem>>, %arg17: memref<80000xf32, #tpu.memory_space<vmem>>, %arg18: memref<1536xf32, #tpu.memory_space<vmem>>) attributes {dimension_semantics = [#tpu.dimension_semantics<core_parallel>, #tpu.dimension_semantics<subcore_parallel>], iteration_bounds = array<i64: 2, 16>, scalar_prefetch = 0 : i64, scratch_operands = 9 : i64, tpu.core_type = #tpu.core_type<sc_vector_subcore>, window_params = [{transform_indices = #map}, {transform_indices = #map1}, {transform_indices = #map}, {transform_indices = #map}, {transform_indices = #map1}, {transform_indices = #map1}, {transform_indices = #map1}, {transform_indices = #map1}]} {
    %mul3A = arith.constant 2 : i32
    %mul3A_0 = arith.muli %arg1, %mul3A : i32
    %add3A = arith.addi %mul3A_0, %arg0 : i32
    %lt3A = arith.constant 16 : i32
    %lt3A_1 = arith.cmpi slt, %add3A, %lt3A : i32
    %convert_element_type3A = arith.extui %lt3A_1 : i1 to i32
    %cond3A = arith.constant 0 : i32
    %cond3A_2 = arith.cmpi ne, %convert_element_type3A, %cond3A : i32
    scf.if %cond3A_2 {
      "tpu.region"() ({
        %run_scoped3A = tpu.sem_alloc : memref<!tpu.dma_semaphore, #tpu.memory_space<semaphore_mem>>
        %dma_start3A = arith.constant 0 : i32
        %dma_start3A_28 = arith.constant 0 : i32
        %dma_start3A_29 = tpu.memref_slice %arg2[%add3A, %dma_start3A, %dma_start3A_28] : memref<16x384x80xf32, #tpu.memory_space<hbm>> -> memref<1x384x80xf32, #tpu.memory_space<hbm>>
        %dma_start3A_30 = tpu.memref_squeeze %dma_start3A_29 : memref<1x384x80xf32, #tpu.memory_space<hbm>> -> memref<384x80xf32, #tpu.memory_space<hbm>>
        %dma_start3A_31 = arith.constant 0 : i32
        %dma_start3A_32 = arith.constant 0 : i32
        %dma_start3A_33 = tpu.memref_slice %arg2[%add3A, %dma_start3A_31, %dma_start3A_32] : memref<16x384x80xf32, #tpu.memory_space<hbm>> -> memref<1x384x80xf32, #tpu.memory_space<hbm>>
        %dma_start3A_34 = tpu.memref_squeeze %dma_start3A_33 : memref<1x384x80xf32, #tpu.memory_space<hbm>> -> memref<384x80xf32, #tpu.memory_space<hbm>>
        tpu.enqueue_dma source(%dma_start3A_34 : memref<384x80xf32, #tpu.memory_space<hbm>>) target(%arg10 : memref<384x80xf32, #tpu.memory_space<vmem>>) target_semaphore(%run_scoped3A : memref<!tpu.dma_semaphore, #tpu.memory_space<semaphore_mem>>)
        %dma_wait3A = arith.constant 0 : i32
        %dma_wait3A_35 = arith.constant 0 : i32
        %dma_wait3A_36 = tpu.memref_slice %arg2[%add3A, %dma_wait3A, %dma_wait3A_35] : memref<16x384x80xf32, #tpu.memory_space<hbm>> -> memref<1x384x80xf32, #tpu.memory_space<hbm>>
        %dma_wait3A_37 = tpu.memref_squeeze %dma_wait3A_36 : memref<1x384x80xf32, #tpu.memory_space<hbm>> -> memref<384x80xf32, #tpu.memory_space<hbm>>
        %dma_wait3A_38 = arith.constant 0 : i32
        %dma_wait3A_39 = arith.constant 0 : i32
        %dma_wait3A_40 = tpu.memref_slice %arg2[%add3A, %dma_wait3A_38, %dma_wait3A_39] : memref<16x384x80xf32, #tpu.memory_space<hbm>> -> memref<1x384x80xf32, #tpu.memory_space<hbm>>
        %dma_wait3A_41 = tpu.memref_squeeze %dma_wait3A_40 : memref<1x384x80xf32, #tpu.memory_space<hbm>> -> memref<384x80xf32, #tpu.memory_space<hbm>>
        tpu.wait_dma2 semaphore(%run_scoped3A : memref<!tpu.dma_semaphore, #tpu.memory_space<semaphore_mem>>) src(%dma_wait3A_41 : memref<384x80xf32, #tpu.memory_space<hbm>>) dst(%arg10 : memref<384x80xf32, #tpu.memory_space<vmem>>)
        tpu.yield
      }) : () -> ()
      "tpu.region"() ({
        %run_scoped3A = tpu.sem_alloc : memref<!tpu.dma_semaphore, #tpu.memory_space<semaphore_mem>>
        %dma_start3A = arith.constant 0 : i32
        %dma_start3A_28 = tpu.memref_slice %arg3[%add3A, %dma_start3A] : memref<16x384xi32, #tpu.memory_space<hbm>> -> memref<1x384xi32, #tpu.memory_space<hbm>>
        %dma_start3A_29 = tpu.memref_squeeze %dma_start3A_28 : memref<1x384xi32, #tpu.memory_space<hbm>> -> memref<384xi32, #tpu.memory_space<hbm>>
        %dma_start3A_30 = arith.constant 0 : i32
        %dma_start3A_31 = tpu.memref_slice %arg3[%add3A, %dma_start3A_30] : memref<16x384xi32, #tpu.memory_space<hbm>> -> memref<1x384xi32, #tpu.memory_space<hbm>>
        %dma_start3A_32 = tpu.memref_squeeze %dma_start3A_31 : memref<1x384xi32, #tpu.memory_space<hbm>> -> memref<384xi32, #tpu.memory_space<hbm>>
        tpu.enqueue_dma source(%dma_start3A_32 : memref<384xi32, #tpu.memory_space<hbm>>) target(%arg11 : memref<384xi32, #tpu.memory_space<vmem>>) target_semaphore(%run_scoped3A : memref<!tpu.dma_semaphore, #tpu.memory_space<semaphore_mem>>)
        %dma_wait3A = arith.constant 0 : i32
        %dma_wait3A_33 = tpu.memref_slice %arg3[%add3A, %dma_wait3A] : memref<16x384xi32, #tpu.memory_space<hbm>> -> memref<1x384xi32, #tpu.memory_space<hbm>>
        %dma_wait3A_34 = tpu.memref_squeeze %dma_wait3A_33 : memref<1x384xi32, #tpu.memory_space<hbm>> -> memref<384xi32, #tpu.memory_space<hbm>>
        %dma_wait3A_35 = arith.constant 0 : i32
        %dma_wait3A_36 = tpu.memref_slice %arg3[%add3A, %dma_wait3A_35] : memref<16x384xi32, #tpu.memory_space<hbm>> -> memref<1x384xi32, #tpu.memory_space<hbm>>
        %dma_wait3A_37 = tpu.memref_squeeze %dma_wait3A_36 : memref<1x384xi32, #tpu.memory_space<hbm>> -> memref<384xi32, #tpu.memory_space<hbm>>
        tpu.wait_dma2 semaphore(%run_scoped3A : memref<!tpu.dma_semaphore, #tpu.memory_space<semaphore_mem>>) src(%dma_wait3A_37 : memref<384xi32, #tpu.memory_space<hbm>>) dst(%arg11 : memref<384xi32, #tpu.memory_space<vmem>>)
        tpu.yield
      }) : () -> ()
      "tpu.region"() ({
        %run_scoped3A = tpu.sem_alloc : memref<!tpu.dma_semaphore, #tpu.memory_space<semaphore_mem>>
        %dma_start3A = arith.constant 0 : i32
        %dma_start3A_28 = arith.constant 0 : i32
        %dma_start3A_29 = tpu.memref_slice %arg4[%add3A, %dma_start3A, %dma_start3A_28] : memref<16x1x16xf32, #tpu.memory_space<hbm>> -> memref<1x1x16xf32, #tpu.memory_space<hbm>>
        %dma_start3A_30 = tpu.memref_squeeze %dma_start3A_29 : memref<1x1x16xf32, #tpu.memory_space<hbm>> -> memref<1x16xf32, #tpu.memory_space<hbm>>
        %dma_start3A_31 = arith.constant 0 : i32
        %dma_start3A_32 = arith.constant 0 : i32
        %dma_start3A_33 = tpu.memref_slice %arg4[%add3A, %dma_start3A_31, %dma_start3A_32] : memref<16x1x16xf32, #tpu.memory_space<hbm>> -> memref<1x1x16xf32, #tpu.memory_space<hbm>>
        %dma_start3A_34 = tpu.memref_squeeze %dma_start3A_33 : memref<1x1x16xf32, #tpu.memory_space<hbm>> -> memref<1x16xf32, #tpu.memory_space<hbm>>
        tpu.enqueue_dma source(%dma_start3A_34 : memref<1x16xf32, #tpu.memory_space<hbm>>) target(%arg12 : memref<1x16xf32, #tpu.memory_space<vmem>>) target_semaphore(%run_scoped3A : memref<!tpu.dma_semaphore, #tpu.memory_space<semaphore_mem>>)
        %dma_wait3A = arith.constant 0 : i32
        %dma_wait3A_35 = arith.constant 0 : i32
        %dma_wait3A_36 = tpu.memref_slice %arg4[%add3A, %dma_wait3A, %dma_wait3A_35] : memref<16x1x16xf32, #tpu.memory_space<hbm>> -> memref<1x1x16xf32, #tpu.memory_space<hbm>>
        %dma_wait3A_37 = tpu.memref_squeeze %dma_wait3A_36 : memref<1x1x16xf32, #tpu.memory_space<hbm>> -> memref<1x16xf32, #tpu.memory_space<hbm>>
        %dma_wait3A_38 = arith.constant 0 : i32
        %dma_wait3A_39 = arith.constant 0 : i32
        %dma_wait3A_40 = tpu.memref_slice %arg4[%add3A, %dma_wait3A_38, %dma_wait3A_39] : memref<16x1x16xf32, #tpu.memory_space<hbm>> -> memref<1x1x16xf32, #tpu.memory_space<hbm>>
        %dma_wait3A_41 = tpu.memref_squeeze %dma_wait3A_40 : memref<1x1x16xf32, #tpu.memory_space<hbm>> -> memref<1x16xf32, #tpu.memory_space<hbm>>
        tpu.wait_dma2 semaphore(%run_scoped3A : memref<!tpu.dma_semaphore, #tpu.memory_space<semaphore_mem>>) src(%dma_wait3A_41 : memref<1x16xf32, #tpu.memory_space<hbm>>) dst(%arg12 : memref<1x16xf32, #tpu.memory_space<vmem>>)
        tpu.yield
      }) : () -> ()
      "tpu.region"() ({
        %run_scoped3A = tpu.sem_alloc : memref<!tpu.dma_semaphore, #tpu.memory_space<semaphore_mem>>
        %dma_start3A = arith.constant 0 : i32
        %dma_start3A_28 = arith.constant 0 : i32
        %dma_start3A_29 = tpu.memref_slice %arg5[%add3A, %dma_start3A, %dma_start3A_28] : memref<16x1x16xi32, #tpu.memory_space<hbm>> -> memref<1x1x16xi32, #tpu.memory_space<hbm>>
        %dma_start3A_30 = tpu.memref_squeeze %dma_start3A_29 : memref<1x1x16xi32, #tpu.memory_space<hbm>> -> memref<1x16xi32, #tpu.memory_space<hbm>>
        %dma_start3A_31 = arith.constant 0 : i32
        %dma_start3A_32 = arith.constant 0 : i32
        %dma_start3A_33 = tpu.memref_slice %arg5[%add3A, %dma_start3A_31, %dma_start3A_32] : memref<16x1x16xi32, #tpu.memory_space<hbm>> -> memref<1x1x16xi32, #tpu.memory_space<hbm>>
        %dma_start3A_34 = tpu.memref_squeeze %dma_start3A_33 : memref<1x1x16xi32, #tpu.memory_space<hbm>> -> memref<1x16xi32, #tpu.memory_space<hbm>>
        tpu.enqueue_dma source(%dma_start3A_34 : memref<1x16xi32, #tpu.memory_space<hbm>>) target(%arg13 : memref<1x16xi32, #tpu.memory_space<vmem>>) target_semaphore(%run_scoped3A : memref<!tpu.dma_semaphore, #tpu.memory_space<semaphore_mem>>)
        %dma_wait3A = arith.constant 0 : i32
        %dma_wait3A_35 = arith.constant 0 : i32
        %dma_wait3A_36 = tpu.memref_slice %arg5[%add3A, %dma_wait3A, %dma_wait3A_35] : memref<16x1x16xi32, #tpu.memory_space<hbm>> -> memref<1x1x16xi32, #tpu.memory_space<hbm>>
        %dma_wait3A_37 = tpu.memref_squeeze %dma_wait3A_36 : memref<1x1x16xi32, #tpu.memory_space<hbm>> -> memref<1x16xi32, #tpu.memory_space<hbm>>
        %dma_wait3A_38 = arith.constant 0 : i32
        %dma_wait3A_39 = arith.constant 0 : i32
        %dma_wait3A_40 = tpu.memref_slice %arg5[%add3A, %dma_wait3A_38, %dma_wait3A_39] : memref<16x1x16xi32, #tpu.memory_space<hbm>> -> memref<1x1x16xi32, #tpu.memory_space<hbm>>
        %dma_wait3A_41 = tpu.memref_squeeze %dma_wait3A_40 : memref<1x1x16xi32, #tpu.memory_space<hbm>> -> memref<1x16xi32, #tpu.memory_space<hbm>>
        tpu.wait_dma2 semaphore(%run_scoped3A : memref<!tpu.dma_semaphore, #tpu.memory_space<semaphore_mem>>) src(%dma_wait3A_41 : memref<1x16xi32, #tpu.memory_space<hbm>>) dst(%arg13 : memref<1x16xi32, #tpu.memory_space<vmem>>)
        tpu.yield
      }) : () -> ()
      "tpu.region"() ({
        %run_scoped3A = tpu.sem_alloc : memref<!tpu.dma_semaphore, #tpu.memory_space<semaphore_mem>>
        %dma_start3A = arith.constant 0 : i32
        %dma_start3A_28 = tpu.memref_slice %arg6[%add3A, %dma_start3A] : memref<16x80000xf32, #tpu.memory_space<hbm>> -> memref<1x80000xf32, #tpu.memory_space<hbm>>
        %dma_start3A_29 = tpu.memref_squeeze %dma_start3A_28 : memref<1x80000xf32, #tpu.memory_space<hbm>> -> memref<80000xf32, #tpu.memory_space<hbm>>
        %dma_start3A_30 = arith.constant 0 : i32
        %dma_start3A_31 = tpu.memref_slice %arg6[%add3A, %dma_start3A_30] : memref<16x80000xf32, #tpu.memory_space<hbm>> -> memref<1x80000xf32, #tpu.memory_space<hbm>>
        %dma_start3A_32 = tpu.memref_squeeze %dma_start3A_31 : memref<1x80000xf32, #tpu.memory_space<hbm>> -> memref<80000xf32, #tpu.memory_space<hbm>>
        tpu.enqueue_dma source(%dma_start3A_32 : memref<80000xf32, #tpu.memory_space<hbm>>) target(%arg17 : memref<80000xf32, #tpu.memory_space<vmem>>) target_semaphore(%run_scoped3A : memref<!tpu.dma_semaphore, #tpu.memory_space<semaphore_mem>>)
        %dma_wait3A = arith.constant 0 : i32
        %dma_wait3A_33 = tpu.memref_slice %arg6[%add3A, %dma_wait3A] : memref<16x80000xf32, #tpu.memory_space<hbm>> -> memref<1x80000xf32, #tpu.memory_space<hbm>>
        %dma_wait3A_34 = tpu.memref_squeeze %dma_wait3A_33 : memref<1x80000xf32, #tpu.memory_space<hbm>> -> memref<80000xf32, #tpu.memory_space<hbm>>
        %dma_wait3A_35 = arith.constant 0 : i32
        %dma_wait3A_36 = tpu.memref_slice %arg6[%add3A, %dma_wait3A_35] : memref<16x80000xf32, #tpu.memory_space<hbm>> -> memref<1x80000xf32, #tpu.memory_space<hbm>>
        %dma_wait3A_37 = tpu.memref_squeeze %dma_wait3A_36 : memref<1x80000xf32, #tpu.memory_space<hbm>> -> memref<80000xf32, #tpu.memory_space<hbm>>
        tpu.wait_dma2 semaphore(%run_scoped3A : memref<!tpu.dma_semaphore, #tpu.memory_space<semaphore_mem>>) src(%dma_wait3A_37 : memref<80000xf32, #tpu.memory_space<hbm>>) dst(%arg17 : memref<80000xf32, #tpu.memory_space<vmem>>)
        tpu.yield
      }) : () -> ()
      %get3A = arith.constant 0 : i32
      %get3A_3 = arith.index_cast %get3A : i32 to index
      %get3A_4 = arith.constant 0 : index
      %get3A_5 = tpu.vector_load %arg12[%get3A_3, %get3A_4] {strides = array<i32>} : memref<1x16xf32, #tpu.memory_space<vmem>>, vector<16xf32>,
      %get3A_6 = arith.constant 0 : i32
      %get3A_7 = arith.index_cast %get3A_6 : i32 to index
      %get3A_8 = arith.constant 0 : index
      %get3A_9 = tpu.vector_load %arg13[%get3A_7, %get3A_8] {strides = array<i32>} : memref<1x16xi32, #tpu.memory_space<vmem>>, vector<16xi32>,
      %scan3A = arith.constant 0 : i32
      %scan3A_10 = arith.constant 0 : i32
      %scan3A_11 = arith.constant 24 : i32
      %scan3A_12 = arith.addi %scan3A_10, %scan3A_11 : i32
      %scan3A_13 = arith.constant 1 : i32
      scf.for %scan3A_28 = %scan3A_10 to %scan3A_12 step %scan3A_13  : i32 {
        %broadcast_in_dim3A = arith.constant 0 : i32
        %broadcast_in_dim3A_29 = vector.broadcast %broadcast_in_dim3A : i32 to vector<16xi32>
        %mul3A_30 = arith.constant 16 : i32
        %mul3A_31 = arith.muli %scan3A_28, %mul3A_30 : i32
        %swap3A = arith.index_cast %mul3A_31 : i32 to index
        %swap3A_32 = tpu.vector_load %arg16[%swap3A] {strides = array<i32>} : memref<384xi32, #tpu.memory_space<vmem>>, vector<16xi32>,
        tpu.vector_store %arg16[%swap3A], %broadcast_in_dim3A_29 {strides = array<i32>} : memref<384xi32, #tpu.memory_space<vmem>>, vector<16xi32>,
      }
      %scan3A_14 = arith.constant 24 : i32
      %iota3A = tpu.iota {dimensions = array<i32: 0>} : vector<16xi32>
      %scan3A_15 = arith.constant 0 : i32
      %scan3A_16 = arith.constant 0 : i32
      %scan3A_17 = arith.constant 300 : i32
      %scan3A_18 = arith.addi %scan3A_16, %scan3A_17 : i32
      %scan3A_19 = arith.constant 1 : i32
      %scan3A_20 = scf.for %scan3A_28 = %scan3A_16 to %scan3A_18 step %scan3A_19 iter_args(%scan3A_29 = %scan3A_15) -> (i32)  : i32 {
        %broadcast_in_dim3A = vector.broadcast %scan3A_28 : i32 to vector<16xi32>
        %gather3A = tpu.vector_load_idx %arg11[%broadcast_in_dim3A] : memref<384xi32, #tpu.memory_space<vmem>>[vector<16xi32>], vector<16xi32>,
        %get3A_30 = arith.index_cast %scan3A_28 : i32 to index
        %get3A_31 = arith.constant 0 : index
        %get3A_32 = tpu.vector_load %arg10[%get3A_30, %get3A_31] {strides = array<i32>} : memref<384x80xf32, #tpu.memory_space<vmem>>, vector<16xf32>,
        %mul3A_33 = arith.constant 80 : i32
        %mul3A_34 = vector.broadcast %mul3A_33 : i32 to vector<16xi32>
        %mul3A_35 = arith.muli %gather3A, %mul3A_34 : vector<16xi32>
        %add3A_36 = arith.constant 0 : i32
        %add3A_37 = vector.broadcast %add3A_36 : i32 to vector<16xi32>
        %add3A_38 = arith.addi %add3A_37, %iota3A : vector<16xi32>
        %add3A_39 = arith.addi %mul3A_35, %add3A_38 : vector<16xi32>
        %gt3A = arith.cmpf ogt, %get3A_32, %get3A_5 : vector<16xf32>
        %eq3A = arith.cmpf oeq, %get3A_32, %get3A_5 : vector<16xf32>
        %le3A = arith.cmpi sle, %add3A_39, %get3A_9 : vector<16xi32>
        %and3A = arith.andi %eq3A, %le3A : vector<16xi1>
        %or3A = arith.ori %gt3A, %and3A : vector<16xi1>
        %swap3A = arith.index_cast %scan3A_29 : i32 to index
        %swap3A_40 = tpu.vector_load %arg14[%swap3A] masked %or3A {strides = array<i32>} : memref<384xf32, #tpu.memory_space<vmem>>, vector<16xf32>, vector<16xi1>
        tpu.vector_store %arg14[%swap3A], %get3A_32 masked %or3A {strides = array<i32>} : memref<384xf32, #tpu.memory_space<vmem>>, vector<16xf32>, vector<16xi1>
        %swap3A_41 = arith.index_cast %scan3A_29 : i32 to index
        %swap3A_42 = tpu.vector_load %arg15[%swap3A_41] masked %or3A {strides = array<i32>} : memref<384xi32, #tpu.memory_space<vmem>>, vector<16xi32>, vector<16xi1>
        tpu.vector_store %arg15[%swap3A_41], %add3A_39 masked %or3A {strides = array<i32>} : memref<384xi32, #tpu.memory_space<vmem>>, vector<16xi32>, vector<16xi1>
        %jit3A = arith.constant 80 : i32
        %div3A = vector.broadcast %jit3A : i32 to vector<16xi32>
        %div3A_43 = arith.divsi %add3A_39, %div3A : vector<16xi32>
        %sign3A = arith.constant 0 : i32
        %sign3A_44 = vector.broadcast %sign3A : i32 to vector<16xi32>
        %sign3A_45 = arith.cmpi sgt, %add3A_39, %sign3A_44 : vector<16xi32>
        %sign3A_46 = arith.extui %sign3A_45 : vector<16xi1> to vector<16xi32>
        %sign3A_47 = arith.constant 0 : i32
        %sign3A_48 = vector.broadcast %sign3A_47 : i32 to vector<16xi32>
        %sign3A_49 = arith.cmpi slt, %add3A_39, %sign3A_48 : vector<16xi32>
        %sign3A_50 = arith.extui %sign3A_49 : vector<16xi1> to vector<16xi32>
        %sign3A_51 = arith.subi %sign3A_46, %sign3A_50 : vector<16xi32>
        %sign3A_52 = arith.constant 0 : i32
        %sign3A_53 = arith.cmpi sgt, %jit3A, %sign3A_52 : i32
        %sign3A_54 = arith.extui %sign3A_53 : i1 to i32
        %sign3A_55 = arith.constant 0 : i32
        %sign3A_56 = arith.cmpi slt, %jit3A, %sign3A_55 : i32
        %sign3A_57 = arith.extui %sign3A_56 : i1 to i32
        %sign3A_58 = arith.subi %sign3A_54, %sign3A_57 : i32
        %ne3A = vector.broadcast %sign3A_58 : i32 to vector<16xi32>
        %ne3A_59 = arith.cmpi ne, %sign3A_51, %ne3A : vector<16xi32>
        %rem3A = vector.broadcast %jit3A : i32 to vector<16xi32>
        %rem3A_60 = arith.remsi %add3A_39, %rem3A : vector<16xi32>
        %ne3A_61 = arith.constant 0 : i32
        %ne3A_62 = vector.broadcast %ne3A_61 : i32 to vector<16xi32>
        %ne3A_63 = arith.cmpi ne, %rem3A_60, %ne3A_62 : vector<16xi32>
        %and3A_64 = arith.andi %ne3A_59, %ne3A_63 : vector<16xi1>
        %sub3A = arith.constant 1 : i32
        %sub3A_65 = vector.broadcast %sub3A : i32 to vector<16xi32>
        %sub3A_66 = arith.subi %div3A_43, %sub3A_65 : vector<16xi32>
        %select_n3A = arith.select %and3A_64, %sub3A_66, %div3A_43 : vector<16xi1>, vector<16xi32>
        %swap3A_67 = arith.index_cast %scan3A_29 : i32 to index
        %swap3A_68 = tpu.vector_load %arg16[%swap3A_67] masked %or3A {strides = array<i32>} : memref<384xi32, #tpu.memory_space<vmem>>, vector<16xi32>, vector<16xi1>
        tpu.vector_store %arg16[%swap3A_67], %select_n3A masked %or3A {strides = array<i32>} : memref<384xi32, #tpu.memory_space<vmem>>, vector<16xi32>, vector<16xi1>
        %all_reduce_population_count3A = tpu.all_reduce %or3A {dim = 0 : i64, kind = #tpu.reduction_kind<sum>} : vector<16xi1> -> vector<16xi32>
        %reduce_max3A = arith.constant true
        %reduce_max3A_69 = vector.broadcast %reduce_max3A : i1 to vector<16xi1>
        %reduce_max3A_70 = arith.constant -2147483648 : i32
        %reduce_max3A_71 = vector.broadcast %reduce_max3A_70 : i32 to vector<16xi32>
        %reduce_max3A_72 = arith.xori %all_reduce_population_count3A, %reduce_max3A_71 : vector<16xi32>
        %reduce_max3A_73 = tpu.scan <max>, %reduce_max3A_72 masked %reduce_max3A_69 : vector<16xi32>, vector<16xi1> -> vector<16xi32>
        %reduce_max3A_74 = arith.xori %reduce_max3A_73, %reduce_max3A_71 : vector<16xi32>
        %reduce_max3A_75 = vector.extract %reduce_max3A_74[15] : i32 from vector<16xi32>
        %add3A_76 = arith.addi %scan3A_29, %reduce_max3A_75 : i32
        %get3A_77 = arith.index_cast %scan3A_28 : i32 to index
        %get3A_78 = arith.constant 16 : index
        %get3A_79 = tpu.vector_load %arg10[%get3A_77, %get3A_78] {strides = array<i32>} : memref<384x80xf32, #tpu.memory_space<vmem>>, vector<16xf32>,
        %mul3A_80 = arith.constant 80 : i32
        %mul3A_81 = vector.broadcast %mul3A_80 : i32 to vector<16xi32>
        %mul3A_82 = arith.muli %gather3A, %mul3A_81 : vector<16xi32>
        %add3A_83 = arith.constant 16 : i32
        %add3A_84 = vector.broadcast %add3A_83 : i32 to vector<16xi32>
        %add3A_85 = arith.addi %add3A_84, %iota3A : vector<16xi32>
        %add3A_86 = arith.addi %mul3A_82, %add3A_85 : vector<16xi32>
        %gt3A_87 = arith.cmpf ogt, %get3A_79, %get3A_5 : vector<16xf32>
        %eq3A_88 = arith.cmpf oeq, %get3A_79, %get3A_5 : vector<16xf32>
        %le3A_89 = arith.cmpi sle, %add3A_86, %get3A_9 : vector<16xi32>
        %and3A_90 = arith.andi %eq3A_88, %le3A_89 : vector<16xi1>
        %or3A_91 = arith.ori %gt3A_87, %and3A_90 : vector<16xi1>
        %swap3A_92 = arith.index_cast %add3A_76 : i32 to index
        %swap3A_93 = tpu.vector_load %arg14[%swap3A_92] masked %or3A_91 {strides = array<i32>} : memref<384xf32, #tpu.memory_space<vmem>>, vector<16xf32>, vector<16xi1>
        tpu.vector_store %arg14[%swap3A_92], %get3A_79 masked %or3A_91 {strides = array<i32>} : memref<384xf32, #tpu.memory_space<vmem>>, vector<16xf32>, vector<16xi1>
        %swap3A_94 = arith.index_cast %add3A_76 : i32 to index
        %swap3A_95 = tpu.vector_load %arg15[%swap3A_94] masked %or3A_91 {strides = array<i32>} : memref<384xi32, #tpu.memory_space<vmem>>, vector<16xi32>, vector<16xi1>
        tpu.vector_store %arg15[%swap3A_94], %add3A_86 masked %or3A_91 {strides = array<i32>} : memref<384xi32, #tpu.memory_space<vmem>>, vector<16xi32>, vector<16xi1>
        %jit3A_96 = arith.constant 80 : i32
        %div3A_97 = vector.broadcast %jit3A_96 : i32 to vector<16xi32>
        %div3A_98 = arith.divsi %add3A_86, %div3A_97 : vector<16xi32>
        %sign3A_99 = arith.constant 0 : i32
        %sign3A_100 = vector.broadcast %sign3A_99 : i32 to vector<16xi32>
        %sign3A_101 = arith.cmpi sgt, %add3A_86, %sign3A_100 : vector<16xi32>
        %sign3A_102 = arith.extui %sign3A_101 : vector<16xi1> to vector<16xi32>
        %sign3A_103 = arith.constant 0 : i32
        %sign3A_104 = vector.broadcast %sign3A_103 : i32 to vector<16xi32>
        %sign3A_105 = arith.cmpi slt, %add3A_86, %sign3A_104 : vector<16xi32>
        %sign3A_106 = arith.extui %sign3A_105 : vector<16xi1> to vector<16xi32>
        %sign3A_107 = arith.subi %sign3A_102, %sign3A_106 : vector<16xi32>
        %sign3A_108 = arith.constant 0 : i32
        %sign3A_109 = arith.cmpi sgt, %jit3A_96, %sign3A_108 : i32
        %sign3A_110 = arith.extui %sign3A_109 : i1 to i32
        %sign3A_111 = arith.constant 0 : i32
        %sign3A_112 = arith.cmpi slt, %jit3A_96, %sign3A_111 : i32
        %sign3A_113 = arith.extui %sign3A_112 : i1 to i32
        %sign3A_114 = arith.subi %sign3A_110, %sign3A_113 : i32
        %ne3A_115 = vector.broadcast %sign3A_114 : i32 to vector<16xi32>
        %ne3A_116 = arith.cmpi ne, %sign3A_107, %ne3A_115 : vector<16xi32>
        %rem3A_117 = vector.broadcast %jit3A_96 : i32 to vector<16xi32>
        %rem3A_118 = arith.remsi %add3A_86, %rem3A_117 : vector<16xi32>
        %ne3A_119 = arith.constant 0 : i32
        %ne3A_120 = vector.broadcast %ne3A_119 : i32 to vector<16xi32>
        %ne3A_121 = arith.cmpi ne, %rem3A_118, %ne3A_120 : vector<16xi32>
        %and3A_122 = arith.andi %ne3A_116, %ne3A_121 : vector<16xi1>
        %sub3A_123 = arith.constant 1 : i32
        %sub3A_124 = vector.broadcast %sub3A_123 : i32 to vector<16xi32>
        %sub3A_125 = arith.subi %div3A_98, %sub3A_124 : vector<16xi32>
        %select_n3A_126 = arith.select %and3A_122, %sub3A_125, %div3A_98 : vector<16xi1>, vector<16xi32>
        %swap3A_127 = arith.index_cast %add3A_76 : i32 to index
        %swap3A_128 = tpu.vector_load %arg16[%swap3A_127] masked %or3A_91 {strides = array<i32>} : memref<384xi32, #tpu.memory_space<vmem>>, vector<16xi32>, vector<16xi1>
        tpu.vector_store %arg16[%swap3A_127], %select_n3A_126 masked %or3A_91 {strides = array<i32>} : memref<384xi32, #tpu.memory_space<vmem>>, vector<16xi32>, vector<16xi1>
        %all_reduce_population_count3A_129 = tpu.all_reduce %or3A_91 {dim = 0 : i64, kind = #tpu.reduction_kind<sum>} : vector<16xi1> -> vector<16xi32>
        %reduce_max3A_130 = arith.constant true
        %reduce_max3A_131 = vector.broadcast %reduce_max3A_130 : i1 to vector<16xi1>
        %reduce_max3A_132 = arith.constant -2147483648 : i32
        %reduce_max3A_133 = vector.broadcast %reduce_max3A_132 : i32 to vector<16xi32>
        %reduce_max3A_134 = arith.xori %all_reduce_population_count3A_129, %reduce_max3A_133 : vector<16xi32>
        %reduce_max3A_135 = tpu.scan <max>, %reduce_max3A_134 masked %reduce_max3A_131 : vector<16xi32>, vector<16xi1> -> vector<16xi32>
        %reduce_max3A_136 = arith.xori %reduce_max3A_135, %reduce_max3A_133 : vector<16xi32>
        %reduce_max3A_137 = vector.extract %reduce_max3A_136[15] : i32 from vector<16xi32>
        %add3A_138 = arith.addi %add3A_76, %reduce_max3A_137 : i32
        %get3A_139 = arith.index_cast %scan3A_28 : i32 to index
        %get3A_140 = arith.constant 32 : index
        %get3A_141 = tpu.vector_load %arg10[%get3A_139, %get3A_140] {strides = array<i32>} : memref<384x80xf32, #tpu.memory_space<vmem>>, vector<16xf32>,
        %mul3A_142 = arith.constant 80 : i32
        %mul3A_143 = vector.broadcast %mul3A_142 : i32 to vector<16xi32>
        %mul3A_144 = arith.muli %gather3A, %mul3A_143 : vector<16xi32>
        %add3A_145 = arith.constant 32 : i32
        %add3A_146 = vector.broadcast %add3A_145 : i32 to vector<16xi32>
        %add3A_147 = arith.addi %add3A_146, %iota3A : vector<16xi32>
        %add3A_148 = arith.addi %mul3A_144, %add3A_147 : vector<16xi32>
        %gt3A_149 = arith.cmpf ogt, %get3A_141, %get3A_5 : vector<16xf32>
        %eq3A_150 = arith.cmpf oeq, %get3A_141, %get3A_5 : vector<16xf32>
        %le3A_151 = arith.cmpi sle, %add3A_148, %get3A_9 : vector<16xi32>
        %and3A_152 = arith.andi %eq3A_150, %le3A_151 : vector<16xi1>
        %or3A_153 = arith.ori %gt3A_149, %and3A_152 : vector<16xi1>
        %swap3A_154 = arith.index_cast %add3A_138 : i32 to index
        %swap3A_155 = tpu.vector_load %arg14[%swap3A_154] masked %or3A_153 {strides = array<i32>} : memref<384xf32, #tpu.memory_space<vmem>>, vector<16xf32>, vector<16xi1>
        tpu.vector_store %arg14[%swap3A_154], %get3A_141 masked %or3A_153 {strides = array<i32>} : memref<384xf32, #tpu.memory_space<vmem>>, vector<16xf32>, vector<16xi1>
        %swap3A_156 = arith.index_cast %add3A_138 : i32 to index
        %swap3A_157 = tpu.vector_load %arg15[%swap3A_156] masked %or3A_153 {strides = array<i32>} : memref<384xi32, #tpu.memory_space<vmem>>, vector<16xi32>, vector<16xi1>
        tpu.vector_store %arg15[%swap3A_156], %add3A_148 masked %or3A_153 {strides = array<i32>} : memref<384xi32, #tpu.memory_space<vmem>>, vector<16xi32>, vector<16xi1>
        %jit3A_158 = arith.constant 80 : i32
        %div3A_159 = vector.broadcast %jit3A_158 : i32 to vector<16xi32>
        %div3A_160 = arith.divsi %add3A_148, %div3A_159 : vector<16xi32>
        %sign3A_161 = arith.constant 0 : i32
        %sign3A_162 = vector.broadcast %sign3A_161 : i32 to vector<16xi32>
        %sign3A_163 = arith.cmpi sgt, %add3A_148, %sign3A_162 : vector<16xi32>
        %sign3A_164 = arith.extui %sign3A_163 : vector<16xi1> to vector<16xi32>
        %sign3A_165 = arith.constant 0 : i32
        %sign3A_166 = vector.broadcast %sign3A_165 : i32 to vector<16xi32>
        %sign3A_167 = arith.cmpi slt, %add3A_148, %sign3A_166 : vector<16xi32>
        %sign3A_168 = arith.extui %sign3A_167 : vector<16xi1> to vector<16xi32>
        %sign3A_169 = arith.subi %sign3A_164, %sign3A_168 : vector<16xi32>
        %sign3A_170 = arith.constant 0 : i32
        %sign3A_171 = arith.cmpi sgt, %jit3A_158, %sign3A_170 : i32
        %sign3A_172 = arith.extui %sign3A_171 : i1 to i32
        %sign3A_173 = arith.constant 0 : i32
        %sign3A_174 = arith.cmpi slt, %jit3A_158, %sign3A_173 : i32
        %sign3A_175 = arith.extui %sign3A_174 : i1 to i32
        %sign3A_176 = arith.subi %sign3A_172, %sign3A_175 : i32
        %ne3A_177 = vector.broadcast %sign3A_176 : i32 to vector<16xi32>
        %ne3A_178 = arith.cmpi ne, %sign3A_169, %ne3A_177 : vector<16xi32>
        %rem3A_179 = vector.broadcast %jit3A_158 : i32 to vector<16xi32>
        %rem3A_180 = arith.remsi %add3A_148, %rem3A_179 : vector<16xi32>
        %ne3A_181 = arith.constant 0 : i32
        %ne3A_182 = vector.broadcast %ne3A_181 : i32 to vector<16xi32>
        %ne3A_183 = arith.cmpi ne, %rem3A_180, %ne3A_182 : vector<16xi32>
        %and3A_184 = arith.andi %ne3A_178, %ne3A_183 : vector<16xi1>
        %sub3A_185 = arith.constant 1 : i32
        %sub3A_186 = vector.broadcast %sub3A_185 : i32 to vector<16xi32>
        %sub3A_187 = arith.subi %div3A_160, %sub3A_186 : vector<16xi32>
        %select_n3A_188 = arith.select %and3A_184, %sub3A_187, %div3A_160 : vector<16xi1>, vector<16xi32>
        %swap3A_189 = arith.index_cast %add3A_138 : i32 to index
        %swap3A_190 = tpu.vector_load %arg16[%swap3A_189] masked %or3A_153 {strides = array<i32>} : memref<384xi32, #tpu.memory_space<vmem>>, vector<16xi32>, vector<16xi1>
        tpu.vector_store %arg16[%swap3A_189], %select_n3A_188 masked %or3A_153 {strides = array<i32>} : memref<384xi32, #tpu.memory_space<vmem>>, vector<16xi32>, vector<16xi1>
        %all_reduce_population_count3A_191 = tpu.all_reduce %or3A_153 {dim = 0 : i64, kind = #tpu.reduction_kind<sum>} : vector<16xi1> -> vector<16xi32>
        %reduce_max3A_192 = arith.constant true
        %reduce_max3A_193 = vector.broadcast %reduce_max3A_192 : i1 to vector<16xi1>
        %reduce_max3A_194 = arith.constant -2147483648 : i32
        %reduce_max3A_195 = vector.broadcast %reduce_max3A_194 : i32 to vector<16xi32>
        %reduce_max3A_196 = arith.xori %all_reduce_population_count3A_191, %reduce_max3A_195 : vector<16xi32>
        %reduce_max3A_197 = tpu.scan <max>, %reduce_max3A_196 masked %reduce_max3A_193 : vector<16xi32>, vector<16xi1> -> vector<16xi32>
        %reduce_max3A_198 = arith.xori %reduce_max3A_197, %reduce_max3A_195 : vector<16xi32>
        %reduce_max3A_199 = vector.extract %reduce_max3A_198[15] : i32 from vector<16xi32>
        %add3A_200 = arith.addi %add3A_138, %reduce_max3A_199 : i32
        %get3A_201 = arith.index_cast %scan3A_28 : i32 to index
        %get3A_202 = arith.constant 48 : index
        %get3A_203 = tpu.vector_load %arg10[%get3A_201, %get3A_202] {strides = array<i32>} : memref<384x80xf32, #tpu.memory_space<vmem>>, vector<16xf32>,
        %mul3A_204 = arith.constant 80 : i32
        %mul3A_205 = vector.broadcast %mul3A_204 : i32 to vector<16xi32>
        %mul3A_206 = arith.muli %gather3A, %mul3A_205 : vector<16xi32>
        %add3A_207 = arith.constant 48 : i32
        %add3A_208 = vector.broadcast %add3A_207 : i32 to vector<16xi32>
        %add3A_209 = arith.addi %add3A_208, %iota3A : vector<16xi32>
        %add3A_210 = arith.addi %mul3A_206, %add3A_209 : vector<16xi32>
        %gt3A_211 = arith.cmpf ogt, %get3A_203, %get3A_5 : vector<16xf32>
        %eq3A_212 = arith.cmpf oeq, %get3A_203, %get3A_5 : vector<16xf32>
        %le3A_213 = arith.cmpi sle, %add3A_210, %get3A_9 : vector<16xi32>
        %and3A_214 = arith.andi %eq3A_212, %le3A_213 : vector<16xi1>
        %or3A_215 = arith.ori %gt3A_211, %and3A_214 : vector<16xi1>
        %swap3A_216 = arith.index_cast %add3A_200 : i32 to index
        %swap3A_217 = tpu.vector_load %arg14[%swap3A_216] masked %or3A_215 {strides = array<i32>} : memref<384xf32, #tpu.memory_space<vmem>>, vector<16xf32>, vector<16xi1>
        tpu.vector_store %arg14[%swap3A_216], %get3A_203 masked %or3A_215 {strides = array<i32>} : memref<384xf32, #tpu.memory_space<vmem>>, vector<16xf32>, vector<16xi1>
        %swap3A_218 = arith.index_cast %add3A_200 : i32 to index
        %swap3A_219 = tpu.vector_load %arg15[%swap3A_218] masked %or3A_215 {strides = array<i32>} : memref<384xi32, #tpu.memory_space<vmem>>, vector<16xi32>, vector<16xi1>
        tpu.vector_store %arg15[%swap3A_218], %add3A_210 masked %or3A_215 {strides = array<i32>} : memref<384xi32, #tpu.memory_space<vmem>>, vector<16xi32>, vector<16xi1>
        %jit3A_220 = arith.constant 80 : i32
        %div3A_221 = vector.broadcast %jit3A_220 : i32 to vector<16xi32>
        %div3A_222 = arith.divsi %add3A_210, %div3A_221 : vector<16xi32>
        %sign3A_223 = arith.constant 0 : i32
        %sign3A_224 = vector.broadcast %sign3A_223 : i32 to vector<16xi32>
        %sign3A_225 = arith.cmpi sgt, %add3A_210, %sign3A_224 : vector<16xi32>
        %sign3A_226 = arith.extui %sign3A_225 : vector<16xi1> to vector<16xi32>
        %sign3A_227 = arith.constant 0 : i32
        %sign3A_228 = vector.broadcast %sign3A_227 : i32 to vector<16xi32>
        %sign3A_229 = arith.cmpi slt, %add3A_210, %sign3A_228 : vector<16xi32>
        %sign3A_230 = arith.extui %sign3A_229 : vector<16xi1> to vector<16xi32>
        %sign3A_231 = arith.subi %sign3A_226, %sign3A_230 : vector<16xi32>
        %sign3A_232 = arith.constant 0 : i32
        %sign3A_233 = arith.cmpi sgt, %jit3A_220, %sign3A_232 : i32
        %sign3A_234 = arith.extui %sign3A_233 : i1 to i32
        %sign3A_235 = arith.constant 0 : i32
        %sign3A_236 = arith.cmpi slt, %jit3A_220, %sign3A_235 : i32
        %sign3A_237 = arith.extui %sign3A_236 : i1 to i32
        %sign3A_238 = arith.subi %sign3A_234, %sign3A_237 : i32
        %ne3A_239 = vector.broadcast %sign3A_238 : i32 to vector<16xi32>
        %ne3A_240 = arith.cmpi ne, %sign3A_231, %ne3A_239 : vector<16xi32>
        %rem3A_241 = vector.broadcast %jit3A_220 : i32 to vector<16xi32>
        %rem3A_242 = arith.remsi %add3A_210, %rem3A_241 : vector<16xi32>
        %ne3A_243 = arith.constant 0 : i32
        %ne3A_244 = vector.broadcast %ne3A_243 : i32 to vector<16xi32>
        %ne3A_245 = arith.cmpi ne, %rem3A_242, %ne3A_244 : vector<16xi32>
        %and3A_246 = arith.andi %ne3A_240, %ne3A_245 : vector<16xi1>
        %sub3A_247 = arith.constant 1 : i32
        %sub3A_248 = vector.broadcast %sub3A_247 : i32 to vector<16xi32>
        %sub3A_249 = arith.subi %div3A_222, %sub3A_248 : vector<16xi32>
        %select_n3A_250 = arith.select %and3A_246, %sub3A_249, %div3A_222 : vector<16xi1>, vector<16xi32>
        %swap3A_251 = arith.index_cast %add3A_200 : i32 to index
        %swap3A_252 = tpu.vector_load %arg16[%swap3A_251] masked %or3A_215 {strides = array<i32>} : memref<384xi32, #tpu.memory_space<vmem>>, vector<16xi32>, vector<16xi1>
        tpu.vector_store %arg16[%swap3A_251], %select_n3A_250 masked %or3A_215 {strides = array<i32>} : memref<384xi32, #tpu.memory_space<vmem>>, vector<16xi32>, vector<16xi1>
        %all_reduce_population_count3A_253 = tpu.all_reduce %or3A_215 {dim = 0 : i64, kind = #tpu.reduction_kind<sum>} : vector<16xi1> -> vector<16xi32>
        %reduce_max3A_254 = arith.constant true
        %reduce_max3A_255 = vector.broadcast %reduce_max3A_254 : i1 to vector<16xi1>
        %reduce_max3A_256 = arith.constant -2147483648 : i32
        %reduce_max3A_257 = vector.broadcast %reduce_max3A_256 : i32 to vector<16xi32>
        %reduce_max3A_258 = arith.xori %all_reduce_population_count3A_253, %reduce_max3A_257 : vector<16xi32>
        %reduce_max3A_259 = tpu.scan <max>, %reduce_max3A_258 masked %reduce_max3A_255 : vector<16xi32>, vector<16xi1> -> vector<16xi32>
        %reduce_max3A_260 = arith.xori %reduce_max3A_259, %reduce_max3A_257 : vector<16xi32>
        %reduce_max3A_261 = vector.extract %reduce_max3A_260[15] : i32 from vector<16xi32>
        %add3A_262 = arith.addi %add3A_200, %reduce_max3A_261 : i32
        %get3A_263 = arith.index_cast %scan3A_28 : i32 to index
        %get3A_264 = arith.constant 64 : index
        %get3A_265 = tpu.vector_load %arg10[%get3A_263, %get3A_264] {strides = array<i32>} : memref<384x80xf32, #tpu.memory_space<vmem>>, vector<16xf32>,
        %mul3A_266 = arith.constant 80 : i32
        %mul3A_267 = vector.broadcast %mul3A_266 : i32 to vector<16xi32>
        %mul3A_268 = arith.muli %gather3A, %mul3A_267 : vector<16xi32>
        %add3A_269 = arith.constant 64 : i32
        %add3A_270 = vector.broadcast %add3A_269 : i32 to vector<16xi32>
        %add3A_271 = arith.addi %add3A_270, %iota3A : vector<16xi32>
        %add3A_272 = arith.addi %mul3A_268, %add3A_271 : vector<16xi32>
        %gt3A_273 = arith.cmpf ogt, %get3A_265, %get3A_5 : vector<16xf32>
        %eq3A_274 = arith.cmpf oeq, %get3A_265, %get3A_5 : vector<16xf32>
        %le3A_275 = arith.cmpi sle, %add3A_272, %get3A_9 : vector<16xi32>
        %and3A_276 = arith.andi %eq3A_274, %le3A_275 : vector<16xi1>
        %or3A_277 = arith.ori %gt3A_273, %and3A_276 : vector<16xi1>
        %swap3A_278 = arith.index_cast %add3A_262 : i32 to index
        %swap3A_279 = tpu.vector_load %arg14[%swap3A_278] masked %or3A_277 {strides = array<i32>} : memref<384xf32, #tpu.memory_space<vmem>>, vector<16xf32>, vector<16xi1>
        tpu.vector_store %arg14[%swap3A_278], %get3A_265 masked %or3A_277 {strides = array<i32>} : memref<384xf32, #tpu.memory_space<vmem>>, vector<16xf32>, vector<16xi1>
        %swap3A_280 = arith.index_cast %add3A_262 : i32 to index
        %swap3A_281 = tpu.vector_load %arg15[%swap3A_280] masked %or3A_277 {strides = array<i32>} : memref<384xi32, #tpu.memory_space<vmem>>, vector<16xi32>, vector<16xi1>
        tpu.vector_store %arg15[%swap3A_280], %add3A_272 masked %or3A_277 {strides = array<i32>} : memref<384xi32, #tpu.memory_space<vmem>>, vector<16xi32>, vector<16xi1>
        %jit3A_282 = arith.constant 80 : i32
        %div3A_283 = vector.broadcast %jit3A_282 : i32 to vector<16xi32>
        %div3A_284 = arith.divsi %add3A_272, %div3A_283 : vector<16xi32>
        %sign3A_285 = arith.constant 0 : i32
        %sign3A_286 = vector.broadcast %sign3A_285 : i32 to vector<16xi32>
        %sign3A_287 = arith.cmpi sgt, %add3A_272, %sign3A_286 : vector<16xi32>
        %sign3A_288 = arith.extui %sign3A_287 : vector<16xi1> to vector<16xi32>
        %sign3A_289 = arith.constant 0 : i32
        %sign3A_290 = vector.broadcast %sign3A_289 : i32 to vector<16xi32>
        %sign3A_291 = arith.cmpi slt, %add3A_272, %sign3A_290 : vector<16xi32>
        %sign3A_292 = arith.extui %sign3A_291 : vector<16xi1> to vector<16xi32>
        %sign3A_293 = arith.subi %sign3A_288, %sign3A_292 : vector<16xi32>
        %sign3A_294 = arith.constant 0 : i32
        %sign3A_295 = arith.cmpi sgt, %jit3A_282, %sign3A_294 : i32
        %sign3A_296 = arith.extui %sign3A_295 : i1 to i32
        %sign3A_297 = arith.constant 0 : i32
        %sign3A_298 = arith.cmpi slt, %jit3A_282, %sign3A_297 : i32
        %sign3A_299 = arith.extui %sign3A_298 : i1 to i32
        %sign3A_300 = arith.subi %sign3A_296, %sign3A_299 : i32
        %ne3A_301 = vector.broadcast %sign3A_300 : i32 to vector<16xi32>
        %ne3A_302 = arith.cmpi ne, %sign3A_293, %ne3A_301 : vector<16xi32>
        %rem3A_303 = vector.broadcast %jit3A_282 : i32 to vector<16xi32>
        %rem3A_304 = arith.remsi %add3A_272, %rem3A_303 : vector<16xi32>
        %ne3A_305 = arith.constant 0 : i32
        %ne3A_306 = vector.broadcast %ne3A_305 : i32 to vector<16xi32>
        %ne3A_307 = arith.cmpi ne, %rem3A_304, %ne3A_306 : vector<16xi32>
        %and3A_308 = arith.andi %ne3A_302, %ne3A_307 : vector<16xi1>
        %sub3A_309 = arith.constant 1 : i32
        %sub3A_310 = vector.broadcast %sub3A_309 : i32 to vector<16xi32>
        %sub3A_311 = arith.subi %div3A_284, %sub3A_310 : vector<16xi32>
        %select_n3A_312 = arith.select %and3A_308, %sub3A_311, %div3A_284 : vector<16xi1>, vector<16xi32>
        %swap3A_313 = arith.index_cast %add3A_262 : i32 to index
        %swap3A_314 = tpu.vector_load %arg16[%swap3A_313] masked %or3A_277 {strides = array<i32>} : memref<384xi32, #tpu.memory_space<vmem>>, vector<16xi32>, vector<16xi1>
        tpu.vector_store %arg16[%swap3A_313], %select_n3A_312 masked %or3A_277 {strides = array<i32>} : memref<384xi32, #tpu.memory_space<vmem>>, vector<16xi32>, vector<16xi1>
        %all_reduce_population_count3A_315 = tpu.all_reduce %or3A_277 {dim = 0 : i64, kind = #tpu.reduction_kind<sum>} : vector<16xi1> -> vector<16xi32>
        %reduce_max3A_316 = arith.constant true
        %reduce_max3A_317 = vector.broadcast %reduce_max3A_316 : i1 to vector<16xi1>
        %reduce_max3A_318 = arith.constant -2147483648 : i32
        %reduce_max3A_319 = vector.broadcast %reduce_max3A_318 : i32 to vector<16xi32>
        %reduce_max3A_320 = arith.xori %all_reduce_population_count3A_315, %reduce_max3A_319 : vector<16xi32>
        %reduce_max3A_321 = tpu.scan <max>, %reduce_max3A_320 masked %reduce_max3A_317 : vector<16xi32>, vector<16xi1> -> vector<16xi32>
        %reduce_max3A_322 = arith.xori %reduce_max3A_321, %reduce_max3A_319 : vector<16xi32>
        %reduce_max3A_323 = vector.extract %reduce_max3A_322[15] : i32 from vector<16xi32>
        %add3A_324 = arith.addi %add3A_262, %reduce_max3A_323 : i32
        scf.yield %add3A_324 : i32
      }
      %scan3A_21 = arith.constant 300 : i32
      %scan3A_22 = arith.constant 0 : i32
      %scan3A_23 = arith.constant 0 : i32
      %scan3A_24 = arith.constant 96 : i32
      %scan3A_25 = arith.addi %scan3A_23, %scan3A_24 : i32
      %scan3A_26 = arith.constant 1 : i32
      scf.for %scan3A_28 = %scan3A_23 to %scan3A_25 step %scan3A_26  : i32 {
        %mul3A_29 = arith.constant 16 : i32
        %mul3A_30 = arith.muli %scan3A_28, %mul3A_29 : i32
        %add3A_31 = vector.broadcast %mul3A_30 : i32 to vector<16xi32>
        %add3A_32 = arith.addi %add3A_31, %iota3A : vector<16xi32>
        %shift_right_arithmetic3A = arith.constant 2 : i32
        %shift_right_arithmetic3A_33 = vector.broadcast %shift_right_arithmetic3A : i32 to vector<16xi32>
        %shift_right_arithmetic3A_34 = arith.shrsi %add3A_32, %shift_right_arithmetic3A_33 : vector<16xi32>
        %and3A = arith.constant 3 : i32
        %and3A_35 = vector.broadcast %and3A : i32 to vector<16xi32>
        %and3A_36 = arith.andi %add3A_32, %and3A_35 : vector<16xi32>
        %gather3A = tpu.vector_load_idx %arg16[%shift_right_arithmetic3A_34] : memref<384xi32, #tpu.memory_space<vmem>>[vector<16xi32>], vector<16xi32>,
        %mul3A_37 = arith.constant 4 : i32
        %mul3A_38 = vector.broadcast %mul3A_37 : i32 to vector<16xi32>
        %mul3A_39 = arith.muli %gather3A, %mul3A_38 : vector<16xi32>
        %add3A_40 = arith.addi %mul3A_39, %and3A_36 : vector<16xi32>
        %gather3A_41 = tpu.vector_load_idx %arg17[%add3A_40] : memref<80000xf32, #tpu.memory_space<vmem>>[vector<16xi32>], vector<16xf32>,
        %mul3A_42 = arith.constant 16 : i32
        %mul3A_43 = arith.muli %scan3A_28, %mul3A_42 : i32
        %swap3A = arith.index_cast %mul3A_43 : i32 to index
        %swap3A_44 = tpu.vector_load %arg18[%swap3A] {strides = array<i32>} : memref<1536xf32, #tpu.memory_space<vmem>>, vector<16xf32>,
        tpu.vector_store %arg18[%swap3A], %gather3A_41 {strides = array<i32>} : memref<1536xf32, #tpu.memory_space<vmem>>, vector<16xf32>,
      }
      %scan3A_27 = arith.constant 96 : i32
      "tpu.region"() ({
        %run_scoped3A = tpu.sem_alloc : memref<!tpu.dma_semaphore, #tpu.memory_space<semaphore_mem>>
        %dma_start3A = arith.constant 0 : i32
        %dma_start3A_28 = tpu.memref_slice %arg7[%add3A, %dma_start3A] : memref<16x384xf32, #tpu.memory_space<hbm>> -> memref<1x384xf32, #tpu.memory_space<hbm>>
        %dma_start3A_29 = tpu.memref_squeeze %dma_start3A_28 : memref<1x384xf32, #tpu.memory_space<hbm>> -> memref<384xf32, #tpu.memory_space<hbm>>
        %dma_start3A_30 = arith.constant 0 : i32
        %dma_start3A_31 = tpu.memref_slice %arg7[%add3A, %dma_start3A_30] : memref<16x384xf32, #tpu.memory_space<hbm>> -> memref<1x384xf32, #tpu.memory_space<hbm>>
        %dma_start3A_32 = tpu.memref_squeeze %dma_start3A_31 : memref<1x384xf32, #tpu.memory_space<hbm>> -> memref<384xf32, #tpu.memory_space<hbm>>
        tpu.enqueue_dma source(%arg14 : memref<384xf32, #tpu.memory_space<vmem>>) target(%dma_start3A_32 : memref<384xf32, #tpu.memory_space<hbm>>) target_semaphore(%run_scoped3A : memref<!tpu.dma_semaphore, #tpu.memory_space<semaphore_mem>>)
        %dma_wait3A = arith.constant 0 : i32
        %dma_wait3A_33 = tpu.memref_slice %arg7[%add3A, %dma_wait3A] : memref<16x384xf32, #tpu.memory_space<hbm>> -> memref<1x384xf32, #tpu.memory_space<hbm>>
        %dma_wait3A_34 = tpu.memref_squeeze %dma_wait3A_33 : memref<1x384xf32, #tpu.memory_space<hbm>> -> memref<384xf32, #tpu.memory_space<hbm>>
        %dma_wait3A_35 = arith.constant 0 : i32
        %dma_wait3A_36 = tpu.memref_slice %arg7[%add3A, %dma_wait3A_35] : memref<16x384xf32, #tpu.memory_space<hbm>> -> memref<1x384xf32, #tpu.memory_space<hbm>>
        %dma_wait3A_37 = tpu.memref_squeeze %dma_wait3A_36 : memref<1x384xf32, #tpu.memory_space<hbm>> -> memref<384xf32, #tpu.memory_space<hbm>>
        tpu.wait_dma2 semaphore(%run_scoped3A : memref<!tpu.dma_semaphore, #tpu.memory_space<semaphore_mem>>) src(%arg14 : memref<384xf32, #tpu.memory_space<vmem>>) dst(%dma_wait3A_37 : memref<384xf32, #tpu.memory_space<hbm>>)
        tpu.yield
      }) : () -> ()
      "tpu.region"() ({
        %run_scoped3A = tpu.sem_alloc : memref<!tpu.dma_semaphore, #tpu.memory_space<semaphore_mem>>
        %dma_start3A = arith.constant 0 : i32
        %dma_start3A_28 = tpu.memref_slice %arg8[%add3A, %dma_start3A] : memref<16x384xi32, #tpu.memory_space<hbm>> -> memref<1x384xi32, #tpu.memory_space<hbm>>
        %dma_start3A_29 = tpu.memref_squeeze %dma_start3A_28 : memref<1x384xi32, #tpu.memory_space<hbm>> -> memref<384xi32, #tpu.memory_space<hbm>>
        %dma_start3A_30 = arith.constant 0 : i32
        %dma_start3A_31 = tpu.memref_slice %arg8[%add3A, %dma_start3A_30] : memref<16x384xi32, #tpu.memory_space<hbm>> -> memref<1x384xi32, #tpu.memory_space<hbm>>
        %dma_start3A_32 = tpu.memref_squeeze %dma_start3A_31 : memref<1x384xi32, #tpu.memory_space<hbm>> -> memref<384xi32, #tpu.memory_space<hbm>>
        tpu.enqueue_dma source(%arg15 : memref<384xi32, #tpu.memory_space<vmem>>) target(%dma_start3A_32 : memref<384xi32, #tpu.memory_space<hbm>>) target_semaphore(%run_scoped3A : memref<!tpu.dma_semaphore, #tpu.memory_space<semaphore_mem>>)
        %dma_wait3A = arith.constant 0 : i32
        %dma_wait3A_33 = tpu.memref_slice %arg8[%add3A, %dma_wait3A] : memref<16x384xi32, #tpu.memory_space<hbm>> -> memref<1x384xi32, #tpu.memory_space<hbm>>
        %dma_wait3A_34 = tpu.memref_squeeze %dma_wait3A_33 : memref<1x384xi32, #tpu.memory_space<hbm>> -> memref<384xi32, #tpu.memory_space<hbm>>
        %dma_wait3A_35 = arith.constant 0 : i32
        %dma_wait3A_36 = tpu.memref_slice %arg8[%add3A, %dma_wait3A_35] : memref<16x384xi32, #tpu.memory_space<hbm>> -> memref<1x384xi32, #tpu.memory_space<hbm>>
        %dma_wait3A_37 = tpu.memref_squeeze %dma_wait3A_36 : memref<1x384xi32, #tpu.memory_space<hbm>> -> memref<384xi32, #tpu.memory_space<hbm>>
        tpu.wait_dma2 semaphore(%run_scoped3A : memref<!tpu.dma_semaphore, #tpu.memory_space<semaphore_mem>>) src(%arg15 : memref<384xi32, #tpu.memory_space<vmem>>) dst(%dma_wait3A_37 : memref<384xi32, #tpu.memory_space<hbm>>)
        tpu.yield
      }) : () -> ()
      "tpu.region"() ({
        %run_scoped3A = tpu.sem_alloc : memref<!tpu.dma_semaphore, #tpu.memory_space<semaphore_mem>>
        %dma_start3A = arith.constant 0 : i32
        %dma_start3A_28 = tpu.memref_slice %arg9[%add3A, %dma_start3A] : memref<16x1536xf32, #tpu.memory_space<hbm>> -> memref<1x1536xf32, #tpu.memory_space<hbm>>
        %dma_start3A_29 = tpu.memref_squeeze %dma_start3A_28 : memref<1x1536xf32, #tpu.memory_space<hbm>> -> memref<1536xf32, #tpu.memory_space<hbm>>
        %dma_start3A_30 = arith.constant 0 : i32
        %dma_start3A_31 = tpu.memref_slice %arg9[%add3A, %dma_start3A_30] : memref<16x1536xf32, #tpu.memory_space<hbm>> -> memref<1x1536xf32, #tpu.memory_space<hbm>>
        %dma_start3A_32 = tpu.memref_squeeze %dma_start3A_31 : memref<1x1536xf32, #tpu.memory_space<hbm>> -> memref<1536xf32, #tpu.memory_space<hbm>>
        tpu.enqueue_dma source(%arg18 : memref<1536xf32, #tpu.memory_space<vmem>>) target(%dma_start3A_32 : memref<1536xf32, #tpu.memory_space<hbm>>) target_semaphore(%run_scoped3A : memref<!tpu.dma_semaphore, #tpu.memory_space<semaphore_mem>>)
        %dma_wait3A = arith.constant 0 : i32
        %dma_wait3A_33 = tpu.memref_slice %arg9[%add3A, %dma_wait3A] : memref<16x1536xf32, #tpu.memory_space<hbm>> -> memref<1x1536xf32, #tpu.memory_space<hbm>>
        %dma_wait3A_34 = tpu.memref_squeeze %dma_wait3A_33 : memref<1x1536xf32, #tpu.memory_space<hbm>> -> memref<1536xf32, #tpu.memory_space<hbm>>
        %dma_wait3A_35 = arith.constant 0 : i32
        %dma_wait3A_36 = tpu.memref_slice %arg9[%add3A, %dma_wait3A_35] : memref<16x1536xf32, #tpu.memory_space<hbm>> -> memref<1x1536xf32, #tpu.memory_space<hbm>>
        %dma_wait3A_37 = tpu.memref_squeeze %dma_wait3A_36 : memref<1x1536xf32, #tpu.memory_space<hbm>> -> memref<1536xf32, #tpu.memory_space<hbm>>
        tpu.wait_dma2 semaphore(%run_scoped3A : memref<!tpu.dma_semaphore, #tpu.memory_space<semaphore_mem>>) src(%arg18 : memref<1536xf32, #tpu.memory_space<vmem>>) dst(%dma_wait3A_37 : memref<1536xf32, #tpu.memory_space<hbm>>)
        tpu.yield
      }) : () -> ()
    } else {
    }
    return
  }
}

#map = affine_map<(d0, d1) -> (0, 0)>
#map1 = affine_map<(d0, d1) -> (0, 0, 0)>
module attributes {stable_mosaic.version = 14 : i64} {
  func.func @_stage2_sc_body(%arg0: i32, %arg1: i32, %arg2: memref<320000x80xf32, #tpu.memory_space<hbm>>, %arg3: memref<16x20000xf32, #tpu.memory_space<hbm>>, %arg4: memref<16x1x16xf32, #tpu.memory_space<hbm>>, %arg5: memref<16x1x16xi32, #tpu.memory_space<hbm>>, %arg6: memref<16x384x80xf32, #tpu.memory_space<hbm>>, %arg7: memref<16x384xi32, #tpu.memory_space<hbm>>, %arg8: memref<20000xf32, #tpu.memory_space<vmem>>, %arg9: memref<1x16xf32, #tpu.memory_space<vmem>>, %arg10: memref<1x16xi32, #tpu.memory_space<vmem>>, %arg11: memref<384xi32, #tpu.memory_space<vmem>>, %arg12: memref<384xi32, #tpu.memory_space<vmem>>, %arg13: memref<384x80xf32, #tpu.memory_space<vmem>>, %arg14: memref<!tpu.dma_semaphore, #tpu.memory_space<semaphore_mem>>) attributes {dimension_semantics = [#tpu.dimension_semantics<core_parallel>, #tpu.dimension_semantics<subcore_parallel>], iteration_bounds = array<i64: 2, 16>, scalar_prefetch = 0 : i64, scratch_operands = 7 : i64, tpu.core_type = #tpu.core_type<sc_vector_subcore>, window_params = [{transform_indices = #map}, {transform_indices = #map}, {transform_indices = #map1}, {transform_indices = #map1}, {transform_indices = #map1}, {transform_indices = #map}]} {
    %mul3A = arith.constant 2 : i32
    %mul3A_0 = arith.muli %arg1, %mul3A : i32
    %add3A = arith.addi %mul3A_0, %arg0 : i32
    %lt3A = arith.constant 16 : i32
    %lt3A_1 = arith.cmpi slt, %add3A, %lt3A : i32
    %convert_element_type3A = arith.extui %lt3A_1 : i1 to i32
    %cond3A = arith.constant 0 : i32
    %cond3A_2 = arith.cmpi ne, %convert_element_type3A, %cond3A : i32
    scf.if %cond3A_2 {
      "tpu.region"() ({
        %run_scoped3A = tpu.sem_alloc : memref<!tpu.dma_semaphore, #tpu.memory_space<semaphore_mem>>
        %dma_start3A_68 = arith.constant 0 : i32
        %dma_start3A_69 = tpu.memref_slice %arg3[%add3A, %dma_start3A_68] : memref<16x20000xf32, #tpu.memory_space<hbm>> -> memref<1x20000xf32, #tpu.memory_space<hbm>>
        %dma_start3A_70 = tpu.memref_squeeze %dma_start3A_69 : memref<1x20000xf32, #tpu.memory_space<hbm>> -> memref<20000xf32, #tpu.memory_space<hbm>>
        %dma_start3A_71 = arith.constant 0 : i32
        %dma_start3A_72 = tpu.memref_slice %arg3[%add3A, %dma_start3A_71] : memref<16x20000xf32, #tpu.memory_space<hbm>> -> memref<1x20000xf32, #tpu.memory_space<hbm>>
        %dma_start3A_73 = tpu.memref_squeeze %dma_start3A_72 : memref<1x20000xf32, #tpu.memory_space<hbm>> -> memref<20000xf32, #tpu.memory_space<hbm>>
        tpu.enqueue_dma source(%dma_start3A_73 : memref<20000xf32, #tpu.memory_space<hbm>>) target(%arg8 : memref<20000xf32, #tpu.memory_space<vmem>>) target_semaphore(%run_scoped3A : memref<!tpu.dma_semaphore, #tpu.memory_space<semaphore_mem>>)
        %dma_wait3A_74 = arith.constant 0 : i32
        %dma_wait3A_75 = tpu.memref_slice %arg3[%add3A, %dma_wait3A_74] : memref<16x20000xf32, #tpu.memory_space<hbm>> -> memref<1x20000xf32, #tpu.memory_space<hbm>>
        %dma_wait3A_76 = tpu.memref_squeeze %dma_wait3A_75 : memref<1x20000xf32, #tpu.memory_space<hbm>> -> memref<20000xf32, #tpu.memory_space<hbm>>
        %dma_wait3A_77 = arith.constant 0 : i32
        %dma_wait3A_78 = tpu.memref_slice %arg3[%add3A, %dma_wait3A_77] : memref<16x20000xf32, #tpu.memory_space<hbm>> -> memref<1x20000xf32, #tpu.memory_space<hbm>>
        %dma_wait3A_79 = tpu.memref_squeeze %dma_wait3A_78 : memref<1x20000xf32, #tpu.memory_space<hbm>> -> memref<20000xf32, #tpu.memory_space<hbm>>
        tpu.wait_dma2 semaphore(%run_scoped3A : memref<!tpu.dma_semaphore, #tpu.memory_space<semaphore_mem>>) src(%dma_wait3A_79 : memref<20000xf32, #tpu.memory_space<hbm>>) dst(%arg8 : memref<20000xf32, #tpu.memory_space<vmem>>)
        tpu.yield
      }) : () -> ()
      "tpu.region"() ({
        %run_scoped3A = tpu.sem_alloc : memref<!tpu.dma_semaphore, #tpu.memory_space<semaphore_mem>>
        %dma_start3A_68 = arith.constant 0 : i32
        %dma_start3A_69 = arith.constant 0 : i32
        %dma_start3A_70 = tpu.memref_slice %arg4[%add3A, %dma_start3A_68, %dma_start3A_69] : memref<16x1x16xf32, #tpu.memory_space<hbm>> -> memref<1x1x16xf32, #tpu.memory_space<hbm>>
        %dma_start3A_71 = tpu.memref_squeeze %dma_start3A_70 : memref<1x1x16xf32, #tpu.memory_space<hbm>> -> memref<1x16xf32, #tpu.memory_space<hbm>>
        %dma_start3A_72 = arith.constant 0 : i32
        %dma_start3A_73 = arith.constant 0 : i32
        %dma_start3A_74 = tpu.memref_slice %arg4[%add3A, %dma_start3A_72, %dma_start3A_73] : memref<16x1x16xf32, #tpu.memory_space<hbm>> -> memref<1x1x16xf32, #tpu.memory_space<hbm>>
        %dma_start3A_75 = tpu.memref_squeeze %dma_start3A_74 : memref<1x1x16xf32, #tpu.memory_space<hbm>> -> memref<1x16xf32, #tpu.memory_space<hbm>>
        tpu.enqueue_dma source(%dma_start3A_75 : memref<1x16xf32, #tpu.memory_space<hbm>>) target(%arg9 : memref<1x16xf32, #tpu.memory_space<vmem>>) target_semaphore(%run_scoped3A : memref<!tpu.dma_semaphore, #tpu.memory_space<semaphore_mem>>)
        %dma_wait3A_76 = arith.constant 0 : i32
        %dma_wait3A_77 = arith.constant 0 : i32
        %dma_wait3A_78 = tpu.memref_slice %arg4[%add3A, %dma_wait3A_76, %dma_wait3A_77] : memref<16x1x16xf32, #tpu.memory_space<hbm>> -> memref<1x1x16xf32, #tpu.memory_space<hbm>>
        %dma_wait3A_79 = tpu.memref_squeeze %dma_wait3A_78 : memref<1x1x16xf32, #tpu.memory_space<hbm>> -> memref<1x16xf32, #tpu.memory_space<hbm>>
        %dma_wait3A_80 = arith.constant 0 : i32
        %dma_wait3A_81 = arith.constant 0 : i32
        %dma_wait3A_82 = tpu.memref_slice %arg4[%add3A, %dma_wait3A_80, %dma_wait3A_81] : memref<16x1x16xf32, #tpu.memory_space<hbm>> -> memref<1x1x16xf32, #tpu.memory_space<hbm>>
        %dma_wait3A_83 = tpu.memref_squeeze %dma_wait3A_82 : memref<1x1x16xf32, #tpu.memory_space<hbm>> -> memref<1x16xf32, #tpu.memory_space<hbm>>
        tpu.wait_dma2 semaphore(%run_scoped3A : memref<!tpu.dma_semaphore, #tpu.memory_space<semaphore_mem>>) src(%dma_wait3A_83 : memref<1x16xf32, #tpu.memory_space<hbm>>) dst(%arg9 : memref<1x16xf32, #tpu.memory_space<vmem>>)
        tpu.yield
      }) : () -> ()
      "tpu.region"() ({
        %run_scoped3A = tpu.sem_alloc : memref<!tpu.dma_semaphore, #tpu.memory_space<semaphore_mem>>
        %dma_start3A_68 = arith.constant 0 : i32
        %dma_start3A_69 = arith.constant 0 : i32
        %dma_start3A_70 = tpu.memref_slice %arg5[%add3A, %dma_start3A_68, %dma_start3A_69] : memref<16x1x16xi32, #tpu.memory_space<hbm>> -> memref<1x1x16xi32, #tpu.memory_space<hbm>>
        %dma_start3A_71 = tpu.memref_squeeze %dma_start3A_70 : memref<1x1x16xi32, #tpu.memory_space<hbm>> -> memref<1x16xi32, #tpu.memory_space<hbm>>
        %dma_start3A_72 = arith.constant 0 : i32
        %dma_start3A_73 = arith.constant 0 : i32
        %dma_start3A_74 = tpu.memref_slice %arg5[%add3A, %dma_start3A_72, %dma_start3A_73] : memref<16x1x16xi32, #tpu.memory_space<hbm>> -> memref<1x1x16xi32, #tpu.memory_space<hbm>>
        %dma_start3A_75 = tpu.memref_squeeze %dma_start3A_74 : memref<1x1x16xi32, #tpu.memory_space<hbm>> -> memref<1x16xi32, #tpu.memory_space<hbm>>
        tpu.enqueue_dma source(%dma_start3A_75 : memref<1x16xi32, #tpu.memory_space<hbm>>) target(%arg10 : memref<1x16xi32, #tpu.memory_space<vmem>>) target_semaphore(%run_scoped3A : memref<!tpu.dma_semaphore, #tpu.memory_space<semaphore_mem>>)
        %dma_wait3A_76 = arith.constant 0 : i32
        %dma_wait3A_77 = arith.constant 0 : i32
        %dma_wait3A_78 = tpu.memref_slice %arg5[%add3A, %dma_wait3A_76, %dma_wait3A_77] : memref<16x1x16xi32, #tpu.memory_space<hbm>> -> memref<1x1x16xi32, #tpu.memory_space<hbm>>
        %dma_wait3A_79 = tpu.memref_squeeze %dma_wait3A_78 : memref<1x1x16xi32, #tpu.memory_space<hbm>> -> memref<1x16xi32, #tpu.memory_space<hbm>>
        %dma_wait3A_80 = arith.constant 0 : i32
        %dma_wait3A_81 = arith.constant 0 : i32
        %dma_wait3A_82 = tpu.memref_slice %arg5[%add3A, %dma_wait3A_80, %dma_wait3A_81] : memref<16x1x16xi32, #tpu.memory_space<hbm>> -> memref<1x1x16xi32, #tpu.memory_space<hbm>>
        %dma_wait3A_83 = tpu.memref_squeeze %dma_wait3A_82 : memref<1x1x16xi32, #tpu.memory_space<hbm>> -> memref<1x16xi32, #tpu.memory_space<hbm>>
        tpu.wait_dma2 semaphore(%run_scoped3A : memref<!tpu.dma_semaphore, #tpu.memory_space<semaphore_mem>>) src(%dma_wait3A_83 : memref<1x16xi32, #tpu.memory_space<hbm>>) dst(%arg10 : memref<1x16xi32, #tpu.memory_space<vmem>>)
        tpu.yield
      }) : () -> ()
      %get3A = arith.constant 0 : i32
      %get3A_3 = arith.index_cast %get3A : i32 to index
      %get3A_4 = arith.constant 0 : index
      %get3A_5 = tpu.vector_load %arg9[%get3A_3, %get3A_4] {strides = array<i32>} : memref<1x16xf32, #tpu.memory_space<vmem>>, vector<16xf32>,
      %get3A_6 = arith.constant 0 : i32
      %get3A_7 = arith.index_cast %get3A_6 : i32 to index
      %get3A_8 = arith.constant 0 : index
      %get3A_9 = tpu.vector_load %arg10[%get3A_7, %get3A_8] {strides = array<i32>} : memref<1x16xi32, #tpu.memory_space<vmem>>, vector<16xi32>,
      %scan3A = arith.constant 0 : i32
      %scan3A_10 = arith.constant 0 : i32
      %scan3A_11 = arith.constant 24 : i32
      %scan3A_12 = arith.addi %scan3A_10, %scan3A_11 : i32
      %scan3A_13 = arith.constant 1 : i32
      scf.for %scan3A_68 = %scan3A_10 to %scan3A_12 step %scan3A_13  : i32 {
        %broadcast_in_dim3A = arith.constant 0 : i32
        %broadcast_in_dim3A_69 = vector.broadcast %broadcast_in_dim3A : i32 to vector<16xi32>
        %mul3A_70 = arith.constant 16 : i32
        %mul3A_71 = arith.muli %scan3A_68, %mul3A_70 : i32
        %swap3A = arith.index_cast %mul3A_71 : i32 to index
        %swap3A_72 = tpu.vector_load %arg11[%swap3A] {strides = array<i32>} : memref<384xi32, #tpu.memory_space<vmem>>, vector<16xi32>,
        tpu.vector_store %arg11[%swap3A], %broadcast_in_dim3A_69 {strides = array<i32>} : memref<384xi32, #tpu.memory_space<vmem>>, vector<16xi32>,
        %mul3A_73 = arith.constant 16 : i32
        %mul3A_74 = arith.muli %scan3A_68, %mul3A_73 : i32
        %swap3A_75 = arith.index_cast %mul3A_74 : i32 to index
        %swap3A_76 = tpu.vector_load %arg12[%swap3A_75] {strides = array<i32>} : memref<384xi32, #tpu.memory_space<vmem>>, vector<16xi32>,
        tpu.vector_store %arg12[%swap3A_75], %broadcast_in_dim3A_69 {strides = array<i32>} : memref<384xi32, #tpu.memory_space<vmem>>, vector<16xi32>,
      }
      %scan3A_14 = arith.constant 24 : i32
      %iota3A = tpu.iota {dimensions = array<i32: 0>} : vector<16xi32>
      %scan3A_15 = arith.constant 0 : i32
      %scan3A_16 = arith.constant 0 : i32
      %scan3A_17 = arith.constant 1250 : i32
      %scan3A_18 = arith.addi %scan3A_16, %scan3A_17 : i32
      %scan3A_19 = arith.constant 1 : i32
      %scan3A_20 = scf.for %scan3A_68 = %scan3A_16 to %scan3A_18 step %scan3A_19 iter_args(%scan3A_69 = %scan3A_15) -> (i32)  : i32 {
        %mul3A_70 = arith.constant 16 : i32
        %mul3A_71 = arith.muli %scan3A_68, %mul3A_70 : i32
        %get3A_72 = arith.index_cast %mul3A_71 : i32 to index
        %get3A_73 = tpu.vector_load %arg8[%get3A_72] {strides = array<i32>} : memref<20000xf32, #tpu.memory_space<vmem>>, vector<16xf32>,
        %mul3A_74 = arith.constant 16 : i32
        %mul3A_75 = arith.muli %scan3A_68, %mul3A_74 : i32
        %add3A_76 = vector.broadcast %mul3A_75 : i32 to vector<16xi32>
        %add3A_77 = arith.addi %add3A_76, %iota3A : vector<16xi32>
        %gt3A = arith.cmpf ogt, %get3A_73, %get3A_5 : vector<16xf32>
        %eq3A = arith.cmpf oeq, %get3A_73, %get3A_5 : vector<16xf32>
        %le3A = arith.cmpi sle, %add3A_77, %get3A_9 : vector<16xi32>
        %and3A = arith.andi %eq3A, %le3A : vector<16xi1>
        %or3A = arith.ori %gt3A, %and3A : vector<16xi1>
        %swap3A = arith.index_cast %scan3A_69 : i32 to index
        %swap3A_78 = tpu.vector_load %arg11[%swap3A] masked %or3A {strides = array<i32>} : memref<384xi32, #tpu.memory_space<vmem>>, vector<16xi32>, vector<16xi1>
        tpu.vector_store %arg11[%swap3A], %add3A_77 masked %or3A {strides = array<i32>} : memref<384xi32, #tpu.memory_space<vmem>>, vector<16xi32>, vector<16xi1>
        %mul3A_79 = arith.constant 20000 : i32
        %mul3A_80 = arith.muli %add3A, %mul3A_79 : i32
        %add3A_81 = vector.broadcast %mul3A_80 : i32 to vector<16xi32>
        %add3A_82 = arith.addi %add3A_77, %add3A_81 : vector<16xi32>
        %swap3A_83 = arith.index_cast %scan3A_69 : i32 to index
        %swap3A_84 = tpu.vector_load %arg12[%swap3A_83] masked %or3A {strides = array<i32>} : memref<384xi32, #tpu.memory_space<vmem>>, vector<16xi32>, vector<16xi1>
        tpu.vector_store %arg12[%swap3A_83], %add3A_82 masked %or3A {strides = array<i32>} : memref<384xi32, #tpu.memory_space<vmem>>, vector<16xi32>, vector<16xi1>
        %all_reduce_population_count3A = tpu.all_reduce %or3A {dim = 0 : i64, kind = #tpu.reduction_kind<sum>} : vector<16xi1> -> vector<16xi32>
        %reduce_max3A = arith.constant true
        %reduce_max3A_85 = vector.broadcast %reduce_max3A : i1 to vector<16xi1>
        %reduce_max3A_86 = arith.constant -2147483648 : i32
        %reduce_max3A_87 = vector.broadcast %reduce_max3A_86 : i32 to vector<16xi32>
        %reduce_max3A_88 = arith.xori %all_reduce_population_count3A, %reduce_max3A_87 : vector<16xi32>
        %reduce_max3A_89 = tpu.scan <max>, %reduce_max3A_88 masked %reduce_max3A_85 : vector<16xi32>, vector<16xi1> -> vector<16xi32>
        %reduce_max3A_90 = arith.xori %reduce_max3A_89, %reduce_max3A_87 : vector<16xi32>
        %reduce_max3A_91 = vector.extract %reduce_max3A_90[15] : i32 from vector<16xi32>
        %add3A_92 = arith.addi %scan3A_69, %reduce_max3A_91 : i32
        scf.yield %add3A_92 : i32
      }
      %scan3A_21 = arith.constant 1250 : i32
      %dma_start3A = arith.constant 0 : i32
      %dma_start3A_22 = arith.constant 0 : i32
      %dma_start3A_23 = tpu.memref_slice %arg13[%dma_start3A, %dma_start3A_22] : memref<384x80xf32, #tpu.memory_space<vmem>> -> memref<128x80xf32, #tpu.memory_space<vmem>>
      %dma_start3A_24 = arith.constant 0 : i32
      %dma_start3A_25 = tpu.memref_slice %arg12[%dma_start3A_24] : memref<384xi32, #tpu.memory_space<vmem>> -> memref<128xi32, #tpu.memory_space<vmem>>
      %dma_start3A_26 = arith.constant 0 : i32
      %dma_start3A_27 = arith.constant 0 : i32
      %dma_start3A_28 = tpu.memref_slice %arg2[%dma_start3A_26, %dma_start3A_27] : memref<320000x80xf32, #tpu.memory_space<hbm>> -> memref<320000x80xf32, #tpu.memory_space<hbm>>
      tpu.enqueue_indirect_dma source(%dma_start3A_28 : memref<320000x80xf32, #tpu.memory_space<hbm>>) target(%dma_start3A_23 : memref<128x80xf32, #tpu.memory_space<vmem>>) offsets(%dma_start3A_25 : memref<128xi32, #tpu.memory_space<vmem>>) semaphore(%arg14 : memref<!tpu.dma_semaphore, #tpu.memory_space<semaphore_mem>>)
      %dma_wait3A = arith.constant 0 : i32
      %dma_wait3A_29 = arith.constant 0 : i32
      %dma_wait3A_30 = tpu.memref_slice %arg13[%dma_wait3A, %dma_wait3A_29] : memref<384x80xf32, #tpu.memory_space<vmem>> -> memref<128x80xf32, #tpu.memory_space<vmem>>
      %dma_wait3A_31 = arith.constant 0 : i32
      %dma_wait3A_32 = tpu.memref_slice %arg12[%dma_wait3A_31] : memref<384xi32, #tpu.memory_space<vmem>> -> memref<128xi32, #tpu.memory_space<vmem>>
      %dma_wait3A_33 = arith.constant 0 : i32
      %dma_wait3A_34 = arith.constant 0 : i32
      %dma_wait3A_35 = tpu.memref_slice %arg2[%dma_wait3A_33, %dma_wait3A_34] : memref<320000x80xf32, #tpu.memory_space<hbm>> -> memref<320000x80xf32, #tpu.memory_space<hbm>>
      tpu.wait_indirect_dma semaphore(%arg14 : memref<!tpu.dma_semaphore, #tpu.memory_space<semaphore_mem>>) src(%dma_wait3A_35 : memref<320000x80xf32, #tpu.memory_space<hbm>>) dst(%dma_wait3A_30 : memref<128x80xf32, #tpu.memory_space<vmem>>)
      %dma_start3A_36 = arith.constant 128 : i32
      %dma_start3A_37 = arith.constant 0 : i32
      %dma_start3A_38 = tpu.memref_slice %arg13[%dma_start3A_36, %dma_start3A_37] : memref<384x80xf32, #tpu.memory_space<vmem>> -> memref<128x80xf32, #tpu.memory_space<vmem>>
      %dma_start3A_39 = arith.constant 128 : i32
      %dma_start3A_40 = tpu.memref_slice %arg12[%dma_start3A_39] : memref<384xi32, #tpu.memory_space<vmem>> -> memref<128xi32, #tpu.memory_space<vmem>>
      %dma_start3A_41 = arith.constant 0 : i32
      %dma_start3A_42 = arith.constant 0 : i32
      %dma_start3A_43 = tpu.memref_slice %arg2[%dma_start3A_41, %dma_start3A_42] : memref<320000x80xf32, #tpu.memory_space<hbm>> -> memref<320000x80xf32, #tpu.memory_space<hbm>>
      tpu.enqueue_indirect_dma source(%dma_start3A_43 : memref<320000x80xf32, #tpu.memory_space<hbm>>) target(%dma_start3A_38 : memref<128x80xf32, #tpu.memory_space<vmem>>) offsets(%dma_start3A_40 : memref<128xi32, #tpu.memory_space<vmem>>) semaphore(%arg14 : memref<!tpu.dma_semaphore, #tpu.memory_space<semaphore_mem>>)
      %dma_wait3A_44 = arith.constant 128 : i32
      %dma_wait3A_45 = arith.constant 0 : i32
      %dma_wait3A_46 = tpu.memref_slice %arg13[%dma_wait3A_44, %dma_wait3A_45] : memref<384x80xf32, #tpu.memory_space<vmem>> -> memref<128x80xf32, #tpu.memory_space<vmem>>
      %dma_wait3A_47 = arith.constant 128 : i32
      %dma_wait3A_48 = tpu.memref_slice %arg12[%dma_wait3A_47] : memref<384xi32, #tpu.memory_space<vmem>> -> memref<128xi32, #tpu.memory_space<vmem>>
      %dma_wait3A_49 = arith.constant 0 : i32
      %dma_wait3A_50 = arith.constant 0 : i32
      %dma_wait3A_51 = tpu.memref_slice %arg2[%dma_wait3A_49, %dma_wait3A_50] : memref<320000x80xf32, #tpu.memory_space<hbm>> -> memref<320000x80xf32, #tpu.memory_space<hbm>>
      tpu.wait_indirect_dma semaphore(%arg14 : memref<!tpu.dma_semaphore, #tpu.memory_space<semaphore_mem>>) src(%dma_wait3A_51 : memref<320000x80xf32, #tpu.memory_space<hbm>>) dst(%dma_wait3A_46 : memref<128x80xf32, #tpu.memory_space<vmem>>)
      %dma_start3A_52 = arith.constant 256 : i32
      %dma_start3A_53 = arith.constant 0 : i32
      %dma_start3A_54 = tpu.memref_slice %arg13[%dma_start3A_52, %dma_start3A_53] : memref<384x80xf32, #tpu.memory_space<vmem>> -> memref<128x80xf32, #tpu.memory_space<vmem>>
      %dma_start3A_55 = arith.constant 256 : i32
      %dma_start3A_56 = tpu.memref_slice %arg12[%dma_start3A_55] : memref<384xi32, #tpu.memory_space<vmem>> -> memref<128xi32, #tpu.memory_space<vmem>>
      %dma_start3A_57 = arith.constant 0 : i32
      %dma_start3A_58 = arith.constant 0 : i32
      %dma_start3A_59 = tpu.memref_slice %arg2[%dma_start3A_57, %dma_start3A_58] : memref<320000x80xf32, #tpu.memory_space<hbm>> -> memref<320000x80xf32, #tpu.memory_space<hbm>>
      tpu.enqueue_indirect_dma source(%dma_start3A_59 : memref<320000x80xf32, #tpu.memory_space<hbm>>) target(%dma_start3A_54 : memref<128x80xf32, #tpu.memory_space<vmem>>) offsets(%dma_start3A_56 : memref<128xi32, #tpu.memory_space<vmem>>) semaphore(%arg14 : memref<!tpu.dma_semaphore, #tpu.memory_space<semaphore_mem>>)
      %dma_wait3A_60 = arith.constant 256 : i32
      %dma_wait3A_61 = arith.constant 0 : i32
      %dma_wait3A_62 = tpu.memref_slice %arg13[%dma_wait3A_60, %dma_wait3A_61] : memref<384x80xf32, #tpu.memory_space<vmem>> -> memref<128x80xf32, #tpu.memory_space<vmem>>
      %dma_wait3A_63 = arith.constant 256 : i32
      %dma_wait3A_64 = tpu.memref_slice %arg12[%dma_wait3A_63] : memref<384xi32, #tpu.memory_space<vmem>> -> memref<128xi32, #tpu.memory_space<vmem>>
      %dma_wait3A_65 = arith.constant 0 : i32
      %dma_wait3A_66 = arith.constant 0 : i32
      %dma_wait3A_67 = tpu.memref_slice %arg2[%dma_wait3A_65, %dma_wait3A_66] : memref<320000x80xf32, #tpu.memory_space<hbm>> -> memref<320000x80xf32, #tpu.memory_space<hbm>>
      tpu.wait_indirect_dma semaphore(%arg14 : memref<!tpu.dma_semaphore, #tpu.memory_space<semaphore_mem>>) src(%dma_wait3A_67 : memref<320000x80xf32, #tpu.memory_space<hbm>>) dst(%dma_wait3A_62 : memref<128x80xf32, #tpu.memory_space<vmem>>)
      "tpu.region"() ({
        %run_scoped3A = tpu.sem_alloc : memref<!tpu.dma_semaphore, #tpu.memory_space<semaphore_mem>>
        %dma_start3A_68 = arith.constant 0 : i32
        %dma_start3A_69 = arith.constant 0 : i32
        %dma_start3A_70 = tpu.memref_slice %arg6[%add3A, %dma_start3A_68, %dma_start3A_69] : memref<16x384x80xf32, #tpu.memory_space<hbm>> -> memref<1x384x80xf32, #tpu.memory_space<hbm>>
        %dma_start3A_71 = tpu.memref_squeeze %dma_start3A_70 : memref<1x384x80xf32, #tpu.memory_space<hbm>> -> memref<384x80xf32, #tpu.memory_space<hbm>>
        %dma_start3A_72 = arith.constant 0 : i32
        %dma_start3A_73 = arith.constant 0 : i32
        %dma_start3A_74 = tpu.memref_slice %arg6[%add3A, %dma_start3A_72, %dma_start3A_73] : memref<16x384x80xf32, #tpu.memory_space<hbm>> -> memref<1x384x80xf32, #tpu.memory_space<hbm>>
        %dma_start3A_75 = tpu.memref_squeeze %dma_start3A_74 : memref<1x384x80xf32, #tpu.memory_space<hbm>> -> memref<384x80xf32, #tpu.memory_space<hbm>>
        tpu.enqueue_dma source(%arg13 : memref<384x80xf32, #tpu.memory_space<vmem>>) target(%dma_start3A_75 : memref<384x80xf32, #tpu.memory_space<hbm>>) target_semaphore(%run_scoped3A : memref<!tpu.dma_semaphore, #tpu.memory_space<semaphore_mem>>)
        %dma_wait3A_76 = arith.constant 0 : i32
        %dma_wait3A_77 = arith.constant 0 : i32
        %dma_wait3A_78 = tpu.memref_slice %arg6[%add3A, %dma_wait3A_76, %dma_wait3A_77] : memref<16x384x80xf32, #tpu.memory_space<hbm>> -> memref<1x384x80xf32, #tpu.memory_space<hbm>>
        %dma_wait3A_79 = tpu.memref_squeeze %dma_wait3A_78 : memref<1x384x80xf32, #tpu.memory_space<hbm>> -> memref<384x80xf32, #tpu.memory_space<hbm>>
        %dma_wait3A_80 = arith.constant 0 : i32
        %dma_wait3A_81 = arith.constant 0 : i32
        %dma_wait3A_82 = tpu.memref_slice %arg6[%add3A, %dma_wait3A_80, %dma_wait3A_81] : memref<16x384x80xf32, #tpu.memory_space<hbm>> -> memref<1x384x80xf32, #tpu.memory_space<hbm>>
        %dma_wait3A_83 = tpu.memref_squeeze %dma_wait3A_82 : memref<1x384x80xf32, #tpu.memory_space<hbm>> -> memref<384x80xf32, #tpu.memory_space<hbm>>
        tpu.wait_dma2 semaphore(%run_scoped3A : memref<!tpu.dma_semaphore, #tpu.memory_space<semaphore_mem>>) src(%arg13 : memref<384x80xf32, #tpu.memory_space<vmem>>) dst(%dma_wait3A_83 : memref<384x80xf32, #tpu.memory_space<hbm>>)
        tpu.yield
      }) : () -> ()
      "tpu.region"() ({
        %run_scoped3A = tpu.sem_alloc : memref<!tpu.dma_semaphore, #tpu.memory_space<semaphore_mem>>
        %dma_start3A_68 = arith.constant 0 : i32
        %dma_start3A_69 = tpu.memref_slice %arg7[%add3A, %dma_start3A_68] : memref<16x384xi32, #tpu.memory_space<hbm>> -> memref<1x384xi32, #tpu.memory_space<hbm>>
        %dma_start3A_70 = tpu.memref_squeeze %dma_start3A_69 : memref<1x384xi32, #tpu.memory_space<hbm>> -> memref<384xi32, #tpu.memory_space<hbm>>
        %dma_start3A_71 = arith.constant 0 : i32
        %dma_start3A_72 = tpu.memref_slice %arg7[%add3A, %dma_start3A_71] : memref<16x384xi32, #tpu.memory_space<hbm>> -> memref<1x384xi32, #tpu.memory_space<hbm>>
        %dma_start3A_73 = tpu.memref_squeeze %dma_start3A_72 : memref<1x384xi32, #tpu.memory_space<hbm>> -> memref<384xi32, #tpu.memory_space<hbm>>
        tpu.enqueue_dma source(%arg11 : memref<384xi32, #tpu.memory_space<vmem>>) target(%dma_start3A_73 : memref<384xi32, #tpu.memory_space<hbm>>) target_semaphore(%run_scoped3A : memref<!tpu.dma_semaphore, #tpu.memory_space<semaphore_mem>>)
        %dma_wait3A_74 = arith.constant 0 : i32
        %dma_wait3A_75 = tpu.memref_slice %arg7[%add3A, %dma_wait3A_74] : memref<16x384xi32, #tpu.memory_space<hbm>> -> memref<1x384xi32, #tpu.memory_space<hbm>>
        %dma_wait3A_76 = tpu.memref_squeeze %dma_wait3A_75 : memref<1x384xi32, #tpu.memory_space<hbm>> -> memref<384xi32, #tpu.memory_space<hbm>>
        %dma_wait3A_77 = arith.constant 0 : i32
        %dma_wait3A_78 = tpu.memref_slice %arg7[%add3A, %dma_wait3A_77] : memref<16x384xi32, #tpu.memory_space<hbm>> -> memref<1x384xi32, #tpu.memory_space<hbm>>
        %dma_wait3A_79 = tpu.memref_squeeze %dma_wait3A_78 : memref<1x384xi32, #tpu.memory_space<hbm>> -> memref<384xi32, #tpu.memory_space<hbm>>
        tpu.wait_dma2 semaphore(%run_scoped3A : memref<!tpu.dma_semaphore, #tpu.memory_space<semaphore_mem>>) src(%arg11 : memref<384xi32, #tpu.memory_space<vmem>>) dst(%dma_wait3A_79 : memref<384xi32, #tpu.memory_space<hbm>>)
        tpu.yield
      }) : () -> ()
    } else {
    }
    return
  }
}

module attributes {stable_mosaic.version = 14 : i64} {
  func.func @_stage1b_body(%arg0: memref<16x5x1x4000xf32, #tpu.memory_space<vmem>>, %arg1: memref<16x1x16xf32, #tpu.memory_space<vmem>>, %arg2: memref<16x1x16xi32, #tpu.memory_space<vmem>>) attributes {dimension_semantics = [], scalar_prefetch = 0 : i64, scratch_operands = 0 : i64, tpu.core_type = #tpu.core_type<tc>} {
    %get3A = arith.constant 0 : index
    %get3A_0 = arith.constant 0 : index
    %get3A_1 = arith.constant 0 : index
    %get3A_2 = arith.constant 0 : index
    %get3A_3 = vector.load %arg0[%get3A, %get3A_0, %get3A_1, %get3A_2] : memref<16x5x1x4000xf32, #tpu.memory_space<vmem>>, vector<16x5x1x4000xf32>
    %iota3A = tpu.iota {dimensions = array<i32: 1>} : vector<16x5x1x4000xi32>
    %mul3A = arith.constant 4000 : i32
    %mul3A_4 = vector.broadcast %mul3A : i32 to vector<16x5x1x4000xi32>
    %mul3A_5 = arith.muli %iota3A, %mul3A_4 : vector<16x5x1x4000xi32>
    %iota3A_6 = tpu.iota {dimensions = array<i32: 3>} : vector<16x5x1x4000xi32>
    %add3A = arith.addi %mul3A_5, %iota3A_6 : vector<16x5x1x4000xi32>
    %bitcast_convert_type3A = tpu.bitcast %get3A_3 : vector<16x5x1x4000xf32> -> vector<16x5x1x4000xi32>
    %broadcast_in_dim3A = arith.constant 0 : i32
    %broadcast_in_dim3A_7 = vector.broadcast %broadcast_in_dim3A : i32 to vector<16xi32>
    %scan3A = arith.constant 0 : i32
    %scan3A_8 = arith.constant 31 : i32
    %scan3A_9 = arith.addi %scan3A, %scan3A_8 : i32
    %scan3A_10 = arith.constant 1 : i32
    %scan3A_11 = scf.for %scan3A_42 = %scan3A to %scan3A_9 step %scan3A_10 iter_args(%scan3A_43 = %broadcast_in_dim3A_7) -> (vector<16xi32>)  : i32 {
      %sub3A_44 = arith.constant 30 : i32
      %sub3A_45 = arith.subi %sub3A_44, %scan3A_42 : i32
      %shift_left3A = arith.constant 1 : i32
      %shift_left3A_46 = arith.shli %shift_left3A, %sub3A_45 : i32
      %or3A = vector.broadcast %shift_left3A_46 : i32 to vector<16xi32>
      %or3A_47 = arith.ori %scan3A_43, %or3A : vector<16xi32>
      %broadcast_in_dim3A_48 = vector.shape_cast %or3A_47 : vector<16xi32> to vector<16x1x1x1xi32>
      %ge3A = vector.broadcast %broadcast_in_dim3A_48 : vector<16x1x1x1xi32> to vector<16x5x1x4000xi32>
      %ge3A_49 = arith.cmpi sge, %bitcast_convert_type3A, %ge3A : vector<16x5x1x4000xi32>
      %convert_element_type3A_50 = arith.extui %ge3A_49 : vector<16x5x1x4000xi1> to vector<16x5x1x4000xi32>
      %reduce_sum3A_51 = arith.constant dense<0> : vector<16xi32>
      %reduce_sum3A_52 = vector.multi_reduction <add>, %convert_element_type3A_50, %reduce_sum3A_51 [1, 2, 3] : vector<16x5x1x4000xi32> to vector<16xi32>
      %ge3A_53 = arith.constant 300 : i32
      %ge3A_54 = vector.broadcast %ge3A_53 : i32 to vector<16xi32>
      %ge3A_55 = arith.cmpi sge, %reduce_sum3A_52, %ge3A_54 : vector<16xi32>
      %select_n3A = arith.select %ge3A_55, %or3A_47, %scan3A_43 : vector<16xi1>, vector<16xi32>
      scf.yield %select_n3A : vector<16xi32>
    }
    %scan3A_12 = arith.constant 31 : i32
    %broadcast_in_dim3A_13 = vector.shape_cast %scan3A_11 : vector<16xi32> to vector<16x1x1x1xi32>
    %gt3A = vector.broadcast %broadcast_in_dim3A_13 : vector<16x1x1x1xi32> to vector<16x5x1x4000xi32>
    %gt3A_14 = arith.cmpi sgt, %bitcast_convert_type3A, %gt3A : vector<16x5x1x4000xi32>
    %convert_element_type3A = arith.extui %gt3A_14 : vector<16x5x1x4000xi1> to vector<16x5x1x4000xi32>
    %reduce_sum3A = arith.constant dense<0> : vector<16xi32>
    %reduce_sum3A_15 = vector.multi_reduction <add>, %convert_element_type3A, %reduce_sum3A [1, 2, 3] : vector<16x5x1x4000xi32> to vector<16xi32>
    %sub3A = arith.constant 300 : i32
    %sub3A_16 = vector.broadcast %sub3A : i32 to vector<16xi32>
    %sub3A_17 = arith.subi %sub3A_16, %reduce_sum3A_15 : vector<16xi32>
    %broadcast_in_dim3A_18 = vector.shape_cast %scan3A_11 : vector<16xi32> to vector<16x1x1x1xi32>
    %eq3A = vector.broadcast %broadcast_in_dim3A_18 : vector<16x1x1x1xi32> to vector<16x5x1x4000xi32>
    %eq3A_19 = arith.cmpi eq, %bitcast_convert_type3A, %eq3A : vector<16x5x1x4000xi32>
    %broadcast_in_dim3A_20 = arith.constant 0 : i32
    %broadcast_in_dim3A_21 = vector.broadcast %broadcast_in_dim3A_20 : i32 to vector<16xi32>
    %scan3A_22 = arith.constant 0 : i32
    %scan3A_23 = arith.constant 15 : i32
    %scan3A_24 = arith.addi %scan3A_22, %scan3A_23 : i32
    %scan3A_25 = arith.constant 1 : i32
    %scan3A_26 = scf.for %scan3A_42 = %scan3A_22 to %scan3A_24 step %scan3A_25 iter_args(%scan3A_43 = %broadcast_in_dim3A_21) -> (vector<16xi32>)  : i32 {
      %sub3A_44 = arith.constant 14 : i32
      %sub3A_45 = arith.subi %sub3A_44, %scan3A_42 : i32
      %shift_left3A = arith.constant 1 : i32
      %shift_left3A_46 = arith.shli %shift_left3A, %sub3A_45 : i32
      %add3A_47 = vector.broadcast %shift_left3A_46 : i32 to vector<16xi32>
      %add3A_48 = arith.addi %scan3A_43, %add3A_47 : vector<16xi32>
      %broadcast_in_dim3A_49 = vector.shape_cast %add3A_48 : vector<16xi32> to vector<16x1x1x1xi32>
      %lt3A = vector.broadcast %broadcast_in_dim3A_49 : vector<16x1x1x1xi32> to vector<16x5x1x4000xi32>
      %lt3A_50 = arith.cmpi slt, %add3A, %lt3A : vector<16x5x1x4000xi32>
      %and3A = arith.andi %eq3A_19, %lt3A_50 : vector<16x5x1x4000xi1>
      %convert_element_type3A_51 = arith.extui %and3A : vector<16x5x1x4000xi1> to vector<16x5x1x4000xi32>
      %reduce_sum3A_52 = arith.constant dense<0> : vector<16xi32>
      %reduce_sum3A_53 = vector.multi_reduction <add>, %convert_element_type3A_51, %reduce_sum3A_52 [1, 2, 3] : vector<16x5x1x4000xi32> to vector<16xi32>
      %ge3A = arith.cmpi sge, %reduce_sum3A_53, %sub3A_17 : vector<16xi32>
      %select_n3A = arith.select %ge3A, %scan3A_43, %add3A_48 : vector<16xi1>, vector<16xi32>
      scf.yield %select_n3A : vector<16xi32>
    }
    %scan3A_27 = arith.constant 15 : i32
    %bitcast_convert_type3A_28 = tpu.bitcast %scan3A_11 : vector<16xi32> -> vector<16xf32>
    %broadcast_in_dim3A_29 = vector.shape_cast %bitcast_convert_type3A_28 : vector<16xf32> to vector<16x1x1xf32>
    %broadcast_in_dim3A_30 = vector.shape_cast %broadcast_in_dim3A_29 : vector<16x1x1xf32> to vector<16x1x1xf32>
    %broadcast_in_dim3A_31 = vector.broadcast %broadcast_in_dim3A_30 : vector<16x1x1xf32> to vector<16x1x16xf32>
    %swap3A = arith.constant 0 : index
    %swap3A_32 = arith.constant 0 : index
    %swap3A_33 = arith.constant 0 : index
    %swap3A_34 = vector.load %arg1[%swap3A, %swap3A_32, %swap3A_33] : memref<16x1x16xf32, #tpu.memory_space<vmem>>, vector<16x1x16xf32>
    tpu.vector_store %arg1[%swap3A, %swap3A_32, %swap3A_33], %broadcast_in_dim3A_31 {strides = array<i32>} : memref<16x1x16xf32, #tpu.memory_space<vmem>>, vector<16x1x16xf32>,
    %broadcast_in_dim3A_35 = vector.shape_cast %scan3A_26 : vector<16xi32> to vector<16x1x1xi32>
    %broadcast_in_dim3A_36 = vector.shape_cast %broadcast_in_dim3A_35 : vector<16x1x1xi32> to vector<16x1x1xi32>
    %broadcast_in_dim3A_37 = vector.broadcast %broadcast_in_dim3A_36 : vector<16x1x1xi32> to vector<16x1x16xi32>
    %swap3A_38 = arith.constant 0 : index
    %swap3A_39 = arith.constant 0 : index
    %swap3A_40 = arith.constant 0 : index
    %swap3A_41 = vector.load %arg2[%swap3A_38, %swap3A_39, %swap3A_40] : memref<16x1x16xi32, #tpu.memory_space<vmem>>, vector<16x1x16xi32>
    tpu.vector_store %arg2[%swap3A_38, %swap3A_39, %swap3A_40], %broadcast_in_dim3A_37 {strides = array<i32>} : memref<16x1x16xi32, #tpu.memory_space<vmem>>, vector<16x1x16xi32>,
    return
  }
}

module attributes {stable_mosaic.version = 14 : i64} {
  func.func @_stage1_body(%arg0: i32, %arg1: i32, %arg2: memref<1x4000x80xf32, #tpu.memory_space<vmem>>, %arg3: memref<1x4000x80xf32, #tpu.memory_space<vmem>>, %arg4: memref<1x5x1x4000xf32, #tpu.memory_space<vmem>>, %arg5: memref<5x1x4000xf32, #tpu.memory_space<vmem>>) attributes {dimension_semantics = [#tpu.dimension_semantics<arbitrary>, #tpu.dimension_semantics<arbitrary>], iteration_bounds = array<i64: 16, 5>, scalar_prefetch = 0 : i64, scratch_operands = 1 : i64, tpu.core_type = #tpu.core_type<tc>, window_params = [{transform_indices = @transform_0, window_bounds = array<i64: 1, 4000, 80>}, {transform_indices = @transform_1, window_bounds = array<i64: 1, 4000, 80>}, {transform_indices = @transform_2, window_bounds = array<i64: 1, 5, 1, 4000>}]} {
    %get3A = arith.constant 0 : index
    %get3A_0 = arith.constant 0 : index
    %get3A_1 = arith.constant 0 : index
    %get3A_2 = vector.load %arg2[%get3A, %get3A_0, %get3A_1] : memref<1x4000x80xf32, #tpu.memory_space<vmem>>, vector<1x4000x80xf32>
    %get3A_3 = vector.shape_cast %get3A_2 : vector<1x4000x80xf32> to vector<4000x80xf32>
    %neg3A = arith.constant 0.000000e+00 : f32
    %neg3A_4 = vector.broadcast %neg3A : f32 to vector<4000x80xf32>
    %neg3A_5 = arith.subf %neg3A_4, %get3A_3 : vector<4000x80xf32>
    %exp3A = math.exp %neg3A_5 : vector<4000x80xf32>
    %add3A = arith.constant 1.000000e+00 : f32
    %add3A_6 = vector.broadcast %add3A : f32 to vector<4000x80xf32>
    %add3A_7 = arith.addf %add3A_6, %exp3A : vector<4000x80xf32>
    %div3A = arith.constant 1.000000e+00 : f32
    %div3A_8 = vector.broadcast %div3A : f32 to vector<4000x80xf32>
    %div3A_9 = arith.divf %div3A_8, %add3A_7 : vector<4000x80xf32>
    %swap3A = arith.constant 0 : index
    %swap3A_10 = arith.constant 0 : index
    %swap3A_11 = arith.constant 0 : index
    %swap3A_12 = vector.load %arg3[%swap3A, %swap3A_10, %swap3A_11] : memref<1x4000x80xf32, #tpu.memory_space<vmem>>, vector<1x4000x80xf32>
    %swap3A_13 = vector.shape_cast %swap3A_12 : vector<1x4000x80xf32> to vector<4000x80xf32>
    %swap3A_14 = vector.shape_cast %div3A_9 : vector<4000x80xf32> to vector<1x4000x80xf32>
    tpu.vector_store %arg3[%swap3A, %swap3A_10, %swap3A_11], %swap3A_14 {strides = array<i32>} : memref<1x4000x80xf32, #tpu.memory_space<vmem>>, vector<1x4000x80xf32>,
    %reduce_max3A = arith.constant dense<0xFF800000> : vector<4000xf32>
    %reduce_max3A_15 = vector.multi_reduction <maximumf>, %div3A_9, %reduce_max3A [1] : vector<4000x80xf32> to vector<4000xf32>
    %swap3A_16 = arith.index_cast %arg1 : i32 to index
    %swap3A_17 = arith.constant 0 : index
    %swap3A_18 = arith.constant 0 : index
    %swap3A_19 = vector.load %arg5[%swap3A_16, %swap3A_17, %swap3A_18] : memref<5x1x4000xf32, #tpu.memory_space<vmem>>, vector<1x1x4000xf32>
    %swap3A_20 = vector.shape_cast %swap3A_19 : vector<1x1x4000xf32> to vector<4000xf32>
    %swap3A_21 = vector.shape_cast %reduce_max3A_15 : vector<4000xf32> to vector<1x1x4000xf32>
    tpu.vector_store %arg5[%swap3A_16, %swap3A_17, %swap3A_18], %swap3A_21 {strides = array<i32>} : memref<5x1x4000xf32, #tpu.memory_space<vmem>>, vector<1x1x4000xf32>,
    %eq3A = arith.constant 4 : i32
    %eq3A_22 = arith.cmpi eq, %arg1, %eq3A : i32
    %convert_element_type3A = arith.extui %eq3A_22 : i1 to i32
    %cond3A = arith.constant 0 : i32
    %cond3A_23 = arith.cmpi ne, %convert_element_type3A, %cond3A : i32
    scf.if %cond3A_23 {
      %get3A_24 = arith.constant 0 : index
      %get3A_25 = arith.constant 0 : index
      %get3A_26 = arith.constant 0 : index
      %get3A_27 = vector.load %arg5[%get3A_24, %get3A_25, %get3A_26] : memref<5x1x4000xf32, #tpu.memory_space<vmem>>, vector<5x1x4000xf32>
      %swap3A_28 = arith.constant 0 : index
      %swap3A_29 = arith.constant 0 : index
      %swap3A_30 = arith.constant 0 : index
      %swap3A_31 = arith.constant 0 : index
      %swap3A_32 = vector.load %arg4[%swap3A_28, %swap3A_29, %swap3A_30, %swap3A_31] : memref<1x5x1x4000xf32, #tpu.memory_space<vmem>>, vector<1x5x1x4000xf32>
      %swap3A_33 = vector.shape_cast %swap3A_32 : vector<1x5x1x4000xf32> to vector<5x1x4000xf32>
      %swap3A_34 = vector.shape_cast %get3A_27 : vector<5x1x4000xf32> to vector<1x5x1x4000xf32>
      tpu.vector_store %arg4[%swap3A_28, %swap3A_29, %swap3A_30, %swap3A_31], %swap3A_34 {strides = array<i32>} : memref<1x5x1x4000xf32, #tpu.memory_space<vmem>>, vector<1x5x1x4000xf32>,
    } else {
    }
    return
  }
  func.func @transform_0(%arg0: i32, %arg1: i32) -> (i32, i32, i32) {
    %c0_i32 = arith.constant 0 : i32
    %c0_i32_0 = arith.constant 0 : i32
    return %arg0, %arg1, %c0_i32 : i32, i32, i32
  }
  func.func @transform_1(%arg0: i32, %arg1: i32) -> (i32, i32, i32) {
    %c0_i32 = arith.constant 0 : i32
    %c0_i32_0 = arith.constant 0 : i32
    return %arg0, %arg1, %c0_i32 : i32, i32, i32
  }
  func.func @transform_2(%arg0: i32, %arg1: i32) -> (i32, i32, i32, i32) {
    %c0_i32 = arith.constant 0 : i32
    %c0_i32_0 = arith.constant 0 : i32
    %c0_i32_1 = arith.constant 0 : i32
    %c0_i32_2 = arith.constant 0 : i32
    return %arg0, %c0_i32, %c0_i32_0, %c0_i32_1 : i32, i32, i32, i32
  }
}

module attributes {stable_mosaic.version = 14 : i64} {
  func.func @_stage3_body(%arg0: i32, %arg1: memref<4x384x80xf32, #tpu.memory_space<vmem>>, %arg2: memref<4x1x384xi32, #tpu.memory_space<vmem>>, %arg3: memref<4x1x16xf32, #tpu.memory_space<vmem>>, %arg4: memref<4x1x16xi32, #tpu.memory_space<vmem>>) attributes {dimension_semantics = [#tpu.dimension_semantics<arbitrary>], iteration_bounds = array<i64: 4>, scalar_prefetch = 0 : i64, scratch_operands = 0 : i64, tpu.core_type = #tpu.core_type<tc>, window_params = [{transform_indices = @transform_0, window_bounds = array<i64: 4, 384, 80>}, {transform_indices = @transform_1, window_bounds = array<i64: 4, 1, 384>}, {transform_indices = @transform_2, window_bounds = array<i64: 4, 1, 16>}, {transform_indices = @transform_3, window_bounds = array<i64: 4, 1, 16>}]} {
    %get3A = arith.constant 0 : index
    %get3A_0 = arith.constant 0 : index
    %get3A_1 = arith.constant 0 : index
    %get3A_2 = vector.load %arg1[%get3A, %get3A_0, %get3A_1] : memref<4x384x80xf32, #tpu.memory_space<vmem>>, vector<4x384x80xf32>
    %slice3A = vector.extract_strided_slice %get3A_2 {offsets = [0, 0, 0], sizes = [4, 300, 80], strides = [1, 1, 1]} : vector<4x384x80xf32> to vector<4x300x80xf32>
    %get3A_3 = arith.constant 0 : index
    %get3A_4 = arith.constant 0 : index
    %get3A_5 = arith.constant 0 : index
    %get3A_6 = vector.load %arg2[%get3A_3, %get3A_4, %get3A_5] : memref<4x1x384xi32, #tpu.memory_space<vmem>>, vector<4x1x300xi32>
    %get3A_7 = vector.shape_cast %get3A_6 : vector<4x1x300xi32> to vector<4x300xi32>
    %bitcast_convert_type3A = tpu.bitcast %slice3A : vector<4x300x80xf32> -> vector<4x300x80xi32>
    %broadcast_in_dim3A = vector.shape_cast %get3A_7 : vector<4x300xi32> to vector<4x300x1xi32>
    %mul3A = arith.constant 80 : i32
    %mul3A_8 = vector.broadcast %mul3A : i32 to vector<4x300x1xi32>
    %mul3A_9 = arith.muli %broadcast_in_dim3A, %mul3A_8 : vector<4x300x1xi32>
    %iota3A = tpu.iota {dimensions = array<i32: 2>} : vector<4x300x80xi32>
    %add3A = vector.broadcast %mul3A_9 : vector<4x300x1xi32> to vector<4x300x80xi32>
    %add3A_10 = arith.addi %add3A, %iota3A : vector<4x300x80xi32>
    %broadcast_in_dim3A_11 = arith.constant 0 : i32
    %broadcast_in_dim3A_12 = vector.broadcast %broadcast_in_dim3A_11 : i32 to vector<4xi32>
    %scan3A = arith.constant 0 : i32
    %scan3A_13 = arith.constant 31 : i32
    %scan3A_14 = arith.addi %scan3A, %scan3A_13 : i32
    %scan3A_15 = arith.constant 1 : i32
    %scan3A_16 = scf.for %scan3A_47 = %scan3A to %scan3A_14 step %scan3A_15 iter_args(%scan3A_48 = %broadcast_in_dim3A_12) -> (vector<4xi32>)  : i32 {
      %sub3A_49 = arith.constant 30 : i32
      %sub3A_50 = arith.subi %sub3A_49, %scan3A_47 : i32
      %shift_left3A = arith.constant 1 : i32
      %shift_left3A_51 = arith.shli %shift_left3A, %sub3A_50 : i32
      %or3A = vector.broadcast %shift_left3A_51 : i32 to vector<4xi32>
      %or3A_52 = arith.ori %scan3A_48, %or3A : vector<4xi32>
      %broadcast_in_dim3A_53 = vector.shape_cast %or3A_52 : vector<4xi32> to vector<4x1x1xi32>
      %ge3A = vector.broadcast %broadcast_in_dim3A_53 : vector<4x1x1xi32> to vector<4x300x80xi32>
      %ge3A_54 = arith.cmpi sge, %bitcast_convert_type3A, %ge3A : vector<4x300x80xi32>
      %convert_element_type3A_55 = arith.extui %ge3A_54 : vector<4x300x80xi1> to vector<4x300x80xi32>
      %reduce_sum3A_56 = arith.constant dense<0> : vector<4xi32>
      %reduce_sum3A_57 = vector.multi_reduction <add>, %convert_element_type3A_55, %reduce_sum3A_56 [1, 2] : vector<4x300x80xi32> to vector<4xi32>
      %ge3A_58 = arith.constant 300 : i32
      %ge3A_59 = vector.broadcast %ge3A_58 : i32 to vector<4xi32>
      %ge3A_60 = arith.cmpi sge, %reduce_sum3A_57, %ge3A_59 : vector<4xi32>
      %select_n3A = arith.select %ge3A_60, %or3A_52, %scan3A_48 : vector<4xi1>, vector<4xi32>
      scf.yield %select_n3A : vector<4xi32>
    }
    %scan3A_17 = arith.constant 31 : i32
    %broadcast_in_dim3A_18 = vector.shape_cast %scan3A_16 : vector<4xi32> to vector<4x1x1xi32>
    %gt3A = vector.broadcast %broadcast_in_dim3A_18 : vector<4x1x1xi32> to vector<4x300x80xi32>
    %gt3A_19 = arith.cmpi sgt, %bitcast_convert_type3A, %gt3A : vector<4x300x80xi32>
    %convert_element_type3A = arith.extui %gt3A_19 : vector<4x300x80xi1> to vector<4x300x80xi32>
    %reduce_sum3A = arith.constant dense<0> : vector<4xi32>
    %reduce_sum3A_20 = vector.multi_reduction <add>, %convert_element_type3A, %reduce_sum3A [1, 2] : vector<4x300x80xi32> to vector<4xi32>
    %sub3A = arith.constant 300 : i32
    %sub3A_21 = vector.broadcast %sub3A : i32 to vector<4xi32>
    %sub3A_22 = arith.subi %sub3A_21, %reduce_sum3A_20 : vector<4xi32>
    %broadcast_in_dim3A_23 = vector.shape_cast %scan3A_16 : vector<4xi32> to vector<4x1x1xi32>
    %eq3A = vector.broadcast %broadcast_in_dim3A_23 : vector<4x1x1xi32> to vector<4x300x80xi32>
    %eq3A_24 = arith.cmpi eq, %bitcast_convert_type3A, %eq3A : vector<4x300x80xi32>
    %broadcast_in_dim3A_25 = arith.constant 0 : i32
    %broadcast_in_dim3A_26 = vector.broadcast %broadcast_in_dim3A_25 : i32 to vector<4xi32>
    %scan3A_27 = arith.constant 0 : i32
    %scan3A_28 = arith.constant 21 : i32
    %scan3A_29 = arith.addi %scan3A_27, %scan3A_28 : i32
    %scan3A_30 = arith.constant 1 : i32
    %scan3A_31 = scf.for %scan3A_47 = %scan3A_27 to %scan3A_29 step %scan3A_30 iter_args(%scan3A_48 = %broadcast_in_dim3A_26) -> (vector<4xi32>)  : i32 {
      %sub3A_49 = arith.constant 20 : i32
      %sub3A_50 = arith.subi %sub3A_49, %scan3A_47 : i32
      %shift_left3A = arith.constant 1 : i32
      %shift_left3A_51 = arith.shli %shift_left3A, %sub3A_50 : i32
      %add3A_52 = vector.broadcast %shift_left3A_51 : i32 to vector<4xi32>
      %add3A_53 = arith.addi %scan3A_48, %add3A_52 : vector<4xi32>
      %broadcast_in_dim3A_54 = vector.shape_cast %add3A_53 : vector<4xi32> to vector<4x1x1xi32>
      %lt3A = vector.broadcast %broadcast_in_dim3A_54 : vector<4x1x1xi32> to vector<4x300x80xi32>
      %lt3A_55 = arith.cmpi slt, %add3A_10, %lt3A : vector<4x300x80xi32>
      %and3A = arith.andi %eq3A_24, %lt3A_55 : vector<4x300x80xi1>
      %convert_element_type3A_56 = arith.extui %and3A : vector<4x300x80xi1> to vector<4x300x80xi32>
      %reduce_sum3A_57 = arith.constant dense<0> : vector<4xi32>
      %reduce_sum3A_58 = vector.multi_reduction <add>, %convert_element_type3A_56, %reduce_sum3A_57 [1, 2] : vector<4x300x80xi32> to vector<4xi32>
      %ge3A = arith.cmpi sge, %reduce_sum3A_58, %sub3A_22 : vector<4xi32>
      %select_n3A = arith.select %ge3A, %scan3A_48, %add3A_53 : vector<4xi1>, vector<4xi32>
      scf.yield %select_n3A : vector<4xi32>
    }
    %scan3A_32 = arith.constant 21 : i32
    %bitcast_convert_type3A_33 = tpu.bitcast %scan3A_16 : vector<4xi32> -> vector<4xf32>
    %broadcast_in_dim3A_34 = vector.shape_cast %bitcast_convert_type3A_33 : vector<4xf32> to vector<4x1x1xf32>
    %broadcast_in_dim3A_35 = vector.shape_cast %broadcast_in_dim3A_34 : vector<4x1x1xf32> to vector<4x1x1xf32>
    %broadcast_in_dim3A_36 = vector.broadcast %broadcast_in_dim3A_35 : vector<4x1x1xf32> to vector<4x1x16xf32>
    %swap3A = arith.constant 0 : index
    %swap3A_37 = arith.constant 0 : index
    %swap3A_38 = arith.constant 0 : index
    %swap3A_39 = vector.load %arg3[%swap3A, %swap3A_37, %swap3A_38] : memref<4x1x16xf32, #tpu.memory_space<vmem>>, vector<4x1x16xf32>
    tpu.vector_store %arg3[%swap3A, %swap3A_37, %swap3A_38], %broadcast_in_dim3A_36 {strides = array<i32>} : memref<4x1x16xf32, #tpu.memory_space<vmem>>, vector<4x1x16xf32>,
    %broadcast_in_dim3A_40 = vector.shape_cast %scan3A_31 : vector<4xi32> to vector<4x1x1xi32>
    %broadcast_in_dim3A_41 = vector.shape_cast %broadcast_in_dim3A_40 : vector<4x1x1xi32> to vector<4x1x1xi32>
    %broadcast_in_dim3A_42 = vector.broadcast %broadcast_in_dim3A_41 : vector<4x1x1xi32> to vector<4x1x16xi32>
    %swap3A_43 = arith.constant 0 : index
    %swap3A_44 = arith.constant 0 : index
    %swap3A_45 = arith.constant 0 : index
    %swap3A_46 = vector.load %arg4[%swap3A_43, %swap3A_44, %swap3A_45] : memref<4x1x16xi32, #tpu.memory_space<vmem>>, vector<4x1x16xi32>
    tpu.vector_store %arg4[%swap3A_43, %swap3A_44, %swap3A_45], %broadcast_in_dim3A_42 {strides = array<i32>} : memref<4x1x16xi32, #tpu.memory_space<vmem>>, vector<4x1x16xi32>,
    return
  }
  func.func @transform_0(%arg0: i32) -> (i32, i32, i32) {
    %c0_i32 = arith.constant 0 : i32
    %c0_i32_0 = arith.constant 0 : i32
    %c0_i32_1 = arith.constant 0 : i32
    return %arg0, %c0_i32, %c0_i32_0 : i32, i32, i32
  }
  func.func @transform_1(%arg0: i32) -> (i32, i32, i32) {
    %c0_i32 = arith.constant 0 : i32
    %c0_i32_0 = arith.constant 0 : i32
    %c0_i32_1 = arith.constant 0 : i32
    return %arg0, %c0_i32, %c0_i32_0 : i32, i32, i32
  }
  func.func @transform_2(%arg0: i32) -> (i32, i32, i32) {
    %c0_i32 = arith.constant 0 : i32
    %c0_i32_0 = arith.constant 0 : i32
    %c0_i32_1 = arith.constant 0 : i32
    return %arg0, %c0_i32, %c0_i32_0 : i32, i32, i32
  }
  func.func @transform_3(%arg0: i32) -> (i32, i32, i32) {
    %c0_i32 = arith.constant 0 : i32
    %c0_i32_0 = arith.constant 0 : i32
    %c0_i32_1 = arith.constant 0 : i32
    return %arg0, %c0_i32, %c0_i32_0 : i32, i32, i32
  }
}

module attributes {stable_mosaic.version = 14 : i64} {
  func.func @_stage5_body(%arg0: i32, %arg1: memref<1x1x384xf32, #tpu.memory_space<vmem>>, %arg2: memref<1x1x384xi32, #tpu.memory_space<vmem>>, %arg3: memref<1x384x4xf32, #tpu.memory_space<vmem>>, %arg4: memref<1x1x4xf32, #tpu.memory_space<vmem>>, %arg5: memref<1x1x300xi32, #tpu.memory_space<vmem>>, %arg6: memref<1x300x4xf32, #tpu.memory_space<vmem>>, %arg7: memref<1x1x300xf32, #tpu.memory_space<vmem>>) attributes {dimension_semantics = [#tpu.dimension_semantics<arbitrary>], iteration_bounds = array<i64: 16>, scalar_prefetch = 0 : i64, scratch_operands = 0 : i64, tpu.core_type = #tpu.core_type<tc>, window_params = [{transform_indices = @transform_0, window_bounds = array<i64: 1, 1, 384>}, {transform_indices = @transform_1, window_bounds = array<i64: 1, 1, 384>}, {transform_indices = @transform_2, window_bounds = array<i64: 1, 384, 4>}, {transform_indices = @transform_3, window_bounds = array<i64: 1, 1, 4>}, {transform_indices = @transform_4, window_bounds = array<i64: 1, 1, 300>}, {transform_indices = @transform_5, window_bounds = array<i64: 1, 300, 4>}, {transform_indices = @transform_6, window_bounds = array<i64: 1, 1, 300>}]} {
    %get3A = arith.constant 0 : index
    %get3A_0 = arith.constant 0 : index
    %get3A_1 = arith.constant 0 : index
    %get3A_2 = vector.load %arg1[%get3A, %get3A_0, %get3A_1] : memref<1x1x384xf32, #tpu.memory_space<vmem>>, vector<1x1x300xf32>
    %get3A_3 = vector.shape_cast %get3A_2 : vector<1x1x300xf32> to vector<300xf32>
    %get3A_4 = arith.constant 0 : index
    %get3A_5 = arith.constant 0 : index
    %get3A_6 = arith.constant 0 : index
    %get3A_7 = vector.load %arg2[%get3A_4, %get3A_5, %get3A_6] : memref<1x1x384xi32, #tpu.memory_space<vmem>>, vector<1x1x300xi32>
    %get3A_8 = vector.shape_cast %get3A_7 : vector<1x1x300xi32> to vector<300xi32>
    %bitcast_convert_type3A = tpu.bitcast %get3A_3 : vector<300xf32> -> vector<300xi32>
    %broadcast_in_dim3A = vector.shape_cast %bitcast_convert_type3A : vector<300xi32> to vector<300x1xi32>
    %broadcast_in_dim3A_9 = vector.shape_cast %bitcast_convert_type3A : vector<300xi32> to vector<1x300xi32>
    %lt3A = vector.broadcast %broadcast_in_dim3A : vector<300x1xi32> to vector<300x300xi32>
    %lt3A_10 = vector.broadcast %broadcast_in_dim3A_9 : vector<1x300xi32> to vector<300x300xi32>
    %lt3A_11 = arith.cmpi slt, %lt3A, %lt3A_10 : vector<300x300xi32>
    %broadcast_in_dim3A_12 = vector.shape_cast %bitcast_convert_type3A : vector<300xi32> to vector<300x1xi32>
    %broadcast_in_dim3A_13 = vector.shape_cast %bitcast_convert_type3A : vector<300xi32> to vector<1x300xi32>
    %eq3A = vector.broadcast %broadcast_in_dim3A_12 : vector<300x1xi32> to vector<300x300xi32>
    %eq3A_14 = vector.broadcast %broadcast_in_dim3A_13 : vector<1x300xi32> to vector<300x300xi32>
    %eq3A_15 = arith.cmpi eq, %eq3A, %eq3A_14 : vector<300x300xi32>
    %broadcast_in_dim3A_16 = vector.shape_cast %get3A_8 : vector<300xi32> to vector<300x1xi32>
    %broadcast_in_dim3A_17 = vector.shape_cast %get3A_8 : vector<300xi32> to vector<1x300xi32>
    %gt3A = vector.broadcast %broadcast_in_dim3A_16 : vector<300x1xi32> to vector<300x300xi32>
    %gt3A_18 = vector.broadcast %broadcast_in_dim3A_17 : vector<1x300xi32> to vector<300x300xi32>
    %gt3A_19 = arith.cmpi sgt, %gt3A, %gt3A_18 : vector<300x300xi32>
    %and3A = arith.andi %eq3A_15, %gt3A_19 : vector<300x300xi1>
    %or3A = arith.ori %lt3A_11, %and3A : vector<300x300xi1>
    %convert_element_type3A = arith.extui %or3A : vector<300x300xi1> to vector<300x300xi32>
    %reduce_sum3A = arith.constant dense<0> : vector<300xi32>
    %reduce_sum3A_20 = vector.multi_reduction <add>, %convert_element_type3A, %reduce_sum3A [1] : vector<300x300xi32> to vector<300xi32>
    %iota3A = tpu.iota {dimensions = array<i32: 0>} : vector<300x300xi32>
    %broadcast_in_dim3A_21 = vector.shape_cast %reduce_sum3A_20 : vector<300xi32> to vector<1x300xi32>
    %eq3A_22 = vector.broadcast %broadcast_in_dim3A_21 : vector<1x300xi32> to vector<300x300xi32>
    %eq3A_23 = arith.cmpi eq, %eq3A_22, %iota3A : vector<300x300xi32>
    %convert_element_type3A_24 = arith.extui %eq3A_23 : vector<300x300xi1> to vector<300x300xi32>
    %convert_element_type3A_25 = arith.sitofp %convert_element_type3A_24 : vector<300x300xi32> to vector<300x300xf32>
    %get3A_26 = arith.constant 0 : index
    %get3A_27 = arith.constant 0 : index
    %get3A_28 = arith.constant 0 : index
    %get3A_29 = vector.load %arg3[%get3A_26, %get3A_27, %get3A_28] : memref<1x384x4xf32, #tpu.memory_space<vmem>>, vector<1x300x4xf32>
    %get3A_30 = vector.shape_cast %get3A_29 : vector<1x300x4xf32> to vector<300x4xf32>
    %slice3A = vector.extract_strided_slice %get3A_30 {offsets = [0, 0], sizes = [300, 1], strides = [1, 1]} : vector<300x4xf32> to vector<300x1xf32>
    %squeeze3A = vector.shape_cast %slice3A : vector<300x1xf32> to vector<300xf32>
    %slice3A_31 = vector.extract_strided_slice %get3A_30 {offsets = [0, 1], sizes = [300, 1], strides = [1, 1]} : vector<300x4xf32> to vector<300x1xf32>
    %squeeze3A_32 = vector.shape_cast %slice3A_31 : vector<300x1xf32> to vector<300xf32>
    %slice3A_33 = vector.extract_strided_slice %get3A_30 {offsets = [0, 2], sizes = [300, 1], strides = [1, 1]} : vector<300x4xf32> to vector<300x1xf32>
    %squeeze3A_34 = vector.shape_cast %slice3A_33 : vector<300x1xf32> to vector<300xf32>
    %slice3A_35 = vector.extract_strided_slice %get3A_30 {offsets = [0, 3], sizes = [300, 1], strides = [1, 1]} : vector<300x4xf32> to vector<300x1xf32>
    %squeeze3A_36 = vector.shape_cast %slice3A_35 : vector<300x1xf32> to vector<300xf32>
    %get3A_37 = arith.constant 0 : index
    %get3A_38 = arith.constant 0 : index
    %get3A_39 = arith.constant 0 : index
    %get3A_40 = vector.load %arg4[%get3A_37, %get3A_38, %get3A_39] : memref<1x1x4xf32, #tpu.memory_space<vmem>>, vector<1x1x4xf32>
    %get3A_41 = vector.shape_cast %get3A_40 : vector<1x1x4xf32> to vector<4xf32>
    %convert_element_type3A_42 = arith.sitofp %get3A_8 : vector<300xi32> to vector<300xf32>
    %mul3A = arith.constant 5.000000e-01 : f32
    %mul3A_43 = vector.broadcast %mul3A : f32 to vector<300xf32>
    %mul3A_44 = arith.mulf %mul3A_43, %squeeze3A_34 : vector<300xf32>
    %sub3A = arith.subf %squeeze3A, %mul3A_44 : vector<300xf32>
    %slice3A_45 = vector.extract_strided_slice %get3A_41 {offsets = [0], sizes = [1], strides = [1]} : vector<4xf32> to vector<1xf32>
    %squeeze3A_46 = vector.extract %slice3A_45[0] : f32 from vector<1xf32>
    %mul3A_47 = vector.broadcast %squeeze3A_46 : f32 to vector<300xf32>
    %mul3A_48 = arith.mulf %sub3A, %mul3A_47 : vector<300xf32>
    %mul3A_49 = arith.constant 5.000000e-01 : f32
    %mul3A_50 = vector.broadcast %mul3A_49 : f32 to vector<300xf32>
    %mul3A_51 = arith.mulf %mul3A_50, %squeeze3A_36 : vector<300xf32>
    %sub3A_52 = arith.subf %squeeze3A_32, %mul3A_51 : vector<300xf32>
    %slice3A_53 = vector.extract_strided_slice %get3A_41 {offsets = [1], sizes = [1], strides = [1]} : vector<4xf32> to vector<1xf32>
    %squeeze3A_54 = vector.extract %slice3A_53[0] : f32 from vector<1xf32>
    %mul3A_55 = vector.broadcast %squeeze3A_54 : f32 to vector<300xf32>
    %mul3A_56 = arith.mulf %sub3A_52, %mul3A_55 : vector<300xf32>
    %mul3A_57 = arith.constant 5.000000e-01 : f32
    %mul3A_58 = vector.broadcast %mul3A_57 : f32 to vector<300xf32>
    %mul3A_59 = arith.mulf %mul3A_58, %squeeze3A_34 : vector<300xf32>
    %add3A = arith.addf %squeeze3A, %mul3A_59 : vector<300xf32>
    %slice3A_60 = vector.extract_strided_slice %get3A_41 {offsets = [2], sizes = [1], strides = [1]} : vector<4xf32> to vector<1xf32>
    %squeeze3A_61 = vector.extract %slice3A_60[0] : f32 from vector<1xf32>
    %mul3A_62 = vector.broadcast %squeeze3A_61 : f32 to vector<300xf32>
    %mul3A_63 = arith.mulf %add3A, %mul3A_62 : vector<300xf32>
    %mul3A_64 = arith.constant 5.000000e-01 : f32
    %mul3A_65 = vector.broadcast %mul3A_64 : f32 to vector<300xf32>
    %mul3A_66 = arith.mulf %mul3A_65, %squeeze3A_36 : vector<300xf32>
    %add3A_67 = arith.addf %squeeze3A_32, %mul3A_66 : vector<300xf32>
    %slice3A_68 = vector.extract_strided_slice %get3A_41 {offsets = [3], sizes = [1], strides = [1]} : vector<4xf32> to vector<1xf32>
    %squeeze3A_69 = vector.extract %slice3A_68[0] : f32 from vector<1xf32>
    %mul3A_70 = vector.broadcast %squeeze3A_69 : f32 to vector<300xf32>
    %mul3A_71 = arith.mulf %add3A_67, %mul3A_70 : vector<300xf32>
    %stack3A = vector.shape_cast %get3A_3 : vector<300xf32> to vector<300x1xf32>
    %stack3A_72 = vector.shape_cast %convert_element_type3A_42 : vector<300xf32> to vector<300x1xf32>
    %stack3A_73 = vector.shape_cast %mul3A_48 : vector<300xf32> to vector<300x1xf32>
    %stack3A_74 = vector.shape_cast %mul3A_56 : vector<300xf32> to vector<300x1xf32>
    %stack3A_75 = vector.shape_cast %mul3A_63 : vector<300xf32> to vector<300x1xf32>
    %stack3A_76 = vector.shape_cast %mul3A_71 : vector<300xf32> to vector<300x1xf32>
    %stack3A_77 = tpu.concatenate %stack3A, %stack3A_72, %stack3A_73, %stack3A_74, %stack3A_75, %stack3A_76 in 1 : vector<300x1xf32>, vector<300x1xf32>, vector<300x1xf32>, vector<300x1xf32>, vector<300x1xf32>, vector<300x1xf32> -> vector<300x6xf32>
    %dot_general3A = arith.constant dense<0.000000e+00> : vector<300x6xf32>
    %dot_general3A_78 = tpu.matmul %convert_element_type3A_25, %stack3A_77, %dot_general3A {dimension_numbers = #tpu.dot_dimension_numbers<[1], [0], [0], [1], [0, 0, 1, 1], [], []>, precision = #tpu.contract_precision<fp32>, transpose_lhs_hint = false} : vector<300x300xf32>, vector<300x6xf32>, vector<300x6xf32> -> vector<300x6xf32>
    %slice3A_79 = vector.extract_strided_slice %dot_general3A_78 {offsets = [0, 0], sizes = [300, 1], strides = [1, 1]} : vector<300x6xf32> to vector<300x1xf32>
    %squeeze3A_80 = vector.shape_cast %slice3A_79 : vector<300x1xf32> to vector<300xf32>
    %swap3A = arith.constant 0 : index
    %swap3A_81 = arith.constant 0 : index
    %swap3A_82 = arith.constant 0 : index
    %swap3A_83 = vector.load %arg7[%swap3A, %swap3A_81, %swap3A_82] : memref<1x1x300xf32, #tpu.memory_space<vmem>>, vector<1x1x300xf32>
    %swap3A_84 = vector.shape_cast %swap3A_83 : vector<1x1x300xf32> to vector<300xf32>
    %swap3A_85 = vector.shape_cast %squeeze3A_80 : vector<300xf32> to vector<1x1x300xf32>
    tpu.vector_store %arg7[%swap3A, %swap3A_81, %swap3A_82], %swap3A_85 {strides = array<i32>} : memref<1x1x300xf32, #tpu.memory_space<vmem>>, vector<1x1x300xf32>,
    %slice3A_86 = vector.extract_strided_slice %dot_general3A_78 {offsets = [0, 1], sizes = [300, 1], strides = [1, 1]} : vector<300x6xf32> to vector<300x1xf32>
    %squeeze3A_87 = vector.shape_cast %slice3A_86 : vector<300x1xf32> to vector<300xf32>
    %convert_element_type3A_88 = arith.fptosi %squeeze3A_87 : vector<300xf32> to vector<300xi32>
    %jit3A = arith.constant 80 : i32
    %eq3A_89 = arith.constant 0 : i32
    %eq3A_90 = arith.cmpi eq, %jit3A, %eq3A_89 : i32
    %jit3A_91 = arith.constant 1 : i32
    %select_n3A = arith.select %eq3A_90, %jit3A_91, %jit3A : i32
    %rem3A = vector.broadcast %select_n3A : i32 to vector<300xi32>
    %rem3A_92 = arith.remsi %convert_element_type3A_88, %rem3A : vector<300xi32>
    %ne3A = arith.constant 0 : i32
    %ne3A_93 = vector.broadcast %ne3A : i32 to vector<300xi32>
    %ne3A_94 = arith.cmpi ne, %rem3A_92, %ne3A_93 : vector<300xi32>
    %lt3A_95 = arith.constant 0 : i32
    %lt3A_96 = vector.broadcast %lt3A_95 : i32 to vector<300xi32>
    %lt3A_97 = arith.cmpi slt, %rem3A_92, %lt3A_96 : vector<300xi32>
    %lt3A_98 = arith.constant 0 : i32
    %lt3A_99 = arith.cmpi slt, %select_n3A, %lt3A_98 : i32
    %ne3A_100 = vector.broadcast %lt3A_99 : i1 to vector<300xi1>
    %ne3A_101 = vector.broadcast %ne3A_100 : vector<300xi1> to vector<300xi1>
    %ne3A_102 = arith.xori %lt3A_97, %ne3A_101 : vector<300xi1>
    %and3A_103 = arith.andi %ne3A_102, %ne3A_94 : vector<300xi1>
    %add3A_104 = vector.broadcast %select_n3A : i32 to vector<300xi32>
    %add3A_105 = arith.addi %rem3A_92, %add3A_104 : vector<300xi32>
    %select_n3A_106 = arith.select %and3A_103, %add3A_105, %rem3A_92 : vector<300xi1>, vector<300xi32>
    %swap3A_107 = arith.constant 0 : index
    %swap3A_108 = arith.constant 0 : index
    %swap3A_109 = arith.constant 0 : index
    %swap3A_110 = vector.load %arg5[%swap3A_107, %swap3A_108, %swap3A_109] : memref<1x1x300xi32, #tpu.memory_space<vmem>>, vector<1x1x300xi32>
    %swap3A_111 = vector.shape_cast %swap3A_110 : vector<1x1x300xi32> to vector<300xi32>
    %swap3A_112 = vector.shape_cast %select_n3A_106 : vector<300xi32> to vector<1x1x300xi32>
    tpu.vector_store %arg5[%swap3A_107, %swap3A_108, %swap3A_109], %swap3A_112 {strides = array<i32>} : memref<1x1x300xi32, #tpu.memory_space<vmem>>, vector<1x1x300xi32>,
    %slice3A_113 = vector.extract_strided_slice %dot_general3A_78 {offsets = [0, 2], sizes = [300, 4], strides = [1, 1]} : vector<300x6xf32> to vector<300x4xf32>
    %swap3A_114 = arith.constant 0 : index
    %swap3A_115 = arith.constant 0 : index
    %swap3A_116 = arith.constant 0 : index
    %swap3A_117 = vector.load %arg6[%swap3A_114, %swap3A_115, %swap3A_116] : memref<1x300x4xf32, #tpu.memory_space<vmem>>, vector<1x300x4xf32>
    %swap3A_118 = vector.shape_cast %swap3A_117 : vector<1x300x4xf32> to vector<300x4xf32>
    %swap3A_119 = vector.shape_cast %slice3A_113 : vector<300x4xf32> to vector<1x300x4xf32>
    tpu.vector_store %arg6[%swap3A_114, %swap3A_115, %swap3A_116], %swap3A_119 {strides = array<i32>} : memref<1x300x4xf32, #tpu.memory_space<vmem>>, vector<1x300x4xf32>,
    return
  }
  func.func @transform_0(%arg0: i32) -> (i32, i32, i32) {
    %c0_i32 = arith.constant 0 : i32
    %c0_i32_0 = arith.constant 0 : i32
    %c0_i32_1 = arith.constant 0 : i32
    return %arg0, %c0_i32, %c0_i32_0 : i32, i32, i32
  }
  func.func @transform_1(%arg0: i32) -> (i32, i32, i32) {
    %c0_i32 = arith.constant 0 : i32
    %c0_i32_0 = arith.constant 0 : i32
    %c0_i32_1 = arith.constant 0 : i32
    return %arg0, %c0_i32, %c0_i32_0 : i32, i32, i32
  }
  func.func @transform_2(%arg0: i32) -> (i32, i32, i32) {
    %c0_i32 = arith.constant 0 : i32
    %c0_i32_0 = arith.constant 0 : i32
    %c0_i32_1 = arith.constant 0 : i32
    return %arg0, %c0_i32, %c0_i32_0 : i32, i32, i32
  }
  func.func @transform_3(%arg0: i32) -> (i32, i32, i32) {
    %c0_i32 = arith.constant 0 : i32
    %c0_i32_0 = arith.constant 0 : i32
    %c0_i32_1 = arith.constant 0 : i32
    return %arg0, %c0_i32, %c0_i32_0 : i32, i32, i32
  }
  func.func @transform_4(%arg0: i32) -> (i32, i32, i32) {
    %c0_i32 = arith.constant 0 : i32
    %c0_i32_0 = arith.constant 0 : i32
    %c0_i32_1 = arith.constant 0 : i32
    return %arg0, %c0_i32, %c0_i32_0 : i32, i32, i32
  }
  func.func @transform_5(%arg0: i32) -> (i32, i32, i32) {
    %c0_i32 = arith.constant 0 : i32
    %c0_i32_0 = arith.constant 0 : i32
    %c0_i32_1 = arith.constant 0 : i32
    return %arg0, %c0_i32, %c0_i32_0 : i32, i32, i32
  }
  func.func @transform_6(%arg0: i32) -> (i32, i32, i32) {
    %c0_i32 = arith.constant 0 : i32
    %c0_i32_0 = arith.constant 0 : i32
    %c0_i32_1 = arith.constant 0 : i32
    return %arg0, %c0_i32, %c0_i32_0 : i32, i32, i32
  }
}

</mosaic_0001>

<sc_bundles>
// kernel: kernel.11.cloned.1.call-start
scs
__scs_entry_jumppad:
0x0: {  	(pc) =	sbr.rel $0x88, $3  }
0x1: {  	(tag) =	ssettag $0x0;
	lr =	simm.s32 $0x1  }
0x2: {  	[smem:$0x3F9E] =	sst lr;
	_ =	strace $0xD0000000  }
0x3: {  	_ = 	snop  }
0x4: {  	_ = 	snop  }
0x5: {  	_ = 	snop  }
0x6: {  	_ = 	snop  }
0x7: {  	_ = 	snop  }
__scs_overlays_trampoline_lowered:
0x8: {  	[smem:$0x3FAD] =	sst s0  }
0x9: {  	[smem:$0x3FAE] =	sst s1  }
0xa: {  	[smem:$0x3FAF] =	sst s2  }
0xb: {  	[smem:$0x3FB0] =	sst s3  }
0xc: {  	[smem:$0x3FB1] =	sst s4  }
0xd: {  	[smem:$0x3FB2] =	sst s5  }
0xe: {  	[smem:$0x3FB3] =	sst s6  }
0xf: {  	[smem:$0x3FB4] =	sst s7  }
0x10: {  	[smem:$0x3FB5] =	sst s8  }
0x11: {  	[smem:$0x3FB6] =	sst s9;
	s0 =	simm.s32 @!p0 $0x0  }
0x12: {  	s1 =	sld [smem:$0x3F9C];
	s0 =	simm.s32 @p0 $0x1  }
0x13: {  	[smem:$0x3FB7] =	sst s0;
	s0 =	simm.s32 @!p1 $0x0  }
0x14: {  	s2 =	sld [smem:$0x3F9B];
	s0 =	simm.s32 @p1 $0x1  }
0x15: {  	[smem:$0x3FB8] =	sst s0;
	s0 =	simm.s32 @!p2 $0x0  }
0x16: {  	s3 =	sld [smem:$0x3FDB];
	s0 =	simm.s32 @p2 $0x1  }
0x17: {  	s4 =	simm.s32 $0x1BF5;
	[smem:$0x3FBA] =	sst s0  }
0x18: {  	s0 =	sld [smem:$0x3F9D];
	_ =	swait.ge [sflag:s4], $0x0  }
0x19: {  	s7 =	sld [smem:$0x3F9E]  }
0x1a: {  	s8 =	sadd.s32 $0xFFFFE003, lr  }
0x1b: {  	s9 =	sadd.s32 $0xFFFFFEF7, lr;
	s5 =	simm.s32 $0xFFFFFFFF;
	p2 =	slt.u32 s8, $0xFFFFF086  }
0x1c: {  	p1 =	slt.u32 s9, $0xF7A;
	s5 =	simm.s32 @!p2 $0x0  }
0x1d: {  	s5 =	simm.s32 @p1 $0x1;
	p0 =	seq.s32 s7, s2  }
0x1e: {  	s7 =	smul.u32 @!p0 $0xF7A, s2;
	p2 =	seq.s32 @!p0 s5, $0x0  }
0x1f: {  	s9 =	smul.u32 $0xF7A, s1;
	s8 =	simm.s32 @!p0 $0x1BF5;
	p2 =	por !p2, p0  }
0x20: {  	[sflag:s8] =	ssyncset.s32 @!p0 $0xFFFFF086;
	s6 =	sadd.s32 @!p0 s3, s7;
	s7 =	simm.s32 @!p0 $0x108  }
0x21: {  	s3 =	sadd.s32 s3, s9;
	s6 =	sadd.s32 @!p0 $0x88, s6;
	s7 =	simm.s32 @p2 $0x1082  }
0x22: {  	[simem:s7], [sflag:s8] =	dma.local @!p0 [hbm:s6], $0xF7A  }
0x23: {  	s9 =	sor.u32 $0xD0000000, s2;
	s6 =	simm.s32 $0x108;
	_ =	swait.ge @!p0 [sflag:s8], $0x0  }
0x24: {  	s3 =	sadd.s32 $0x88, s3;
	s6 =	simm.s32 @!p1 $0x1082;
	[sflag:s4] =	ssyncset.s32 $0xFFFFF086  }
0x25: {  	[simem:s6], [sflag:s4] =	dma.local [hbm:s3], $0xF7A  }
0x26: {  	[smem:$0x3F9E] =	sst s1;
	(tag) =	ssettag s2;
	_ =	strace s9  }
0x27: {  	s1 =	sld [smem:$0x3FAE]  }
0x28: {  	s2 =	sld [smem:$0x3FAF]  }
0x29: {  	s4 =	sld [smem:$0x3FB1]  }
0x2a: {  	p0 =	seq.s32 s5, $0x0;
	s5 =	sld [smem:$0x3FB2]  }
0x2b: {  	s6 =	sld [smem:$0x3FB3]  }
0x2c: {  	s7 =	sld [smem:$0x3FB4]  }
0x2d: {  	s3 =	simm.s32 $0x108;
	s8 =	sld [smem:$0x3FB5]  }
0x2e: {  	s3 =	simm.s32 @!p0 $0x1082;
	s9 =	sld [smem:$0x3FB6]  }
0x2f: {  	lr =	sadd.s32 s0, s3;
	s0 =	sld [smem:$0x3FAD]  }
0x30: {  	s3 =	sld [smem:$0x3FB0]  }
0x31: {  	[smem:$0x3FB9] =	sst s10  }
0x32: {  	s10 =	sld [smem:$0x3FB7];
	_ =	sdelay $0x3  }
0x33: {  	p0 =	seq.s32 s10, $0x1;
	s10 =	sld [smem:$0x3FB9];
	_ =	sdelay $0x3  }
0x34: {  	[smem:$0x3FB9] =	sst s10  }
0x35: {  	s10 =	sld [smem:$0x3FB8];
	_ =	sdelay $0x3  }
0x36: {  	p1 =	seq.s32 s10, $0x1;
	s10 =	sld [smem:$0x3FB9];
	_ =	sdelay $0x3  }
0x37: {  	[smem:$0x3FB9] =	sst s10  }
0x38: {  	s10 =	sld [smem:$0x3FBA]  }
0x39: {  	_ = 	snop;
	(pc) =	sbr.ind lr, $3  }
0x3a: {  	_ = 	snop  }
0x3b: {  	_ = 	snop  }
0x3c: {  	p2 =	seq.s32 s10, $0x1;
	s10 =	sld [smem:$0x3FB9]  }
0x3d: {  	_ =	shalt  }
0x3e: {  	_ =	shalt  }
0x3f: {  	_ =	shalt  }
0x40: {  	_ =	shalt  }
0x41: {  	_ =	shalt  }
0x42: {  	_ =	shalt  }
0x43: {  	_ =	shalt  }
0x44: {  	_ =	shalt  }
0x45: {  	_ =	shalt  }
0x46: {  	_ =	shalt  }
0x47: {  	_ =	shalt  }
0x48: {  	_ =	shalt  }
0x49: {  	_ =	shalt  }
0x4a: {  	_ =	shalt  }
0x4b: {  	_ =	shalt  }
0x4c: {  	_ =	shalt  }
0x4d: {  	_ =	shalt  }
0x4e: {  	_ =	shalt  }
0x4f: {  	_ =	shalt  }
0x50: {  	_ =	shalt  }
0x51: {  	_ =	shalt  }
0x52: {  	_ =	shalt  }
0x53: {  	_ =	shalt  }
0x54: {  	_ =	shalt  }
0x55: {  	_ =	shalt  }
0x56: {  	_ =	shalt  }
0x57: {  	_ =	shalt  }
0x58: {  	_ =	shalt  }
0x59: {  	_ =	shalt  }
0x5a: {  	_ =	shalt  }
0x5b: {  	_ =	shalt  }
0x5c: {  	_ =	shalt  }
0x5d: {  	_ =	shalt  }
0x5e: {  	_ =	shalt  }
0x5f: {  	_ =	shalt  }
0x60: {  	_ =	shalt  }
0x61: {  	_ =	shalt  }
0x62: {  	_ =	shalt  }
0x63: {  	_ =	shalt  }
0x64: {  	_ =	shalt  }
0x65: {  	_ =	shalt  }
0x66: {  	_ =	shalt  }
0x67: {  	_ =	shalt  }
0x68: {  	_ =	shalt  }
0x69: {  	_ =	shalt  }
0x6a: {  	_ =	shalt  }
0x6b: {  	_ =	shalt  }
0x6c: {  	_ =	shalt  }
0x6d: {  	_ =	shalt  }
0x6e: {  	_ =	shalt  }
0x6f: {  	_ =	shalt  }
0x70: {  	_ =	shalt  }
0x71: {  	_ =	shalt  }
0x72: {  	_ =	shalt  }
0x73: {  	_ =	shalt  }
0x74: {  	_ =	shalt  }
0x75: {  	_ =	shalt  }
0x76: {  	_ =	shalt  }
0x77: {  	_ =	shalt  }
0x78: {  	_ =	shalt  }
0x79: {  	_ =	shalt  }
0x7a: {  	_ =	shalt  }
0x7b: {  	_ =	shalt  }
0x7c: {  	_ =	shalt  }
0x7d: {  	_ =	shalt  }
0x7e: {  	_ =	shalt  }
0x7f: {  	_ =	shalt  }
0x80: {  	_ =	shalt  }
0x81: {  	_ =	shalt  }
0x82: {  	_ =	shalt  }
0x83: {  	_ =	shalt  }
0x84: {  	_ =	shalt  }
0x85: {  	_ =	shalt  }
0x86: {  	_ =	shalt  }
0x87: {  	_ =	shalt  }
.Lfunc_end0:
.L_simem_size_0:
called_computation.1_lowered:
.L_overlay_start_0:
0x88: {  	s2 =	sld [smem:$0x3FD9]  }
0x89: {  	s3 =	sld [smem:$0x3FFE];
	_ =	sdelay $0x1  }
0x8a: {  	s1 =	srdreg.scid  }
0x8b: {  	s0 =	sand.u32 $0x1, s1  }
0x8c: {  	s14 =	sshll.u32 s0, $0xA;
	s2 =	sadd.s32 s3, s2  }
0x8d: {  	s2 =	sadd.s32 s2, s14  }
0x8e: {  	[smem:$0x3FC5] =	sst s2  }
0x8f: {  	_ = 	snop  }
0x90: {  	s2 =	sld [smem:$0x3FD0];
	_ =	sdelay $0x2  }
0x91: {  	s15 =	simm.s32 $0xA;
	s4 =	simm.s32 $0x10  }
0x92: {  	[smem:s4], [sflag:s15] =	dma.local [hbm:s2], $0x1  }
0x93: {  	_ =	swait.eq [sflag:s15], $0x1  }
0x94: {  	s16 =	sld [smem:$0x10];
	[sflag:s15] =	ssyncset.done $0x0  }
0x95: {  	s17 =	sld [smem:$0x11];
	[sflag:s15] =	ssyncadd.s32 $0xFFFFFFFF  }
0x96: {  	s18 =	sld [smem:$0x12];
	(tm) =	ssettm $0x1  }
0x97: {  	s5 =	sld [smem:$0x3FFB];
	_ =	sdelay $0x3  }
0x98: {  	_ =	strace s5  }
0x99: {  	s5 =	sld [smem:$0x3FFC];
	_ =	sdelay $0x3  }
0x9a: {  	_ =	strace s5  }
0x9b: {  	s5 =	sld [smem:$0x3FFD];
	_ =	sdelay $0x3  }
0x9c: {  	_ =	strace s5  }
0x9d: {  	_ =	strace $0x8FFFFFFF  }
0x9e: {  	s19 =	sld [smem:$0x3FDB];
	_ =	sdelay $0x1  }
0x9f: {  	s6 =	simm.s32 $_scs_section_size  }
0xa0: {  	s7 =	simm.s32 $_size__tile_overlayer_lowered;
	s8 =	simm.s32 $_tile_overlayer_lowered  }
0xa1: {  	s22 =	simm.s32 $0x1BFF;
	s21 =	sshll.u32 s8, $0x1;
	s5 =	sadd.s32 s6, s19  }
0xa2: {  	s9 =	simm.s32 $0x0;
	s20 =	sshll.u32 s7, $0x1;
	s7 =	sadd.s32 s21, s5  }
0xa3: {  	[timem:s9], [sflag:s22] =	dma.local [hbm:s7], s20  }
0xa4: {  	_ =	swait.ge [sflag:s22], s20  }
0xa5: {  	s6 =	ssub.s32 $0x0, s20;
	[sflag:s22] =	ssyncset.done $0x0  }
0xa6: {  	[sflag:s22] =	ssyncadd.s32 s6;
	_ =	sdelay $0x1  }
0xa7: {  	s23 =	simm.s32 $0x1B8B  }
0xa8: {  	_ =	swait.ge [sflag:s23], $0x1  }
0xa9: {  	[sflag:s23] =	ssyncset.done $0x0  }
0xaa: {  	s25 =	simm.s32 $0x1B8E;
	s24 =	sld [smem:$0x3FFE];
	[sflag:s23] =	ssyncadd.s32 $0xFFFFFFFF  }
0xab: {  	s26 =	simm.s32 $execute0_lowered;
	[smem:$0x3FD2] =	sst s25  }
0xac: {  	s7 =	sshll.u32 s26, $0x1;
	_ =	strace $0x80000049;
	[dreg:$0x1] =	wrdreg $0xFFFFFFFF  }
0xad: {  	s28 =	simm.s32 $_size_execute0_lowered;
	s5 =	sadd.s32 s5, s7;
	[dreg:$0x0] =	wrdreg $0x0  }
0xae: {  	s7 =	sshll.u32 s28, $0x1;
	[dreg:$0x2] =	wrdreg s5  }
0xaf: {  	[dreg:$0x3] =	wrdreg s7  }
0xb0: {  	[dreg:$0x4] =	wrdreg $0xC0  }
0xb1: {  	_ =	task [dreg:s9], $0x5FFFF  }
0xb2: {  	[dreg:$0x1] =	wrdreg $0xFFFFFFFF  }
0xb3: {  	[dreg:$0x0] =	wrdreg $0x60  }
0xb4: {  	[dreg:$0x2] =	wrdreg s24  }
0xb5: {  	[dreg:$0x3] =	wrdreg s18  }
0xb6: {  	[dreg:$0x4] =	wrdreg s16  }
0xb7: {  	[dreg:$0x5] =	wrdreg s17  }
0xb8: {  	[dreg:$0x6] =	wrdreg $0x9  }
0xb9: {  	_ =	task.clear_ibuf [dreg:s9], $0x7FFFF;
	_ =	strace $0x90000049  }
0xba: {  	s29 =	simm.s32 $0x9;
	_ =	strace $0x8000004B  }
0xbb: {  	_ =	swait.ge [sflag:s29], $0x1  }
0xbc: {  	[sflag:s29] =	ssyncadd.s32 $0xFFFFFFFF  }
0xbd: {  	_ =	strace $0x9000004B  }
0xbe: {  	_ =	sfence  }
0xbf: {  	s30 =	sld [smem:$0x0];
	_ =	sdelay $0x2  }
0xc0: {  	s31 =	sshll.u32 s1, $0xD;
	s1 =	sshrl.u32 s1, $0x2  }
0xc1: {  	s3 =	sand.u32 $0x4000, s31;
	s1 =	sadd.s32 s1, s30  }
0xc2: {  	s0 =	sor.u32 s3, s0;
	s1 =	sshll.u32 s1, $0x11  }
0xc3: {  	s0 =	sor.u32 s1, s0  }
0xc4: {  	s0 =	sadd.s32 $0x8F2B, s0  }
0xc5: {  	[sflag:s0] =	ssyncadd.remote.s32 $0x1  }
0xc6: {  	_ =	sfence.sel $0xFFFF  }
0xc7: {  	[dreg:$0x0] =	wrdreg $0xFFFFFFFF;
	(pc) =	sbr.abs _section_cstart, $3  }
0xc8: {  	[dreg:$0x1] =	wrdreg $0xFFFFFFFF  }
0xc9: {  	_ =	task.clear_ibuf [dreg:s9], $0x2FFFF;
	_ =	strace $0x9FFFFFFF  }
0xca: {  	(tm) =	ssettm $0x7FFFFFFF  }
0xcb: {  	_ =	shalt  }
tec
execute0_lowered:
.L_overlay_start_1:
0x0: {  	(tag) =	ssettag $0x1  }
0x1: {  	s2 =	stileid.u32  }
0x2: {  	p0 =	sgt.u32 s2, $0x7  }
.Ltmp0:
0x3: {  	s4 =	rddreg [dreg:$0x0];
	(pc) =	sbr.rel @p0 .LBB2_7-.Ltmp0, $4  }
0x4: {  	s3 =	rddreg [dreg:$0x1]  }
0x5: {  	s0 =	rddreg [dreg:$0x2];
	s5 =	simm.s32 $0x0  }
0x6: {  	[smem:$0x7FF] =	sst s5  }
0x7: {  	s1 =	rddreg [dreg:$0x3];
	_ =	strace $0x8000004A  }
0x8: {  	s5 =	srdreg.scid;
	s2 =	stileid.u32  }
0x9: {  	s5 =	sand.u32 $0x1, s5;
	s6 =	sshll.u32 s2, $0x1  }
0xa: {  	s6 =	sor.u32 s5, s6  }
0xb: {  	s9 =	sadd.s32 $0xAC00, s4;
	s10 =	sshll.u32 s6, $0x1  }
0xc: {  	s17 =	simm.s32 $0x7CA0;
	s2 =	simm.s32 $0x1;
	s10 =	sadd.s32 s10, s4  }
0xd: {  	s5 =	ssub.s32 $0x2, s5;
	s7 =	smul.u32 $0x30, s6;
	s22 =	sadd.s32 $0xE00, s10  }
0xe: {  	v0 =	vimm.s32 $0xECA86420;
	s8 =	smul.u32 $0x2710, s6;
	s23 =	sadd.s32 $0xC00, s10;
	[dreg:$0x6] =	wrdreg s22  }
0xf: {  	v1 =	vlaneseq.u32;
	vm0 =	vcmask $0xB08;
	vm1 =	vcmask $0x1310;
	s25 =	smul.u32 $0xC0, s6;
	s26 =	sadd.s32 s3, s7;
	[dreg:$0x7] =	wrdreg s23  }
0x10: {  	vm2 =	vcmask $0x1B18;
	vm3 =	vcmask $0x300;
	vm5 =	vcmask $0x2320;
	s6 =	smul.u32 $0xF00, s6;
	s0 =	sadd.s32 s0, s7;
	[dreg:$0x9] =	wrdreg s26  }
0x11: {  	vm4 =	vcmask $0x2B28;
	vm14 =	vcmask $0x3330;
	vm7 =	vcmask $0x3B38;
	s28 =	sshrl.u32 s5, $0x1;
	s29 =	sadd.s32 s1, s25;
	[dreg:$0xa] =	wrdreg s0  }
0x12: {  	vm8 =	vmmov $0xff;
	v2 =	vunpack.c.l.s4.s8 v0;
	v0 =	vimm.s32 $0x0;
	s11 =	sadd.s32 s7, s4;
	s31 =	sadd.s32 s9, s6;
	[dreg:$0xb] =	wrdreg s29  }
0x13: {  	v3 =	vmul.u32 $0x2, v1;
	v4 =	vmul.u32 $0xFFFFFFFF, v1;
	v5 =	vor.u32 $0x10, v1;
	s20 =	sadd.s32 s8, s4;
	s21 =	sadd.s32 $0x19C00, s11;
	[dreg:$0xc] =	wrdreg s31  }
0x14: {  	v7 =	vor.u32 $0x20, v1;
	v9 =	vor.u32 $0x30, v1;
	v11 =	vor.u32 $0x40, v1;
	s30 =	ssub.s32 s5, s28;
	s24 =	sadd.s32 $0x1A000, s20;
	[dreg:$0x5] =	wrdreg s21  }
0x15: {  	v13 =	vand.u32 $0x3, v1;
	v2 =	vunpack.c.0.s8.s32 v2;
	v6 =	vadd.s32 $0xFFFFFFF0, v4;
	s3 =	simm.s32 $0x7800;
	s0 =	smax.u32 s30, $0x1;
	[dreg:$0x8] =	wrdreg s24  }
0x16: {  	v8 =	vadd.s32 $0xFFFFFFE0, v4;
	v10 =	vadd.s32 $0xFFFFFFD0, v4;
	v12 =	vadd.s32 $0xFFFFFFC0, v4;
	s4 =	simm.s32 $0x7E20;
	s1 =	simm.s32 $0x0;
	[dreg:$0xd] =	wrdreg s0  }
.LBB2_2:
0x17: {  	[dreg:$0xe] =	wrdreg s1  }
0x18: {  	s5 =	simm.s32 $0x0;
	s0 =	rddreg [dreg:$0xc]  }
0x19: {  	[tilespmem:s5], [sflag:$0x1] =	stream.linear.gather [hbm4b:s0+s5], $0x7800, $0x38;
	[tilespmem:$0x1BCA0] =	vst v63  }
0x1a: {  	_ =	swait.ge [sflag:s2], $0x7800  }
0x1b: {  	[sflag:s2] =	ssyncset.done $0x0  }
0x1c: {  	s25 =	rddreg [dreg:$0x5];
	[sflag:s2] =	ssyncadd.s32 $0xFFFF8800  }
0x1d: {  	[tilespmem:s3], [sflag:$0x1] =	stream.linear.gather [hbm4b:s25+s5], $0x180, $0x38;
	[tilespmem:$0x1BCA0] =	vst v63  }
0x1e: {  	_ =	swait.ge [sflag:s2], $0x180  }
0x1f: {  	[sflag:s2] =	ssyncset.done $0x0  }
0x20: {  	s28 =	simm.s32 $0x7980;
	s26 =	rddreg [dreg:$0x6];
	[sflag:s2] =	ssyncadd.s32 $0xFFFFFE80  }
0x21: {  	[tilespmem:s28], [sflag:$0x1] =	stream.linear.gather [hbm4b:s26+s5], $0x10, $0x38;
	[tilespmem:$0x1BCA0] =	vst v63  }
0x22: {  	_ =	swait.ge [sflag:s2], $0x10  }
0x23: {  	[sflag:s2] =	ssyncset.done $0x0  }
0x24: {  	s30 =	simm.s32 $0x7990;
	s29 =	rddreg [dreg:$0x7];
	[sflag:s2] =	ssyncadd.s32 $0xFFFFFFF0  }
0x25: {  	[tilespmem:s30], [sflag:$0x1] =	stream.linear.gather [hbm4b:s29+s5], $0x10, $0x38;
	[tilespmem:$0x1BCA0] =	vst v63  }
0x26: {  	_ =	swait.ge [sflag:s2], $0x10  }
0x27: {  	[sflag:s2] =	ssyncset.done $0x0  }
0x28: {  	s31 =	rddreg [dreg:$0x8];
	[sflag:s2] =	ssyncadd.s32 $0xFFFFFFF0  }
0x29: {  	[tilespmem:s4], [sflag:$0x1] =	stream.linear.gather [hbm4b:s31+s5], $0x13880, $0x38;
	[tilespmem:$0x1BCA0] =	vst v63  }
0x2a: {  	_ =	swait.ge [sflag:s2], $0x13880  }
0x2b: {  	[sflag:s2] =	ssyncset.done $0x0  }
0x2c: {  	[sflag:s2] =	ssyncadd.s32 $0xFFFEC780  }
0x2d: {  	[tilespmem:$0x7CA0] =	vst v0  }
0x2e: {  	[tilespmem:$0x7CB0] =	vst v0  }
0x2f: {  	[tilespmem:$0x7CC0] =	vst v0  }
0x30: {  	[tilespmem:$0x7CD0] =	vst v0  }
0x31: {  	[tilespmem:$0x7CE0] =	vst v0  }
0x32: {  	[tilespmem:$0x7CF0] =	vst v0  }
0x33: {  	[tilespmem:$0x7D00] =	vst v0  }
0x34: {  	[tilespmem:$0x7D10] =	vst v0  }
0x35: {  	[tilespmem:$0x7D20] =	vst v0  }
0x36: {  	[tilespmem:$0x7D30] =	vst v0  }
0x37: {  	[tilespmem:$0x7D40] =	vst v0  }
0x38: {  	[tilespmem:$0x7D50] =	vst v0  }
0x39: {  	[tilespmem:$0x7D60] =	vst v0  }
0x3a: {  	[tilespmem:$0x7D70] =	vst v0  }
0x3b: {  	[tilespmem:$0x7D80] =	vst v0  }
0x3c: {  	[tilespmem:$0x7D90] =	vst v0  }
0x3d: {  	[tilespmem:$0x7DA0] =	vst v0  }
0x3e: {  	[tilespmem:$0x7DB0] =	vst v0  }
0x3f: {  	[tilespmem:$0x7DC0] =	vst v0  }
0x40: {  	[tilespmem:$0x7DD0] =	vst v0  }
0x41: {  	[tilespmem:$0x7DE0] =	vst v0  }
0x42: {  	[tilespmem:$0x7DF0] =	vst v0  }
0x43: {  	v14 =	vld [tilespmem:$0x7980];
	[tilespmem:$0x7E00] =	vst v0  }
0x44: {  	s0 =	simm.s32 $0x0;
	s25 =	simm.s32 $0x0;
	s2 =	simm.s32 $0x20;
	v15 =	vld [tilespmem:$0x7990];
	[tilespmem:$0x7E10] =	vst v0  }
.LBB2_3:
0x45: {  	v16 =	vmov s0;
	_ =	sdelay $0x4  }
0x46: {  	v16 =	vld.idx.msk [tilespmem:v16+s3+$0x0], $0xffff;
	_ =	sdelay $0x4  }
0x47: {  	v16 =	vmul.u32 $0x50, v16;
	_ =	sdelay $0x1  }
0x48: {  	v18 =	vor.u32 v1, v16  }
0x49: {  	(v2sf) =	vpush v18, $0xD;
	_ =	sdelay $0x1  }
0x4a: {  	(v2sf) =	vpush v18, $0xC;
	_ =	sdelay $0x1  }
0x4b: {  	(v2sf) =	vpush v18, $0xE;
	_ =	sdelay $0x1  }
0x4c: {  	(v2sf) =	vpush v18, $0xF;
	_ =	sdelay $0x1  }
0x4d: {  	(v2sf) =	vpush v18, $0x9;
	_ =	sdelay $0x1  }
0x4e: {  	(v2sf) =	vpush v18, $0x8;
	_ =	sdelay $0x1  }
0x4f: {  	(v2sf) =	vpush v18, $0xA;
	_ =	sdelay $0x2  }
0x50: {  	s22 =	spop (v2sf);
	(v2sf) =	vpush v18, $0xB  }
0x51: {  	[dreg:$0x10] =	wrdreg s0;
	s1 =	smulhi.u32 $0x66666667, s22;
	s0 =	sshra.s32 s22, $0x1F  }
0x52: {  	s23 =	spop (v2sf);
	(v2sf) =	vpush v18, $0x0;
	s0 =	smul.u32 $0x66666667, s0  }
0x53: {  	s4 =	smulhi.u32 $0x66666667, s23;
	s3 =	sshra.s32 s23, $0x1F;
	(v2sf) =	vpush v18, $0x1  }
0x54: {  	s24 =	spop (v2sf);
	s5 =	smul.u32 $0x66666667, s3;
	(v2sf) =	vpush v18, $0x2  }
0x55: {  	[dreg:$0xf] =	wrdreg s2;
	s6 =	smulhi.u32 $0x66666667, s24;
	s3 =	sshra.s32 s24, $0x1F;
	(v2sf) =	vpush v18, $0x3  }
0x56: {  	s26 =	spop (v2sf);
	s7 =	smul.u32 $0x66666667, s3;
	(v2sf) =	vpush v18, $0x4  }
0x57: {  	s8 =	smulhi.u32 $0x66666667, s26;
	s3 =	sshra.s32 s26, $0x1F;
	s26 =	sadd.s32 s0, s1;
	(v2sf) =	vpush v18, $0x5  }
0x58: {  	s29 =	spop (v2sf);
	s28 =	smul.u32 $0x66666667, s3;
	s3 =	sshrl.u32 s26, $0x1F;
	(v2sf) =	vpush v18, $0x6  }
0x59: {  	s9 =	smulhi.u32 $0x66666667, s29;
	s10 =	sshra.s32 s29, $0x1F;
	s0 =	sadd.s32 s5, s4;
	(v2sf) =	vpush v18, $0x7  }
0x5a: {  	s31 =	spop (v2sf);
	s30 =	smul.u32 $0x66666667, s10;
	s10 =	sshrl.u32 s0, $0x1F  }
0x5b: {  	s11 =	smulhi.u32 $0x66666667, s31;
	s5 =	sshra.s32 s31, $0x1F;
	s29 =	sadd.s32 s7, s6  }
0x5c: {  	s12 =	spop (v2sf);
	s0 =	sshra.s32 s0, $0x5;
	s5 =	smul.u32 $0x66666667, s5  }
0x5d: {  	v19 =	vld [tilespmem:s2+$0xFFFFFFE0];
	s7 =	sshrl.u32 s29, $0x1F;
	s14 =	smulhi.u32 $0x66666667, s12;
	s6 =	sshra.s32 s12, $0x1F  }
0x5e: {  	s28 =	sadd.s32 s28, s8;
	s30 =	sadd.s32 s30, s9;
	s13 =	smul.u32 $0x66666667, s6  }
0x5f: {  	s6 =	sshrl.u32 s28, $0x1F;
	s8 =	sshrl.u32 s30, $0x1F;
	s15 =	spop (v2sf)  }
0x60: {  	s1 =	sadd.s32 s5, s11;
	s16 =	smulhi.u32 $0x66666667, s15;
	s4 =	sshra.s32 s15, $0x1F  }
0x61: {  	s5 =	sshrl.u32 s1, $0x1F;
	s21 =	spop (v2sf);
	s4 =	smul.u32 $0x66666667, s4  }
0x62: {  	vm9 =	veq.f32 v19, v14;
	vm10 =	vle.s32 v18, v15;
	s15 =	spop (v2sf);
	s19 =	smulhi.u32 $0x66666667, s21;
	s11 =	sshra.s32 s21, $0x1F  }
0x63: {  	vm11 =	vgt.f32 v19, v14;
	vm9 =	vmand vm9, vm10;
	s31 =	sadd.s32 s13, s14;
	s20 =	spop (v2sf);
	s22 =	smul.u32 $0x66666667, s11  }
0x64: {  	vm9 =	vmor vm11, vm9;
	s1 =	sshra.s32 s1, $0x5;
	s23 =	smulhi.u32 $0x66666667, s15;
	s9 =	spop (v2sf)  }
0x65: {  	v17 =	vmpcnt.ones.xlane vm9;
	s15 =	sshra.s32 s15, $0x1F;
	s14 =	sadd.s32 s4, s16;
	s2 =	spop (v2sf)  }
0x66: {  	s15 =	smul.u32 $0x66666667, s15;
	s4 =	sadd.s32 s22, s19;
	s19 =	spop (v2sf)  }
0x67: {  	v17 =	vxor.u32 $0x80000000, v17;
	s22 =	smulhi.u32 $0x66666667, s20;
	s20 =	sshra.s32 s20, $0x1F;
	s21 =	spop (v2sf)  }
0x68: {  	(xrf0) =	vmax.scan.msk.u32 $0xffff, v17;
	v17 =	vmov s10;
	s18 =	sshrl.u32 s31, $0x1F;
	s24 =	smul.u32 $0x66666667, s20;
	s13 =	spop (v2sf)  }
0x69: {  	v17 =	vsel vm0, s3, v17;
	s11 =	sadd.s32 s15, s23;
	s12 =	smulhi.u32 $0x66666667, s13;
	s20 =	sshra.s32 s13, $0x1F  }
0x6a: {  	v17 =	vsel vm1, s7, v17;
	v20 =	vmov s5;
	s10 =	sadd.s32 s24, s22;
	s22 =	sshrl.u32 s4, $0x1F;
	s16 =	smul.u32 $0x66666667, s20  }
0x6b: {  	v21 =	vsel vm2, s6, v17;
	v17 =	vsel vm0, s8, v20;
	s23 =	sshrl.u32 s11, $0x1F;
	v47 =	vmov s22;
	s20 =	smulhi.u32 $0x66666667, s9;
	s9 =	sshra.s32 s9, $0x1F  }
0x6c: {  	v17 =	vsel vm1, s18, v17;
	s18 =	sshra.s32 s19, $0x1F;
	v20 =	vnsel vm3, $0x0, v47;
	s9 =	smul.u32 $0x66666667, s9;
	s15 =	sadd.s32 s16, s12  }
0x6d: {  	vm15 =	vcmask $0x704;
	s13 =	sshrl.u32 s14, $0x1F;
	v20 =	vsel vm0, s23, v20;
	s23 =	smulhi.u32 $0x66666667, s21;
	s24 =	sshra.s32 s15, $0x1F  }
0x6e: {  	vm12 =	vcmask $0xF0C;
	vm13 =	vcmask $0x1714;
	s16 =	smulhi.u32 $0x66666667, s2;
	s3 =	sadd.s32 s9, s20;
	s9 =	sshra.s32 s4, $0x5;
	v22 =	vmov s24  }
0x6f: {  	vm6 =	vmmov vm14;
	v48, _, _ =	vpop (xrf0);
	v23 =	vsel vm2, s13, v17;
	s2 =	sshra.s32 s2, $0x1F;
	s12 =	smulhi.u32 $0x66666667, s19;
	s4 =	sshra.s32 s4, $0x1F;
	v17 =	vsel vm3, s9, v22  }
0x70: {  	(v2sf) =	vpush v48, $0xF;
	s5 =	sshrl.u32 s10, $0x1F;
	s22 =	sshra.s32 s11, $0x5;
	s2 =	smul.u32 $0x66666667, s2;
	v24 =	vsel vm15, s4, v17;
	v17 =	vadd.s32 v5, v16  }
0x71: {  	vm10 =	vcmask $0x2F2C;
	v50 =	vmov s0;
	s11 =	sshra.s32 s11, $0x1F;
	s24 =	sshra.s32 s21, $0x1F;
	s9 =	smul.u32 $0x66666667, s18;
	(v2sf) =	vpush v17, $0xD  }
0x72: {  	v51 =	vmov s1;
	v20 =	vsel vm1, s5, v20;
	s19 =	sshrl.u32 s3, $0x1F;
	s2 =	sadd.s32 s2, s16;
	s16 =	smul.u32 $0x66666667, s24;
	v49 =	vsel vm0, s22, v24  }
0x73: {  	s18 =	sshra.s32 s10, $0x5;
	v20 =	vsel vm2, s19, v20;
	s6 =	sshrl.u32 s2, $0x1F;
	s19 =	sadd.s32 s9, s12;
	v22 =	vsel vm12, s11, v49;
	(v2sf) =	vpush v17, $0xC  }
0x74: {  	v21 =	vcombine.low v23, v21;
	s20 =	sshra.s32 s10, $0x1F;
	v20 =	vsel vm5, s6, v20;
	s5 =	sadd.s32 s16, s23;
	s21 =	sshrl.u32 s19, $0x1F;
	v22 =	vsel vm1, s18, v22  }
0x75: {  	s22 =	sshra.s32 s3, $0x5;
	s23 =	sshrl.u32 s5, $0x1F;
	v20 =	vsel vm4, s21, v20;
	(v2sf) =	vpush v17, $0xE;
	v22 =	vsel vm13, s20, v22  }
0x76: {  	s24 =	sshra.s32 s26, $0x5;
	s3 =	sshra.s32 s3, $0x1F;
	v20 =	vsel vm14, s23, v20;
	vm14 =	vcmask $0x1F1C;
	v22 =	vsel vm2, s22, v22  }
0x77: {  	s29 =	sshra.s32 s29, $0x5;
	s26 =	sshra.s32 s2, $0x5;
	v23 =	vsel vm0, s24, v50;
	(v2sf) =	vpush v17, $0xF;
	v22 =	vsel vm14, s3, v22  }
0x78: {  	s4 =	sshra.s32 s2, $0x1F;
	v23 =	vsel vm1, s29, v23;
	s6 =	sshra.s32 s30, $0x5;
	vm12 =	vcmask $0x2724;
	v22 =	vsel vm5, s26, v22  }
0x79: {  	s10 =	sshra.s32 s31, $0x5;
	s9 =	sshra.s32 s28, $0x5;
	s8 =	sshra.s32 s19, $0x5;
	v24 =	vsel vm0, s6, v51;
	(v2sf) =	vpush v17, $0x9;
	v22 =	vsel vm12, s4, v22  }
0x7a: {  	s12 =	sshra.s32 s14, $0x5;
	s11 =	sshra.s32 s19, $0x1F;
	v23 =	vsel vm2, s9, v23;
	v24 =	vsel vm1, s10, v24;
	v22 =	vsel vm4, s8, v22  }
0x7b: {  	s14 =	sshrl.u32 s15, $0x1F;
	s13 =	sshra.s32 s5, $0x5;
	v24 =	vsel vm2, s12, v24;
	(v2sf) =	vpush v17, $0x8;
	v22 =	vsel vm10, s11, v22  }
0x7c: {  	s16 =	sshra.s32 s5, $0x1F;
	v20 =	vsel vm7, s14, v20;
	vm10 =	vcmask $0x3734;
	v22 =	vsel vm6, s13, v22  }
0x7d: {  	s18 =	sshra.s32 s15, $0x5;
	v23 =	vcombine.low v24, v23;
	(v2sf) =	vpush v17, $0xA;
	v22 =	vsel vm10, s16, v22  }
0x7e: {  	v21 =	vperm.xlane v21, v2;
	v20 =	vperm.xlane v20, v3;
	v22 =	vsel vm7, s18, v22  }
0x7f: {  	s19 =	spop (v2sf);
	v23 =	vperm.xlane v23, v2;
	(v2sf) =	vpush v17, $0xB;
	v22 =	vperm.xlane v22, v3  }
0x80: {  	s20 =	spop (v2sf)  }
0x81: {  	v20 =	vsel vm8, v20, v21;
	(v2sf) =	vpush v17, $0x0;
	v52 =	vsel vm8, v22, v23;
	s21 =	smulhi.u32 $0x66666667, s20;
	s1 =	sshra.s32 s20, $0x1F  }
0x82: {  	v54 =	vshra.s32 v16, $0x1F;
	vm10 =	vgt.s32 v18, $0x0;
	v20 =	vadd.s32 v20, v52;
	s29 =	spop (v2sf);
	s1 =	smul.u32 $0x66666667, s1  }
0x83: {  	(v2sf) =	vpush v17, $0x1;
	v53 =	vsel vm10, $0x1, v0;
	v55 =	vmul.u32 $0xFFFFFFB0, v20;
	s30 =	smulhi.u32 $0x66666667, s29;
	s3 =	sshra.s32 s29, $0x1F  }
0x84: {  	v56 =	vsub.s32 v4, v16;
	v21 =	vadd.s32 v53, v54;
	s6 =	spop (v2sf);
	s3 =	smul.u32 $0x66666667, s3  }
0x85: {  	vm10 =	vne.s32 v21, $0x1;
	(v2sf) =	vpush v17, $0x2;
	s7 =	smulhi.u32 $0x66666667, s6;
	s4 =	sshra.s32 s6, $0x1F;
	vm11 =	vne.s32 v55, v56  }
0x86: {  	s9 =	spop (v2sf);
	s22 =	smul.u32 $0x66666667, s4;
	vm10 =	vmand vm11, vm10  }
0x87: {  	[tilespmem:s25+$0x79A0] =	vst.msk vm9, v19;
	(v2sf) =	vpush v17, $0x3;
	s10 =	smulhi.u32 $0x66666667, s9;
	s4 =	sshra.s32 s9, $0x1F;
	v57 =	vsel vm10, $0xFFFFFFFF, v0  }
0x88: {  	[tilespmem:s25+$0x7B20] =	vst.msk vm9, v18;
	s31 =	spop (v2sf);
	s16 =	smul.u32 $0x66666667, s4;
	v58 =	vadd.s32 v57, v20  }
0x89: {  	s11 =	rddreg [dreg:$0xf];
	(v2sf) =	vpush v17, $0x4;
	s12 =	smulhi.u32 $0x66666667, s31;
	s4 =	sshra.s32 s31, $0x1F;
	[tilespmem:s25+$0x7CA0] =	vst.msk vm9, v58  }
0x8a: {  	s0 =	sadd.s32 s19, s25;
	s13 =	spop (v2sf);
	s23 =	smul.u32 $0x66666667, s4;
	v59 =	vld [tilespmem:s11+$0xFFFFFFF0]  }
0x8b: {  	(v2sf) =	vpush v17, $0x5;
	s5 =	sadd.s32 s3, s30;
	s14 =	smulhi.u32 $0x66666667, s13;
	s4 =	sshra.s32 s13, $0x1F  }
0x8c: {  	s26 =	spop (v2sf);
	s8 =	sshrl.u32 s5, $0x1F;
	s24 =	smul.u32 $0x66666667, s4  }
0x8d: {  	(v2sf) =	vpush v17, $0x6;
	s22 =	sadd.s32 s22, s7;
	s15 =	smulhi.u32 $0x66666667, s26;
	s4 =	sshra.s32 s26, $0x1F  }
0x8e: {  	s5 =	sshra.s32 s5, $0x5;
	s28 =	spop (v2sf);
	(v2sf) =	vpush v17, $0x7;
	s18 =	smul.u32 $0x66666667, s4  }
0x8f: {  	vm10 =	vle.s32 v17, v15;
	s25 =	sadd.s32 $0x80000000, s0;
	s19 =	smulhi.u32 $0x66666667, s28;
	s4 =	sshra.s32 s28, $0x1F;
	vm9 =	veq.f32 v59, v14  }
0x90: {  	s0 =	sadd.s32 s1, s21;
	s29 =	spop (v2sf);
	s1 =	smul.u32 $0x66666667, s4;
	vm11 =	vgt.f32 v59, v14;
	vm9 =	vmand vm10, vm9  }
0x91: {  	s7 =	sshrl.u32 s22, $0x1F;
	s20 =	smulhi.u32 $0x66666667, s29;
	s2 =	sshra.s32 s29, $0x1F;
	vm9 =	vmor vm11, vm9  }
0x92: {  	s28 =	sadd.s32 s16, s10;
	s30 =	spop (v2sf);
	s2 =	smul.u32 $0x66666667, s2;
	v60 =	vmpcnt.ones.xlane vm9  }
0x93: {  	s4 =	sshrl.u32 s0, $0x1F;
	s21 =	smulhi.u32 $0x66666667, s30;
	s3 =	sshra.s32 s30, $0x1F  }
0x94: {  	s9 =	sshrl.u32 s28, $0x1F;
	s3 =	smul.u32 $0x66666667, s3;
	s31 =	spop (v2sf);
	v18 =	vxor.u32 $0x80000000, v60  }
0x95: {  	s11 =	sadd.s32 s23, s12;
	s26 =	smulhi.u32 $0x66666667, s31;
	s6 =	sshra.s32 s31, $0x1F;
	(xrf0) =	vmax.scan.msk.u32 $0xffff, v18  }
0x96: {  	s13 =	sadd.s32 s24, s14;
	s16 =	spop (v2sf);
	s6 =	smul.u32 $0x66666667, s6  }
0x97: {  	s15 =	sadd.s32 s18, s15;
	s29 =	smulhi.u32 $0x66666667, s16;
	s10 =	sshra.s32 s16, $0x1F  }
0x98: {  	s30 =	sadd.s32 s1, s19;
	s23 =	spop (v2sf);
	s10 =	smul.u32 $0x66666667, s10  }
0x99: {  	s1 =	sshra.s32 s22, $0x5;
	s24 =	smulhi.u32 $0x66666667, s23;
	s12 =	sshra.s32 s23, $0x1F  }
0x9a: {  	s2 =	sadd.s32 s2, s20;
	s12 =	smul.u32 $0x66666667, s12;
	s16 =	spop (v2sf)  }
0x9b: {  	v62 =	vmov s8;
	s21 =	sadd.s32 s3, s21;
	s23 =	smulhi.u32 $0x66666667, s16;
	s18 =	sshra.s32 s16, $0x1F;
	v18, _, _ =	vpop (xrf0)  }
0x9c: {  	v61 =	vadd.s32 v7, v16;
	v20 =	vsel vm0, s4, v62;
	s4 =	sshra.s32 s2, $0x5;
	s31 =	spop (v2sf);
	s18 =	smul.u32 $0x66666667, s18;
	(v2sf) =	vpush v18, $0xF  }
0x9d: {  	s16 =	smulhi.u32 $0x66666667, s31;
	s19 =	sshra.s32 s31, $0x1F;
	s31 =	spop (v2sf);
	(v2sf) =	vpush v61, $0xD  }
0x9e: {  	s26 =	sadd.s32 s6, s26;
	s20 =	smulhi.u32 $0x66666667, s31;
	s6 =	sshra.s32 s31, $0x1F  }
0x9f: {  	s29 =	sadd.s32 s10, s29;
	s10 =	sadd.s32 s12, s24;
	s14 =	smul.u32 $0x66666667, s6;
	(v2sf) =	vpush v61, $0xC  }
0xa0: {  	v27 =	vmov s5;
	v20 =	vsel vm1, s7, v20;
	s24 =	sshrl.u32 s13, $0x1F;
	s12 =	sshrl.u32 s2, $0x1F;
	s19 =	smul.u32 $0x66666667, s19  }
0xa1: {  	v20 =	vsel vm2, s9, v20;
	v63 =	vmov s24;
	s31 =	sshrl.u32 s11, $0x1F;
	s6 =	sadd.s32 s18, s23;
	s18 =	sadd.s32 s14, s20;
	(v2sf) =	vpush v61, $0xE  }
0xa2: {  	s22 =	sshrl.u32 s21, $0x1F;
	vm10 =	vcmask $0xF0C;
	s8 =	sshrl.u32 s26, $0x1F;
	v24 =	vmov s12;
	v21 =	vsel vm0, s31, v63;
	s31 =	sshra.s32 s18, $0x1F  }
0xa3: {  	s2 =	sshra.s32 s2, $0x1F;
	v22 =	vnsel vm3, $0x0, v24;
	s23 =	sshrl.u32 s15, $0x1F;
	s3 =	sadd.s32 s19, s16;
	v25 =	vmov s31;
	(v2sf) =	vpush v61, $0xF  }
0xa4: {  	v22 =	vsel vm0, s22, v22;
	s16 =	sshrl.u32 s30, $0x1F;
	s19 =	sshra.s32 s11, $0x5;
	s11 =	sshrl.u32 s29, $0x1F;
	v21 =	vsel vm1, s23, v21;
	v23 =	vsel vm3, s4, v25  }
0xa5: {  	v22 =	vsel vm1, s8, v22;
	s14 =	sshra.s32 s15, $0x5;
	s15 =	sshra.s32 s30, $0x5;
	s30 =	sshra.s32 s21, $0x5;
	v23 =	vsel vm15, s2, v23;
	(v2sf) =	vpush v61, $0x9  }
0xa6: {  	s23 =	sshra.s32 s26, $0x5;
	s20 =	sshra.s32 s0, $0x5;
	s21 =	sshra.s32 s21, $0x1F;
	v21 =	vsel vm2, s16, v21;
	v23 =	vsel vm0, s30, v23;
	(v2sf) =	vpush v61, $0x8  }
0xa7: {  	s0 =	sshra.s32 s28, $0x5;
	s28 =	sshra.s32 s13, $0x5;
	s13 =	sshrl.u32 s10, $0x1F;
	v22 =	vsel vm2, s11, v22;
	v20 =	vcombine.low v21, v20;
	v26 =	vsel vm10, s21, v23  }
0xa8: {  	s24 =	sshra.s32 s26, $0x1F;
	s7 =	sshrl.u32 s6, $0x1F;
	v22 =	vsel vm5, s13, v22;
	v21 =	vsel vm1, s23, v26;
	(v2sf) =	vpush v61, $0xA  }
0xa9: {  	v28 =	vmov s28;
	v22 =	vsel vm4, s7, v22;
	s2 =	sshra.s32 s29, $0x5;
	v21 =	vsel vm13, s24, v21  }
0xaa: {  	s9 =	sshrl.u32 s3, $0x1F;
	s16 =	sshra.s32 s29, $0x1F;
	v24 =	vsel vm0, s19, v28;
	(v2sf) =	vpush v61, $0xB;
	v21 =	vsel vm2, s2, v21  }
0xab: {  	s22 =	sshra.s32 s10, $0x5;
	v22 =	vsel vm6, s9, v22;
	(v2sf) =	vpush v61, $0x0;
	v21 =	vsel vm14, s16, v21;
	s26 =	spop (v2sf)  }
0xac: {  	s10 =	sshra.s32 s10, $0x1F;
	s13 =	sshra.s32 s6, $0x5;
	v24 =	vsel vm1, s14, v24;
	v21 =	vsel vm5, s22, v21;
	(v2sf) =	vpush v61, $0x1;
	s31 =	spop (v2sf)  }
0xad: {  	s6 =	sshra.s32 s6, $0x1F;
	v20 =	vperm.xlane v20, v2;
	v21 =	vsel vm12, s10, v21;
	(v2sf) =	vpush v61, $0x2;
	s8 =	smulhi.u32 $0x66666667, s31;
	s29 =	sshra.s32 s31, $0x1F  }
0xae: {  	s4 =	sshrl.u32 s18, $0x1F;
	v23 =	vsel vm0, s20, v27;
	vm12 =	vcmask $0x2F2C;
	v21 =	vsel vm4, s13, v21;
	s30 =	spop (v2sf);
	s11 =	smul.u32 $0x66666667, s29  }
0xaf: {  	v24 =	vsel vm2, s15, v24;
	s23 =	sshra.s32 s3, $0x5;
	v23 =	vsel vm1, s1, v23;
	v21 =	vsel vm12, s6, v21;
	s21 =	smulhi.u32 $0x66666667, s30;
	s12 =	sshra.s32 s30, $0x1F  }
0xb0: {  	v23 =	vsel vm2, s0, v23;
	vm13 =	vcmask $0x3734;
	v21 =	vsel vm6, s23, v21;
	s31 =	spop (v2sf);
	s29 =	sshra.s32 s3, $0x1F;
	s7 =	smul.u32 $0x66666667, s12  }
0xb1: {  	v22 =	vsel vm7, s4, v22;
	v23 =	vcombine.low v24, v23;
	s16 =	sshra.s32 s18, $0x5;
	s24 =	smulhi.u32 $0x66666667, s31;
	s12 =	sshra.s32 s31, $0x1F;
	v21 =	vsel vm13, s29, v21  }
0xb2: {  	v22 =	vperm.xlane v22, v3;
	(v2sf) =	vpush v61, $0x3;
	s30 =	spop (v2sf);
	s12 =	smul.u32 $0x66666667, s12;
	v21 =	vsel vm7, s16, v21  }
0xb3: {  	v23 =	vperm.xlane v23, v2;
	(v2sf) =	vpush v61, $0x4;
	s20 =	smulhi.u32 $0x66666667, s30;
	s3 =	sshra.s32 s30, $0x1F;
	v21 =	vperm.xlane v21, v3  }
0xb4: {  	(v2sf) =	vpush v61, $0x5;
	s28 =	sadd.s32 s11, s8;
	s10 =	spop (v2sf);
	s31 =	smul.u32 $0x66666667, s3  }
0xb5: {  	v20 =	vsel vm8, v22, v20;
	(v2sf) =	vpush v61, $0x6;
	s11 =	smulhi.u32 $0x66666667, s10;
	s30 =	sadd.s32 s7, s21;
	s21 =	spop (v2sf);
	v21 =	vsel vm8, v21, v23  }
0xb6: {  	(v2sf) =	vpush v61, $0x7;
	s22 =	smulhi.u32 $0x66666667, s21;
	s23 =	sshra.s32 s21, $0x1F;
	v20 =	vadd.s32 v20, v21  }
0xb7: {  	s29 =	sadd.s32 s12, s24;
	s6 =	spop (v2sf);
	s24 =	smul.u32 $0x66666667, s23;
	v21 =	vmul.u32 $0xFFFFFFB0, v20  }
0xb8: {  	v29 =	vsub.s32 v6, v16;
	s7 =	smulhi.u32 $0x66666667, s6;
	s0 =	sshra.s32 s6, $0x1F  }
0xb9: {  	vm10 =	vlt.s32 v17, $0x1;
	s3 =	sshra.s32 s10, $0x1F;
	s13 =	spop (v2sf);
	s12 =	smul.u32 $0x66666667, s0;
	vm11 =	vne.s32 v21, v29  }
0xba: {  	s31 =	sadd.s32 s31, s20;
	s9 =	smulhi.u32 $0x66666667, s13;
	s20 =	spop (v2sf);
	vm10 =	vmand vm10, vm11  }
0xbb: {  	[tilespmem:s25+$0x79A0] =	vst.msk vm9, v59;
	s14 =	sshra.s32 s13, $0x1F;
	s1 =	sshra.s32 s20, $0x1F;
	v30 =	vsel vm10, $0xFFFFFFFF, v0;
	s21 =	spop (v2sf)  }
0xbc: {  	[tilespmem:s25+$0x7B20] =	vst.msk vm9, v17;
	s2 =	smul.u32 $0x66666667, s1;
	s1 =	sadd.s32 s12, s7;
	v17 =	vadd.s32 v30, v20;
	s23 =	spop (v2sf)  }
0xbd: {  	[tilespmem:s25+$0x7CA0] =	vst.msk vm9, v17;
	s12 =	smulhi.u32 $0x66666667, s23;
	s13 =	sshra.s32 s23, $0x1F;
	s23 =	rddreg [dreg:$0xf]  }
0xbe: {  	s18 =	sshrl.u32 s28, $0x1F;
	s19 =	smul.u32 $0x66666667, s3;
	s3 =	sshrl.u32 s30, $0x1F;
	v17 =	vld [tilespmem:s23+$0x0]  }
0xbf: {  	s30 =	sshra.s32 s30, $0x5;
	s4 =	sshrl.u32 s29, $0x1F;
	s15 =	smul.u32 $0x66666667, s14  }
0xc0: {  	s0 =	sadd.s32 s19, s11;
	s11 =	smulhi.u32 $0x66666667, s20;
	s14 =	sadd.s32 s24, s22  }
0xc1: {  	s5 =	smulhi.u32 $0x66666667, s21;
	s22 =	sshra.s32 s21, $0x1F;
	s21 =	spop (v2sf)  }
0xc2: {  	s8 =	sshrl.u32 s31, $0x1F;
	s24 =	smul.u32 $0x66666667, s22;
	s16 =	spop (v2sf)  }
0xc3: {  	s15 =	sadd.s32 s15, s9;
	vm11 =	vle.s32 v61, v15;
	s9 =	smul.u32 $0x66666667, s13;
	s10 =	spop (v2sf);
	vm10 =	veq.f32 v17, v14  }
0xc4: {  	s13 =	smulhi.u32 $0x66666667, s21;
	s7 =	sshra.s32 s21, $0x1F;
	s20 =	spop (v2sf);
	vm9 =	vgt.f32 v17, v14;
	vm10 =	vmand vm11, vm10  }
0xc5: {  	s2 =	sadd.s32 s2, s11;
	s7 =	smul.u32 $0x66666667, s7;
	s22 =	spop (v2sf);
	vm9 =	vmor vm9, vm10  }
0xc6: {  	s5 =	sadd.s32 s24, s5;
	s24 =	smulhi.u32 $0x66666667, s22;
	s11 =	sshra.s32 s22, $0x1F;
	v36 =	vmpcnt.ones.xlane vm9  }
0xc7: {  	v31 =	vmov s3;
	s19 =	sshrl.u32 s0, $0x1F;
	s3 =	sshrl.u32 s14, $0x1F;
	s11 =	smul.u32 $0x66666667, s11  }
0xc8: {  	s21 =	sshrl.u32 s1, $0x1F;
	s6 =	smulhi.u32 $0x66666667, s16;
	s9 =	sadd.s32 s9, s12;
	v23 =	vxor.u32 $0x80000000, v36  }
0xc9: {  	v41 =	vadd.s32 v9, v16;
	v35 =	vmov s30;
	v19 =	vsel vm0, s18, v31;
	s12 =	sshrl.u32 s15, $0x1F;
	s22 =	sshrl.u32 s2, $0x1F;
	s18 =	sadd.s32 s11, s24;
	(xrf0) =	vmax.scan.msk.u32 $0xffff, v23  }
0xca: {  	v19 =	vsel vm1, s4, v19;
	v34 =	vmov s3;
	s23 =	sshrl.u32 s5, $0x1F;
	s4 =	sadd.s32 s7, s13;
	v32 =	vmov s22;
	s11 =	sshra.s32 s18, $0x1F  }
0xcb: {  	v22 =	vsel vm0, s19, v34;
	s13 =	sshrl.u32 s9, $0x1F;
	v20 =	vnsel vm3, $0x0, v32;
	s24 =	sshra.s32 s16, $0x1F;
	s16 =	sshra.s32 s2, $0x5;
	v33 =	vmov s11  }
0xcc: {  	v22 =	vsel vm1, s21, v22;
	s22 =	sshra.s32 s5, $0x5;
	s2 =	sshra.s32 s2, $0x1F;
	v20 =	vsel vm0, s23, v20;
	s23 =	smulhi.u32 $0x66666667, s20;
	v21 =	vsel vm3, s16, v33  }
0xcd: {  	v19 =	vsel vm2, s8, v19;
	v22 =	vsel vm2, s12, v22;
	s5 =	sshra.s32 s5, $0x1F;
	s8 =	smul.u32 $0x66666667, s24;
	s24 =	sshra.s32 s20, $0x1F;
	v21 =	vsel vm15, s2, v21  }
0xce: {  	vm10 =	vcmask $0xF0C;
	v20 =	vsel vm1, s13, v20;
	s13 =	sshra.s32 s9, $0x5;
	s20 =	sshra.s32 s9, $0x1F;
	s9 =	sshra.s32 s14, $0x5;
	v21 =	vsel vm0, s22, v21  }
0xcf: {  	s0 =	sshra.s32 s0, $0x5;
	v19 =	vcombine.low v22, v19;
	v37 =	vmov s9;
	s3 =	sadd.s32 s8, s6;
	s8 =	smul.u32 $0x66666667, s24;
	v21 =	vsel vm10, s5, v21;
	v40, _, _ =	vpop (xrf0)  }
0xd0: {  	s7 =	sshra.s32 s28, $0x5;
	s12 =	sshra.s32 s1, $0x5;
	s11 =	smulhi.u32 $0x66666667, s10;
	vm15 =	vcmask $0x1714;
	v21 =	vsel vm1, s13, v21;
	(v2sf) =	vpush v40, $0xF  }
0xd1: {  	s10 =	sshra.s32 s10, $0x1F;
	v24 =	vsel vm0, s0, v37;
	s6 =	sadd.s32 s8, s23;
	s23 =	sshra.s32 s4, $0x5;
	v21 =	vsel vm15, s20, v21;
	(v2sf) =	vpush v41, $0xD  }
0xd2: {  	v22 =	vsel vm0, s7, v35;
	s10 =	smul.u32 $0x66666667, s10;
	s2 =	sshrl.u32 s4, $0x1F;
	v24 =	vsel vm1, s12, v24;
	s4 =	sshra.s32 s4, $0x1F;
	v21 =	vsel vm2, s23, v21  }
0xd3: {  	s16 =	sshrl.u32 s3, $0x1F;
	v20 =	vsel vm2, s2, v20;
	s5 =	sshra.s32 s3, $0x5;
	v21 =	vsel vm14, s4, v21;
	(v2sf) =	vpush v41, $0xC  }
0xd4: {  	s19 =	sadd.s32 s10, s11;
	s11 =	sshra.s32 s29, $0x5;
	v20 =	vsel vm5, s16, v20;
	s3 =	sshra.s32 s3, $0x1F;
	vm14 =	vcmask $0x2724;
	v21 =	vsel vm5, s5, v21  }
0xd5: {  	s14 =	sshra.s32 s31, $0x5;
	s22 =	sshrl.u32 s19, $0x1F;
	s10 =	sshra.s32 s19, $0x5;
	v22 =	vsel vm1, s11, v22;
	v21 =	vsel vm14, s3, v21;
	(v2sf) =	vpush v41, $0xE  }
0xd6: {  	s16 =	sshra.s32 s15, $0x5;
	v20 =	vsel vm4, s22, v20;
	s13 =	sshra.s32 s19, $0x1F;
	v22 =	vsel vm2, s14, v22;
	v21 =	vsel vm4, s10, v21  }
0xd7: {  	s24 =	sshrl.u32 s6, $0x1F;
	s19 =	sshra.s32 s6, $0x5;
	v38 =	vsel vm2, s16, v24;
	v21 =	vsel vm12, s13, v21;
	(v2sf) =	vpush v41, $0xF  }
0xd8: {  	s21 =	sshra.s32 s6, $0x1F;
	v20 =	vsel vm6, s24, v20;
	s20 =	sshrl.u32 s18, $0x1F;
	v22 =	vcombine.low v38, v22;
	v21 =	vsel vm6, s19, v21  }
0xd9: {  	s22 =	sshra.s32 s18, $0x5;
	v20 =	vsel vm7, s20, v20;
	v21 =	vsel vm13, s21, v21;
	(v2sf) =	vpush v41, $0x9  }
0xda: {  	v19 =	vperm.xlane v19, v2;
	v20 =	vperm.xlane v20, v3;
	v21 =	vsel vm7, s22, v21  }
0xdb: {  	v22 =	vperm.xlane v22, v2;
	(v2sf) =	vpush v41, $0x8;
	v21 =	vperm.xlane v21, v3;
	_ =	sdelay $0x1  }
0xdc: {  	v19 =	vsel vm8, v20, v19;
	(v2sf) =	vpush v41, $0xA;
	v39 =	vsel vm8, v21, v22  }
0xdd: {  	v20 =	vadd.s32 v19, v39  }
0xde: {  	(v2sf) =	vpush v41, $0xB;
	v42 =	vmul.u32 $0xFFFFFFB0, v20;
	s28 =	spop (v2sf)  }
0xdf: {  	v43 =	vsub.s32 v8, v16;
	s23 =	sadd.s32 s26, s25;
	s25 =	spop (v2sf)  }
0xe0: {  	vm10 =	vlt.s32 v61, $0x1;
	(v2sf) =	vpush v41, $0x0;
	vm11 =	vne.s32 v42, v43;
	s29 =	smulhi.u32 $0x66666667, s25;
	s0 =	sshra.s32 s25, $0x1F  }
0xe1: {  	s26 =	sadd.s32 $0x80000000, s23;
	vm10 =	vmand vm10, vm11;
	s30 =	spop (v2sf);
	s0 =	smul.u32 $0x66666667, s0  }
0xe2: {  	[tilespmem:s26+$0x79A0] =	vst.msk vm9, v17;
	(v2sf) =	vpush v41, $0x1;
	v17 =	vsel vm10, $0xFFFFFFFF, v0;
	s31 =	smulhi.u32 $0x66666667, s30;
	s2 =	sshra.s32 s30, $0x1F  }
0xe3: {  	[tilespmem:s26+$0x7B20] =	vst.msk vm9, v61;
	v17 =	vadd.s32 v17, v20;
	s10 =	spop (v2sf);
	s2 =	smul.u32 $0x66666667, s2  }
0xe4: {  	s24 =	rddreg [dreg:$0xf];
	(v2sf) =	vpush v41, $0x2;
	[tilespmem:s26+$0x7CA0] =	vst.msk vm9, v17;
	s5 =	smulhi.u32 $0x66666667, s10;
	s4 =	sshra.s32 s10, $0x1F  }
0xe5: {  	v18 =	vld [tilespmem:s24+$0x10];
	s11 =	spop (v2sf);
	s7 =	smul.u32 $0x66666667, s4  }
0xe6: {  	(v2sf) =	vpush v41, $0x3;
	s8 =	smulhi.u32 $0x66666667, s11;
	s4 =	sshra.s32 s11, $0x1F  }
0xe7: {  	s12 =	spop (v2sf);
	s9 =	smul.u32 $0x66666667, s4  }
0xe8: {  	(v2sf) =	vpush v41, $0x4;
	s10 =	smulhi.u32 $0x66666667, s12;
	s4 =	sshra.s32 s12, $0x1F  }
0xe9: {  	s13 =	spop (v2sf);
	s11 =	smul.u32 $0x66666667, s4  }
0xea: {  	vm10 =	vle.s32 v41, v15;
	(v2sf) =	vpush v41, $0x5;
	s12 =	smulhi.u32 $0x66666667, s13;
	s4 =	sshra.s32 s13, $0x1F;
	vm9 =	veq.f32 v18, v14  }
0xeb: {  	(v2sf) =	vpush v41, $0x6;
	s14 =	spop (v2sf);
	vm11 =	vgt.f32 v18, v14;
	s16 =	smul.u32 $0x66666667, s4;
	vm9 =	vmand vm10, vm9  }
0xec: {  	s19 =	smulhi.u32 $0x66666667, s14;
	s22 =	sshra.s32 s14, $0x1F;
	vm9 =	vmor vm11, vm9  }
0xed: {  	s15 =	spop (v2sf);
	s24 =	smul.u32 $0x66666667, s22;
	v17 =	vmpcnt.ones.xlane vm9  }
0xee: {  	(v2sf) =	vpush v41, $0x7;
	s20 =	smulhi.u32 $0x66666667, s15;
	s25 =	sshra.s32 s15, $0x1F  }
0xef: {  	s6 =	sadd.s32 s2, s31;
	s18 =	spop (v2sf);
	s30 =	smul.u32 $0x66666667, s25;
	v17 =	vxor.u32 $0x80000000, v17  }
0xf0: {  	s7 =	sadd.s32 s7, s5;
	s31 =	smulhi.u32 $0x66666667, s18;
	s3 =	sshra.s32 s18, $0x1F;
	(xrf0) =	vmax.scan.msk.u32 $0xffff, v17  }
0xf1: {  	s5 =	sadd.s32 s9, s8;
	s23 =	spop (v2sf);
	s9 =	smul.u32 $0x66666667, s3  }
0xf2: {  	s3 =	sadd.s32 s11, s10;
	s10 =	smulhi.u32 $0x66666667, s23;
	s22 =	sshra.s32 s23, $0x1F  }
0xf3: {  	s4 =	sadd.s32 s0, s29;
	s23 =	smul.u32 $0x66666667, s22;
	s29 =	spop (v2sf)  }
0xf4: {  	s18 =	sadd.s32 s16, s12;
	s12 =	smulhi.u32 $0x66666667, s29;
	s13 =	sshra.s32 s29, $0x1F  }
0xf5: {  	s21 =	sshrl.u32 s4, $0x1F;
	s14 =	spop (v2sf);
	s13 =	smul.u32 $0x66666667, s13  }
0xf6: {  	s1 =	sadd.s32 s24, s19;
	s24 =	smulhi.u32 $0x66666667, s14;
	s11 =	sshra.s32 s14, $0x1F;
	v17, _, _ =	vpop (xrf0)  }
0xf7: {  	s0 =	sadd.s32 s30, s20;
	s15 =	spop (v2sf);
	s11 =	smul.u32 $0x66666667, s11;
	(v2sf) =	vpush v17, $0xF;
	v17 =	vadd.s32 v11, v16  }
0xf8: {  	s2 =	sadd.s32 s9, s31;
	s20 =	smulhi.u32 $0x66666667, s15;
	s14 =	sshra.s32 s15, $0x1F;
	(v2sf) =	vpush v17, $0xD  }
0xf9: {  	s23 =	sadd.s32 s23, s10;
	s19 =	spop (v2sf);
	s30 =	smul.u32 $0x66666667, s14;
	(v2sf) =	vpush v17, $0xC  }
0xfa: {  	s29 =	spop (v2sf);
	s10 =	smulhi.u32 $0x66666667, s19;
	s15 =	sshra.s32 s19, $0x1F  }
0xfb: {  	s14 =	sshrl.u32 s6, $0x1F;
	s12 =	sadd.s32 s13, s12;
	s13 =	smul.u32 $0x66666667, s15  }
0xfc: {  	s9 =	sadd.s32 s11, s24;
	s24 =	smulhi.u32 $0x66666667, s29;
	s29 =	sshra.s32 s29, $0x1F  }
0xfd: {  	s22 =	spop (v2sf);
	s20 =	sadd.s32 s30, s20;
	s30 =	smul.u32 $0x66666667, s29  }
0xfe: {  	v44 =	vmov s14;
	s15 =	sshra.s32 s22, $0x1F;
	s29 =	sadd.s32 s13, s10;
	s10 =	smulhi.u32 $0x66666667, s22  }
0xff: {  	s16 =	sshrl.u32 s7, $0x1F;
	v20 =	vsel vm0, s21, v44;
	s13 =	smul.u32 $0x66666667, s15  }
0x100: {  	vm12 =	vcmask $0x1F1C;
	vm13 =	vcmask $0x704;
	s19 =	sshrl.u32 s5, $0x1F;
	v20 =	vsel vm1, s16, v20;
	s16 =	sshra.s32 s6, $0x5;
	s15 =	sadd.s32 s30, s24  }
0x101: {  	vm10 =	vcmask $0xF0C;
	s24 =	sshrl.u32 s18, $0x1F;
	s30 =	sshrl.u32 s2, $0x1F;
	v20 =	vsel vm2, s19, v20;
	v49 =	vmov s16;
	s14 =	sadd.s32 s13, s10  }
0x102: {  	s22 =	sshrl.u32 s3, $0x1F;
	(v2sf) =	vpush v17, $0xE;
	v45 =	vmov s24;
	v47 =	vmov s30;
	s19 =	sshra.s32 s14, $0x1F  }
0x103: {  	s24 =	sshra.s32 s2, $0x5;
	(v2sf) =	vpush v17, $0xF;
	v21 =	vsel vm0, s22, v45;
	v46 =	vmov s19  }
0x104: {  	s8 =	sshra.s32 s7, $0x5;
	s13 =	sshrl.u32 s23, $0x1F;
	s2 =	sshra.s32 s2, $0x1F;
	v23 =	vnsel vm3, $0x0, v47;
	(v2sf) =	vpush v17, $0x9;
	v22 =	vsel vm3, s24, v46  }
0x105: {  	s7 =	sshra.s32 s5, $0x5;
	s21 =	sshrl.u32 s12, $0x1F;
	s30 =	sshra.s32 s23, $0x5;
	v23 =	vsel vm0, s13, v23;
	(v2sf) =	vpush v17, $0x8;
	v22 =	vsel vm13, s2, v22  }
0x106: {  	s5 =	sshra.s32 s23, $0x1F;
	s13 =	sshrl.u32 s1, $0x1F;
	v23 =	vsel vm1, s21, v23;
	v22 =	vsel vm0, s30, v22;
	s25 =	spop (v2sf);
	(v2sf) =	vpush v17, $0xA  }
0x107: {  	s23 =	sshra.s32 s12, $0x5;
	s24 =	sshra.s32 s18, $0x5;
	v21 =	vsel vm1, s13, v21;
	v22 =	vsel vm10, s5, v22;
	s31 =	spop (v2sf);
	(v2sf) =	vpush v17, $0xB  }
0x108: {  	s22 =	sshra.s32 s3, $0x5;
	s2 =	sshra.s32 s12, $0x1F;
	v50 =	vmov s24;
	v22 =	vsel vm1, s23, v22;
	s11 =	spop (v2sf);
	(v2sf) =	vpush v17, $0x0  }
0x109: {  	s21 =	sshra.s32 s9, $0x5;
	v24 =	vsel vm0, s22, v50;
	s5 =	sshrl.u32 s0, $0x1F;
	v22 =	vsel vm15, s2, v22;
	(v2sf) =	vpush v17, $0x1  }
0x10a: {  	s13 =	sshrl.u32 s20, $0x1F;
	vm10 =	vcmask $0x3734;
	s23 =	sshrl.u32 s9, $0x1F;
	v21 =	vsel vm2, s5, v21;
	s2 =	sshra.s32 s9, $0x1F;
	v22 =	vsel vm2, s21, v22  }
0x10b: {  	v23 =	vsel vm2, s23, v23;
	v20 =	vcombine.low v21, v20;
	v48 =	vsel vm12, s2, v22;
	s5 =	smulhi.u32 $0x66666667, s31;
	s21 =	sshra.s32 s31, $0x1F;
	s31 =	sshra.s32 s20, $0x5  }
0x10c: {  	s10 =	sshra.s32 s4, $0x5;
	s23 =	sshrl.u32 s29, $0x1F;
	vm15 =	vmmov vm14;
	v23 =	vsel vm5, s13, v23;
	s20 =	sshra.s32 s20, $0x1F;
	v21 =	vsel vm5, s31, v48  }
0x10d: {  	v23 =	vsel vm4, s23, v23;
	s23 =	sshra.s32 s1, $0x5;
	v22 =	vsel vm0, s10, v49;
	s1 =	smul.u32 $0x66666667, s21;
	s21 =	sshra.s32 s29, $0x5;
	v21 =	vsel vm14, s20, v21  }
0x10e: {  	s22 =	sshra.s32 s29, $0x1F;
	s13 =	sshrl.u32 s15, $0x1F;
	v22 =	vsel vm1, s8, v22;
	vm14 =	vcmask $0x2F2C;
	v21 =	vsel vm4, s21, v21  }
0x10f: {  	s24 =	sshra.s32 s15, $0x5;
	s0 =	sshra.s32 s0, $0x5;
	v24 =	vsel vm1, s23, v24;
	v23 =	vsel vm6, s13, v23;
	v21 =	vsel vm14, s22, v21  }
0x110: {  	s23 =	sshrl.u32 s14, $0x1F;
	v22 =	vsel vm2, s7, v22;
	v24 =	vsel vm2, s0, v24;
	s29 =	sshra.s32 s15, $0x1F;
	v21 =	vsel vm6, s24, v21  }
0x111: {  	v23 =	vsel vm7, s23, v23;
	v22 =	vcombine.low v24, v22;
	s6 =	spop (v2sf);
	s21 =	sshra.s32 s14, $0x5;
	v21 =	vsel vm10, s29, v21  }
0x112: {  	v20 =	vperm.xlane v20, v2;
	v23 =	vperm.xlane v23, v3;
	s9 =	smulhi.u32 $0x66666667, s11;
	s11 =	sshra.s32 s11, $0x1F;
	s4 =	spop (v2sf);
	v21 =	vsel vm7, s21, v21  }
0x113: {  	v22 =	vperm.xlane v22, v2;
	(v2sf) =	vpush v17, $0x2;
	s10 =	smul.u32 $0x66666667, s11;
	s3 =	spop (v2sf);
	v21 =	vperm.xlane v21, v3  }
0x114: {  	s8 =	smulhi.u32 $0x66666667, s6;
	s6 =	sshra.s32 s6, $0x1F;
	(v2sf) =	vpush v17, $0x3;
	s19 =	spop (v2sf)  }
0x115: {  	v20 =	vsel vm8, v23, v20;
	s2 =	smul.u32 $0x66666667, s6;
	(v2sf) =	vpush v17, $0x4;
	v21 =	vsel vm8, v21, v22;
	s18 =	spop (v2sf)  }
0x116: {  	s6 =	smulhi.u32 $0x66666667, s4;
	s4 =	sshra.s32 s4, $0x1F;
	(v2sf) =	vpush v17, $0x5;
	v20 =	vadd.s32 v20, v21;
	s30 =	spop (v2sf)  }
0x117: {  	s11 =	smul.u32 $0x66666667, s4;
	v21 =	vmul.u32 $0xFFFFFFB0, v20;
	(v2sf) =	vpush v17, $0x6;
	s31 =	spop (v2sf)  }
0x118: {  	v51 =	vsub.s32 v10, v16;
	s12 =	smulhi.u32 $0x66666667, s3;
	s13 =	spop (v2sf);
	(v2sf) =	vpush v17, $0x7  }
0x119: {  	s26 =	sadd.s32 s28, s26;
	s23 =	sshra.s32 s19, $0x1F;
	vm10 =	vlt.s32 v41, $0x1;
	s21 =	smulhi.u32 $0x66666667, s19;
	vm11 =	vne.s32 v21, v51  }
0x11a: {  	s26 =	sadd.s32 $0x80000000, s26;
	s19 =	smul.u32 $0x66666667, s23;
	s24 =	sshra.s32 s18, $0x1F;
	vm10 =	vmand vm10, vm11  }
0x11b: {  	[tilespmem:s26+$0x79A0] =	vst.msk vm9, v18;
	s0 =	sadd.s32 s1, s5;
	s22 =	sshra.s32 s3, $0x1F;
	s23 =	smul.u32 $0x66666667, s24;
	v52 =	vsel vm10, $0xFFFFFFFF, v0  }
0x11c: {  	[tilespmem:s26+$0x7B20] =	vst.msk vm9, v41;
	s14 =	sadd.s32 s2, s8;
	s24 =	smulhi.u32 $0x66666667, s30;
	s28 =	sshra.s32 s30, $0x1F;
	v18 =	vadd.s32 v52, v20  }
0x11d: {  	s2 =	smulhi.u32 $0x66666667, s13;
	s30 =	sshra.s32 s13, $0x1F;
	s13 =	rddreg [dreg:$0xf];
	[tilespmem:s26+$0x7CA0] =	vst.msk vm9, v18  }
0x11e: {  	s7 =	sshrl.u32 s0, $0x1F;
	s0 =	sshra.s32 s0, $0x5;
	s16 =	smul.u32 $0x66666667, s22;
	v18 =	vld [tilespmem:s13+$0x20]  }
0x11f: {  	s1 =	sadd.s32 s11, s6;
	s6 =	sshrl.u32 s14, $0x1F;
	s22 =	smulhi.u32 $0x66666667, s18  }
0x120: {  	s14 =	sshra.s32 s14, $0x5;
	s19 =	sadd.s32 s19, s21;
	s5 =	smul.u32 $0x66666667, s28  }
0x121: {  	s28 =	sadd.s32 s10, s9;
	s9 =	smulhi.u32 $0x66666667, s31;
	s29 =	sshra.s32 s31, $0x1F  }
0x122: {  	s15 =	spop (v2sf);
	s10 =	sshrl.u32 s28, $0x1F;
	s31 =	smul.u32 $0x66666667, s29  }
0x123: {  	vm10 =	vle.s32 v17, v15;
	s20 =	spop (v2sf);
	s8 =	smul.u32 $0x66666667, s30;
	s30 =	sadd.s32 s16, s12;
	vm9 =	veq.f32 v18, v14  }
0x124: {  	s11 =	smulhi.u32 $0x66666667, s15;
	s16 =	sshra.s32 s15, $0x1F;
	s4 =	spop (v2sf);
	vm11 =	vgt.f32 v18, v14;
	vm9 =	vmand vm10, vm9  }
0x125: {  	s29 =	sadd.s32 s23, s22;
	s12 =	smul.u32 $0x66666667, s16;
	s3 =	spop (v2sf);
	vm9 =	vmor vm11, vm9  }
0x126: {  	s16 =	smulhi.u32 $0x66666667, s20;
	s20 =	sshra.s32 s20, $0x1F;
	v53 =	vmpcnt.ones.xlane vm9;
	s18 =	spop (v2sf)  }
0x127: {  	s15 =	sadd.s32 s5, s24;
	s5 =	smul.u32 $0x66666667, s20;
	s22 =	spop (v2sf)  }
0x128: {  	s13 =	sshrl.u32 s1, $0x1F;
	v19 =	vxor.u32 $0x80000000, v53;
	s23 =	smulhi.u32 $0x66666667, s22;
	s20 =	sshra.s32 s22, $0x1F  }
0x129: {  	v54 =	vmov s10;
	s9 =	sadd.s32 s31, s9;
	s10 =	sshrl.u32 s15, $0x1F;
	(xrf0) =	vmax.scan.msk.u32 $0xffff, v19;
	s20 =	smul.u32 $0x66666667, s20  }
0x12a: {  	s2 =	sadd.s32 s8, s2;
	s24 =	smulhi.u32 $0x66666667, s4;
	s4 =	sshra.s32 s4, $0x1F  }
0x12b: {  	v20 =	vsel vm0, s7, v54;
	s8 =	sshrl.u32 s30, $0x1F;
	s4 =	smul.u32 $0x66666667, s4;
	s31 =	sadd.s32 s20, s23  }
0x12c: {  	v20 =	vsel vm1, s6, v20;
	s11 =	sadd.s32 s12, s11;
	s6 =	smulhi.u32 $0x66666667, s3;
	s21 =	sshra.s32 s31, $0x1F  }
0x12d: {  	s3 =	sshra.s32 s3, $0x1F;
	v57 =	vsel vm2, s13, v20;
	s22 =	sshra.s32 s9, $0x5;
	s23 =	sshrl.u32 s9, $0x1F;
	v55 =	vmov s21  }
0x12e: {  	s12 =	sshra.s32 s30, $0x5;
	vm10 =	vcmask $0xF0C;
	s20 =	sshrl.u32 s19, $0x1F;
	s9 =	sshra.s32 s9, $0x1F;
	v56 =	vmov s23;
	v21 =	vsel vm3, s22, v55  }
0x12f: {  	s5 =	sadd.s32 s5, s16;
	s16 =	sshrl.u32 s29, $0x1F;
	v59 =	vmov s20;
	v60, _, _ =	vpop (xrf0);
	s21 =	sshra.s32 s2, $0x5;
	v58 =	vnsel vm3, $0x0, v56;
	v21 =	vsel vm13, s9, v21  }
0x130: {  	s4 =	sadd.s32 s4, s24;
	s24 =	sshrl.u32 s2, $0x1F;
	s2 =	sshra.s32 s2, $0x1F;
	v22 =	vsel vm0, s8, v59;
	(v2sf) =	vpush v60, $0xF;
	v21 =	vsel vm0, s21, v21  }
0x131: {  	s23 =	sshra.s32 s18, $0x1F;
	s22 =	sshrl.u32 s11, $0x1F;
	v20 =	vsel vm0, s24, v58;
	s24 =	sshra.s32 s11, $0x5;
	v22 =	vsel vm1, s16, v22;
	v21 =	vsel vm10, s2, v21  }
0x132: {  	s20 =	sshra.s32 s11, $0x1F;
	s11 =	sshra.s32 s19, $0x5;
	s9 =	smulhi.u32 $0x66666667, s18;
	v20 =	vsel vm1, s22, v20;
	vm10 =	vcmask $0x1714;
	v21 =	vsel vm1, s24, v21  }
0x133: {  	s13 =	sshrl.u32 s5, $0x1F;
	s18 =	smul.u32 $0x66666667, s23;
	s23 =	sshra.s32 s5, $0x5;
	v22 =	vsel vm2, s10, v22;
	v62 =	vmov s11;
	v21 =	vsel vm10, s20, v21  }
0x134: {  	s3 =	smul.u32 $0x66666667, s3;
	s5 =	sshra.s32 s5, $0x1F;
	s10 =	sshra.s32 s28, $0x5;
	v20 =	vsel vm2, s13, v20;
	v19 =	vcombine.low v22, v57;
	v21 =	vsel vm2, s23, v21  }
0x135: {  	s22 =	sshrl.u32 s4, $0x1F;
	v61 =	vmov s10;
	v23 =	vsel vm0, s12, v62;
	s7 =	sadd.s32 s18, s9;
	s9 =	sshra.s32 s4, $0x5;
	v21 =	vsel vm12, s5, v21  }
0x136: {  	s16 =	sshra.s32 s29, $0x5;
	s21 =	sadd.s32 s3, s6;
	v20 =	vsel vm5, s22, v20;
	s4 =	sshra.s32 s4, $0x1F;
	v22 =	vsel vm0, s0, v61;
	v21 =	vsel vm5, s9, v21  }
0x137: {  	s19 =	sshra.s32 s15, $0x5;
	s13 =	sshra.s32 s21, $0x5;
	v23 =	vsel vm1, s16, v23;
	s24 =	sshrl.u32 s21, $0x1F;
	v22 =	vsel vm1, s14, v22;
	v21 =	vsel vm15, s4, v21  }
0x138: {  	s2 =	sshra.s32 s21, $0x1F;
	s18 =	sshra.s32 s1, $0x5;
	s8 =	sshrl.u32 s7, $0x1F;
	v23 =	vsel vm2, s19, v23;
	v20 =	vsel vm4, s24, v20;
	v21 =	vsel vm4, s13, v21  }
0x139: {  	s20 =	sshra.s32 s7, $0x5;
	v22 =	vsel vm2, s18, v22;
	v20 =	vsel vm6, s8, v20;
	v21 =	vsel vm14, s2, v21  }
0x13a: {  	s21 =	sshrl.u32 s31, $0x1F;
	s23 =	sshra.s32 s7, $0x1F;
	vm14 =	vmmov vm6;
	v21 =	vsel vm6, s20, v21;
	vm6 =	vcmask $0x3734  }
0x13b: {  	s24 =	sshra.s32 s31, $0x5;
	v22 =	vcombine.low v23, v22;
	v20 =	vsel vm7, s21, v20;
	v21 =	vsel vm6, s23, v21  }
0x13c: {  	v19 =	vperm.xlane v19, v2;
	v20 =	vperm.xlane v20, v3;
	v21 =	vsel vm7, s24, v21  }
0x13d: {  	v22 =	vperm.xlane v22, v2;
	v21 =	vperm.xlane v21, v3;
	_ =	sdelay $0x1  }
0x13e: {  	v19 =	vsel vm8, v20, v19;
	v63 =	vsel vm8, v21, v22  }
0x13f: {  	v19 =	vadd.s32 v19, v63  }
0x140: {  	s30 =	rddreg [dreg:$0x10];
	v20 =	vmul.u32 $0xFFFFFFB0, v19  }
0x141: {  	v16 =	vsub.s32 v12, v16;
	p0 =	sne.s32 s30, $0x12B  }
.Ltmp1:
0x142: {  	vm11 =	vlt.s32 v17, $0x1;
	s28 =	sadd.s32 s25, s26;
	vm10 =	vne.s32 v20, v16;
	(pc) =	sbr.rel @p0 .LBB2_3-.Ltmp1, $4  }
0x143: {  	s0 =	sadd.s32 $0x80000000, s28;
	vm10 =	vmand vm11, vm10  }
0x144: {  	s22 =	rddreg [dreg:$0xf];
	[tilespmem:s0+$0x79A0] =	vst.msk vm9, v18;
	s29 =	spop (v2sf);
	v16 =	vsel vm10, $0xFFFFFFFF, v0  }
0x145: {  	s3 =	simm.s32 $0x7800;
	[tilespmem:s0+$0x7B20] =	vst.msk vm9, v17;
	s31 =	rddreg [dreg:$0x10];
	s1 =	sadd.s32 s29, s0;
	v16 =	vadd.s32 v16, v19  }
0x146: {  	s2 =	sadd.s32 $0x50, s22;
	s25 =	sadd.s32 $0x80000000, s1;
	[tilespmem:s0+$0x7CA0] =	vst.msk vm9, v16;
	s0 =	sadd.s32 $0x1, s31  }
0x147: {  	s0 =	simm.s32 $0x0  }
0x148: {  	v14 =	vor.u32 s0, v1  }
0x149: {  	v14 =	vshrl.u32 v14, $0x2;
	_ =	sdelay $0x4  }
0x14a: {  	v14 =	vld.idx.msk [tilespmem:v14+s17+$0x0], $0xffff;
	_ =	sdelay $0x4  }
0x14b: {  	v14 =	vshll.u32 v14, $0x2  }
0x14c: {  	v14 =	vor.u32 v13, v14;
	_ =	sdelay $0x3  }
0x14d: {  	s31 =	simm.s32 $0x10;
	s4 =	simm.s32 $0x7E20  }
0x14e: {  	v15 =	vor.u32 s31, v1;
	v14 =	vld.idx.msk [tilespmem:v14+s4+$0x0], $0xffff  }
0x14f: {  	v15 =	vshrl.u32 v15, $0x2;
	_ =	sdelay $0x2  }
0x150: {  	s0 =	simm.s32 $0x1B6A0  }
0x151: {  	[tilespmem:s0+$0x0] =	vst v14  }
0x152: {  	v14 =	vld.idx.msk [tilespmem:v15+s17+$0x0], $0xffff;
	_ =	sdelay $0x4  }
0x153: {  	v14 =	vshll.u32 v14, $0x2  }
0x154: {  	v14 =	vor.u32 v13, v14;
	_ =	sdelay $0x3  }
0x155: {  	s1 =	simm.s32 $0x20  }
0x156: {  	v15 =	vor.u32 s1, v1;
	s1 =	simm.s32 $0x30;
	v14 =	vld.idx.msk [tilespmem:v14+s4+$0x0], $0xffff  }
.LBB2_5:
0x157: {  	p0 =	sne.s32 s1, $0x5F0;
	v15 =	vshrl.u32 v15, $0x2;
	_ =	sdelay $0x2  }
0x158: {  	s0 =	sadd.s32 $0x10, s0  }
0x159: {  	[tilespmem:s0+$0x0] =	vst v14  }
0x15a: {  	v14 =	vld.idx.msk [tilespmem:v15+s17+$0x0], $0xffff;
	_ =	sdelay $0x5  }
0x15b: {  	v14 =	vshll.u32 v14, $0x2  }
0x15c: {  	v14 =	vor.u32 v13, v14;
	_ =	sdelay $0x1  }
.Ltmp2:
0x15d: {  	(pc) =	sbr.rel @p0 .LBB2_5-.Ltmp2, $3  }
0x15e: {  	_ =	sdelay $0x1  }
0x15f: {  	v14 =	vld.idx.msk [tilespmem:v14+s4+$0x0], $0xffff  }
0x160: {  	v15 =	vor.u32 s1, v1;
	s1 =	sadd.s32 $0x10, s1  }
0x161: {  	v15 =	vshrl.u32 v15, $0x2;
	_ =	sdelay $0x2  }
0x162: {  	s0 =	sadd.s32 $0x10, s0  }
0x163: {  	[tilespmem:s0+$0x0] =	vst v14  }
0x164: {  	v14 =	vld.idx.msk [tilespmem:v15+s17+$0x0], $0xffff;
	_ =	sdelay $0x4  }
0x165: {  	v14 =	vshll.u32 v14, $0x2  }
0x166: {  	v14 =	vor.u32 v13, v14;
	_ =	sdelay $0x4  }
0x167: {  	v14 =	vld.idx.msk [tilespmem:v14+s4+$0x0], $0xffff;
	_ =	sdelay $0x3  }
0x168: {  	s0 =	sadd.s32 $0x10, s0  }
0x169: {  	s25 =	simm.s32 $0x0;
	s1 =	rddreg [dreg:$0x9];
	s2 =	simm.s32 $0x79A0;
	[tilespmem:s0+$0x0] =	vst v14  }
0x16a: {  	[hbm4b:s1+s25] =	stream.linear.scatter [tilespmem:s2], [sflag:$0x1], $0x180, $0x38;
	[tilespmem:$0x1BCA0] =	vst v63  }
0x16b: {  	s2 =	simm.s32 $0x1  }
0x16c: {  	_ =	swait.ge [sflag:s2], $0x180  }
0x16d: {  	[sflag:s2] =	ssyncset.done $0x0  }
0x16e: {  	s5 =	simm.s32 $0x7B20;
	s26 =	rddreg [dreg:$0xa];
	[sflag:s2] =	ssyncadd.s32 $0xFFFFFE80  }
0x16f: {  	[hbm4b:s26+s25] =	stream.linear.scatter [tilespmem:s5], [sflag:$0x1], $0x180, $0x38;
	[tilespmem:$0x1BCA0] =	vst v63  }
0x170: {  	_ =	swait.ge [sflag:s2], $0x180  }
0x171: {  	[sflag:s2] =	ssyncset.done $0x0  }
0x172: {  	s29 =	simm.s32 $0x1B6A0;
	s28 =	rddreg [dreg:$0xb];
	[sflag:s2] =	ssyncadd.s32 $0xFFFFFE80  }
0x173: {  	[hbm4b:s28+s25] =	stream.linear.scatter [tilespmem:s29], [sflag:$0x1], $0x600, $0x38;
	[tilespmem:$0x1BCA0] =	vst v63  }
0x174: {  	_ =	swait.ge [sflag:s2], $0x600  }
0x175: {  	s30 =	rddreg [dreg:$0xe]  }
0x176: {  	s31 =	rddreg [dreg:$0xd];
	s1 =	sadd.s32 $0x1, s30  }
0x177: {  	p0 =	sne.s32 s1, s31  }
.Ltmp3:
0x178: {  	_ = 	snop;
	(pc) =	sbr.rel @p0 .LBB2_2-.Ltmp3, $3  }
0x179: {  	_ =	sdelay $0x1  }
0x17a: {  	[sflag:s2] =	ssyncset.done $0x0  }
0x17b: {  	[sflag:s2] =	ssyncadd.s32 $0xFFFFFA00  }
.LBB2_7:
0x17c: {  	_ =	sfence.sel $0x180000  }
0x17d: {  	[bflag:$0x0] =	sbarrier.arrive $0xFFFF  }
0x17e: {  	_ =	strace $0x9000004A  }
0x17f: {  	s0 =	stileid.u32;
	[bflag:$0x2] =	sbarrier.arrive $0xFFFF  }
0x180: {  	p0 =	sne.s32 s0, $0x0;
	s0 =	rddreg [dreg:$0x4]  }
0x181: {  	s0 =	sadd.s32 @!p0 $0x100000, s0  }
0x182: {  	[sflag:s0] =	ssyncadd.tile.s32 @!p0 $0x1;
	_ =	shalt  }
.Lfunc_end2:
_tile_overlayer_lowered:
.L_overlay_start_2:
0x183: {  	(tag) =	ssettag $0x2  }
0x184: {  	s0 =	rddreg [dreg:$0x0];
	s2 =	stileid.u32  }
0x185: {  	s1 =	rddreg [dreg:$0x1];
	p0 =	sne.s32 s2, $0x0  }
0x186: {  	s3 =	rddreg [dreg:$0x2];
	[bflag:$0x3] =	sbarrier.arrive $0xFFFF;
	s2 =	simm.s32 @!p0 $0x1C01  }
0x187: {  	[timem:s3], [sflag:s2] =	dma.local @!p0 [hbm:s0], s1  }
0x188: {  	s0 =	simm.s32 @!p0 $0x1  }
0x189: {  	_ =	swait.ge @!p0 [sflag:s0], s1  }
0x18a: {  	s1 =	ssub.s32 @!p0 $0x0, s1;
	[sflag:s0] =	ssyncset.done @!p0 $0x0  }
0x18b: {  	[sflag:s0] =	ssyncadd.s32 @!p0 s1  }
0x18c: {  	[bflag:$0x3] =	sbarrier.arrive $0xFFFF  }
0x18d: {  	_ =	shalt  }

// kernel: kernel.8.cloned.1.call-start
scs
__scs_entry_jumppad:
0x0: {  	(pc) =	sbr.rel $0x88, $3  }
0x1: {  	(tag) =	ssettag $0x0;
	lr =	simm.s32 $0x1  }
0x2: {  	[smem:$0x3F9E] =	sst lr;
	_ =	strace $0xD0000000  }
0x3: {  	_ = 	snop  }
0x4: {  	_ = 	snop  }
0x5: {  	_ = 	snop  }
0x6: {  	_ = 	snop  }
0x7: {  	_ = 	snop  }
__scs_overlays_trampoline_lowered:
0x8: {  	[smem:$0x3FAD] =	sst s0  }
0x9: {  	[smem:$0x3FAE] =	sst s1  }
0xa: {  	[smem:$0x3FAF] =	sst s2  }
0xb: {  	[smem:$0x3FB0] =	sst s3  }
0xc: {  	[smem:$0x3FB1] =	sst s4  }
0xd: {  	[smem:$0x3FB2] =	sst s5  }
0xe: {  	[smem:$0x3FB3] =	sst s6  }
0xf: {  	[smem:$0x3FB4] =	sst s7  }
0x10: {  	[smem:$0x3FB5] =	sst s8  }
0x11: {  	[smem:$0x3FB6] =	sst s9;
	s0 =	simm.s32 @!p0 $0x0  }
0x12: {  	s1 =	sld [smem:$0x3F9C];
	s0 =	simm.s32 @p0 $0x1  }
0x13: {  	[smem:$0x3FB7] =	sst s0;
	s0 =	simm.s32 @!p1 $0x0  }
0x14: {  	s2 =	sld [smem:$0x3F9B];
	s0 =	simm.s32 @p1 $0x1  }
0x15: {  	[smem:$0x3FB8] =	sst s0;
	s0 =	simm.s32 @!p2 $0x0  }
0x16: {  	s3 =	sld [smem:$0x3FDB];
	s0 =	simm.s32 @p2 $0x1  }
0x17: {  	s4 =	simm.s32 $0x1BF5;
	[smem:$0x3FBA] =	sst s0  }
0x18: {  	s0 =	sld [smem:$0x3F9D];
	_ =	swait.ge [sflag:s4], $0x0  }
0x19: {  	s7 =	sld [smem:$0x3F9E]  }
0x1a: {  	s8 =	sadd.s32 $0xFFFFE003, lr  }
0x1b: {  	s9 =	sadd.s32 $0xFFFFFEF7, lr;
	s5 =	simm.s32 $0xFFFFFFFF;
	p2 =	slt.u32 s8, $0xFFFFF086  }
0x1c: {  	p1 =	slt.u32 s9, $0xF7A;
	s5 =	simm.s32 @!p2 $0x0  }
0x1d: {  	s5 =	simm.s32 @p1 $0x1;
	p0 =	seq.s32 s7, s2  }
0x1e: {  	s7 =	smul.u32 @!p0 $0xF7A, s2;
	p2 =	seq.s32 @!p0 s5, $0x0  }
0x1f: {  	s9 =	smul.u32 $0xF7A, s1;
	s8 =	simm.s32 @!p0 $0x1BF5;
	p2 =	por !p2, p0  }
0x20: {  	[sflag:s8] =	ssyncset.s32 @!p0 $0xFFFFF086;
	s6 =	sadd.s32 @!p0 s3, s7;
	s7 =	simm.s32 @!p0 $0x108  }
0x21: {  	s3 =	sadd.s32 s3, s9;
	s6 =	sadd.s32 @!p0 $0x88, s6;
	s7 =	simm.s32 @p2 $0x1082  }
0x22: {  	[simem:s7], [sflag:s8] =	dma.local @!p0 [hbm:s6], $0xF7A  }
0x23: {  	s9 =	sor.u32 $0xD0000000, s2;
	s6 =	simm.s32 $0x108;
	_ =	swait.ge @!p0 [sflag:s8], $0x0  }
0x24: {  	s3 =	sadd.s32 $0x88, s3;
	s6 =	simm.s32 @!p1 $0x1082;
	[sflag:s4] =	ssyncset.s32 $0xFFFFF086  }
0x25: {  	[simem:s6], [sflag:s4] =	dma.local [hbm:s3], $0xF7A  }
0x26: {  	[smem:$0x3F9E] =	sst s1;
	(tag) =	ssettag s2;
	_ =	strace s9  }
0x27: {  	s1 =	sld [smem:$0x3FAE]  }
0x28: {  	s2 =	sld [smem:$0x3FAF]  }
0x29: {  	s4 =	sld [smem:$0x3FB1]  }
0x2a: {  	p0 =	seq.s32 s5, $0x0;
	s5 =	sld [smem:$0x3FB2]  }
0x2b: {  	s6 =	sld [smem:$0x3FB3]  }
0x2c: {  	s7 =	sld [smem:$0x3FB4]  }
0x2d: {  	s3 =	simm.s32 $0x108;
	s8 =	sld [smem:$0x3FB5]  }
0x2e: {  	s3 =	simm.s32 @!p0 $0x1082;
	s9 =	sld [smem:$0x3FB6]  }
0x2f: {  	lr =	sadd.s32 s0, s3;
	s0 =	sld [smem:$0x3FAD]  }
0x30: {  	s3 =	sld [smem:$0x3FB0]  }
0x31: {  	[smem:$0x3FB9] =	sst s10  }
0x32: {  	s10 =	sld [smem:$0x3FB7];
	_ =	sdelay $0x3  }
0x33: {  	p0 =	seq.s32 s10, $0x1;
	s10 =	sld [smem:$0x3FB9];
	_ =	sdelay $0x3  }
0x34: {  	[smem:$0x3FB9] =	sst s10  }
0x35: {  	s10 =	sld [smem:$0x3FB8];
	_ =	sdelay $0x3  }
0x36: {  	p1 =	seq.s32 s10, $0x1;
	s10 =	sld [smem:$0x3FB9];
	_ =	sdelay $0x3  }
0x37: {  	[smem:$0x3FB9] =	sst s10  }
0x38: {  	s10 =	sld [smem:$0x3FBA]  }
0x39: {  	_ = 	snop;
	(pc) =	sbr.ind lr, $3  }
0x3a: {  	_ = 	snop  }
0x3b: {  	_ = 	snop  }
0x3c: {  	p2 =	seq.s32 s10, $0x1;
	s10 =	sld [smem:$0x3FB9]  }
0x3d: {  	_ =	shalt  }
0x3e: {  	_ =	shalt  }
0x3f: {  	_ =	shalt  }
0x40: {  	_ =	shalt  }
0x41: {  	_ =	shalt  }
0x42: {  	_ =	shalt  }
0x43: {  	_ =	shalt  }
0x44: {  	_ =	shalt  }
0x45: {  	_ =	shalt  }
0x46: {  	_ =	shalt  }
0x47: {  	_ =	shalt  }
0x48: {  	_ =	shalt  }
0x49: {  	_ =	shalt  }
0x4a: {  	_ =	shalt  }
0x4b: {  	_ =	shalt  }
0x4c: {  	_ =	shalt  }
0x4d: {  	_ =	shalt  }
0x4e: {  	_ =	shalt  }
0x4f: {  	_ =	shalt  }
0x50: {  	_ =	shalt  }
0x51: {  	_ =	shalt  }
0x52: {  	_ =	shalt  }
0x53: {  	_ =	shalt  }
0x54: {  	_ =	shalt  }
0x55: {  	_ =	shalt  }
0x56: {  	_ =	shalt  }
0x57: {  	_ =	shalt  }
0x58: {  	_ =	shalt  }
0x59: {  	_ =	shalt  }
0x5a: {  	_ =	shalt  }
0x5b: {  	_ =	shalt  }
0x5c: {  	_ =	shalt  }
0x5d: {  	_ =	shalt  }
0x5e: {  	_ =	shalt  }
0x5f: {  	_ =	shalt  }
0x60: {  	_ =	shalt  }
0x61: {  	_ =	shalt  }
0x62: {  	_ =	shalt  }
0x63: {  	_ =	shalt  }
0x64: {  	_ =	shalt  }
0x65: {  	_ =	shalt  }
0x66: {  	_ =	shalt  }
0x67: {  	_ =	shalt  }
0x68: {  	_ =	shalt  }
0x69: {  	_ =	shalt  }
0x6a: {  	_ =	shalt  }
0x6b: {  	_ =	shalt  }
0x6c: {  	_ =	shalt  }
0x6d: {  	_ =	shalt  }
0x6e: {  	_ =	shalt  }
0x6f: {  	_ =	shalt  }
0x70: {  	_ =	shalt  }
0x71: {  	_ =	shalt  }
0x72: {  	_ =	shalt  }
0x73: {  	_ =	shalt  }
0x74: {  	_ =	shalt  }
0x75: {  	_ =	shalt  }
0x76: {  	_ =	shalt  }
0x77: {  	_ =	shalt  }
0x78: {  	_ =	shalt  }
0x79: {  	_ =	shalt  }
0x7a: {  	_ =	shalt  }
0x7b: {  	_ =	shalt  }
0x7c: {  	_ =	shalt  }
0x7d: {  	_ =	shalt  }
0x7e: {  	_ =	shalt  }
0x7f: {  	_ =	shalt  }
0x80: {  	_ =	shalt  }
0x81: {  	_ =	shalt  }
0x82: {  	_ =	shalt  }
0x83: {  	_ =	shalt  }
0x84: {  	_ =	shalt  }
0x85: {  	_ =	shalt  }
0x86: {  	_ =	shalt  }
0x87: {  	_ =	shalt  }
.Lfunc_end0:
.L_simem_size_0:
called_computation_lowered:
.L_overlay_start_0:
0x88: {  	s2 =	sld [smem:$0x3FD9]  }
0x89: {  	s3 =	sld [smem:$0x3FFE];
	_ =	sdelay $0x1  }
0x8a: {  	s1 =	srdreg.scid  }
0x8b: {  	s0 =	sand.u32 $0x1, s1  }
0x8c: {  	s14 =	sshll.u32 s0, $0xA;
	s2 =	sadd.s32 s3, s2  }
0x8d: {  	s2 =	sadd.s32 s2, s14  }
0x8e: {  	[smem:$0x3FC5] =	sst s2  }
0x8f: {  	_ = 	snop  }
0x90: {  	s2 =	sld [smem:$0x3FD0];
	_ =	sdelay $0x2  }
0x91: {  	s15 =	simm.s32 $0xA;
	s4 =	simm.s32 $0x10  }
0x92: {  	[smem:s4], [sflag:s15] =	dma.local [hbm:s2], $0x1  }
0x93: {  	_ =	swait.eq [sflag:s15], $0x1  }
0x94: {  	s16 =	sld [smem:$0x10];
	[sflag:s15] =	ssyncset.done $0x0  }
0x95: {  	s17 =	sld [smem:$0x12];
	[sflag:s15] =	ssyncadd.s32 $0xFFFFFFFF  }
0x96: {  	s18 =	sld [smem:$0x13];
	(tm) =	ssettm $0x1  }
0x97: {  	s5 =	sld [smem:$0x3FFB];
	_ =	sdelay $0x3  }
0x98: {  	_ =	strace s5  }
0x99: {  	s5 =	sld [smem:$0x3FFC];
	_ =	sdelay $0x3  }
0x9a: {  	_ =	strace s5  }
0x9b: {  	s5 =	sld [smem:$0x3FFD];
	_ =	sdelay $0x3  }
0x9c: {  	_ =	strace s5  }
0x9d: {  	_ =	strace $0x8FFFFFFF  }
0x9e: {  	s19 =	sld [smem:$0x3FDB];
	_ =	sdelay $0x1  }
0x9f: {  	s6 =	simm.s32 $_scs_section_size  }
0xa0: {  	s7 =	simm.s32 $_size__tile_overlayer_lowered;
	s8 =	simm.s32 $_tile_overlayer_lowered  }
0xa1: {  	s22 =	simm.s32 $0x1BFF;
	s21 =	sshll.u32 s8, $0x1;
	s5 =	sadd.s32 s6, s19  }
0xa2: {  	s9 =	simm.s32 $0x0;
	s20 =	sshll.u32 s7, $0x1;
	s7 =	sadd.s32 s21, s5  }
0xa3: {  	[timem:s9], [sflag:s22] =	dma.local [hbm:s7], s20  }
0xa4: {  	_ =	swait.ge [sflag:s22], s20  }
0xa5: {  	s6 =	ssub.s32 $0x0, s20;
	[sflag:s22] =	ssyncset.done $0x0  }
0xa6: {  	[sflag:s22] =	ssyncadd.s32 s6;
	_ =	sdelay $0x1  }
0xa7: {  	s23 =	simm.s32 $0x1B8B  }
0xa8: {  	_ =	swait.ge [sflag:s23], $0x1  }
0xa9: {  	[sflag:s23] =	ssyncset.done $0x0  }
0xaa: {  	s25 =	simm.s32 $0x1B8E;
	s24 =	sld [smem:$0x3FFE];
	[sflag:s23] =	ssyncadd.s32 $0xFFFFFFFF  }
0xab: {  	s26 =	simm.s32 $execute0_lowered;
	[smem:$0x3FD2] =	sst s25  }
0xac: {  	s7 =	sshll.u32 s26, $0x1;
	_ =	strace $0x80000046;
	[dreg:$0x1] =	wrdreg $0xFFFFFFFF  }
0xad: {  	s28 =	simm.s32 $_size_execute0_lowered;
	s5 =	sadd.s32 s5, s7;
	[dreg:$0x0] =	wrdreg $0x0  }
0xae: {  	s7 =	sshll.u32 s28, $0x1;
	[dreg:$0x2] =	wrdreg s5  }
0xaf: {  	[dreg:$0x3] =	wrdreg s7  }
0xb0: {  	[dreg:$0x4] =	wrdreg $0xC0  }
0xb1: {  	_ =	task [dreg:s9], $0x5FFFF  }
0xb2: {  	[dreg:$0x1] =	wrdreg $0xFFFFFFFF  }
0xb3: {  	[dreg:$0x0] =	wrdreg $0x60  }
0xb4: {  	[dreg:$0x2] =	wrdreg s18  }
0xb5: {  	[dreg:$0x3] =	wrdreg s24  }
0xb6: {  	[dreg:$0x4] =	wrdreg s17  }
0xb7: {  	[dreg:$0x5] =	wrdreg s16  }
0xb8: {  	[dreg:$0x6] =	wrdreg $0x9  }
0xb9: {  	_ =	task.clear_ibuf [dreg:s9], $0x7FFFF;
	_ =	strace $0x90000046  }
0xba: {  	s29 =	simm.s32 $0x9;
	_ =	strace $0x80000048  }
0xbb: {  	_ =	swait.ge [sflag:s29], $0x1  }
0xbc: {  	[sflag:s29] =	ssyncadd.s32 $0xFFFFFFFF  }
0xbd: {  	_ =	strace $0x90000048  }
0xbe: {  	_ =	sfence  }
0xbf: {  	s30 =	sld [smem:$0x0];
	_ =	sdelay $0x2  }
0xc0: {  	s31 =	sshll.u32 s1, $0xD;
	s1 =	sshrl.u32 s1, $0x2  }
0xc1: {  	s3 =	sand.u32 $0x4000, s31;
	s1 =	sadd.s32 s1, s30  }
0xc2: {  	s0 =	sor.u32 s3, s0;
	s1 =	sshll.u32 s1, $0x11  }
0xc3: {  	s0 =	sor.u32 s1, s0  }
0xc4: {  	s0 =	sadd.s32 $0x8F2B, s0  }
0xc5: {  	[sflag:s0] =	ssyncadd.remote.s32 $0x1  }
0xc6: {  	_ =	sfence.sel $0xFFFF  }
0xc7: {  	[dreg:$0x0] =	wrdreg $0xFFFFFFFF;
	(pc) =	sbr.abs _section_cstart, $3  }
0xc8: {  	[dreg:$0x1] =	wrdreg $0xFFFFFFFF  }
0xc9: {  	_ =	task.clear_ibuf [dreg:s9], $0x2FFFF;
	_ =	strace $0x9FFFFFFF  }
0xca: {  	(tm) =	ssettm $0x7FFFFFFF  }
0xcb: {  	_ =	shalt  }
tec
execute0_lowered:
.L_overlay_start_1:
0x0: {  	(tag) =	ssettag $0x1  }
0x1: {  	s2 =	stileid.u32  }
0x2: {  	s1 =	rddreg [dreg:$0x0];
	p0 =	sgt.u32 s2, $0x7  }
.Ltmp0:
0x3: {  	s6 =	rddreg [dreg:$0x1];
	(pc) =	sbr.rel @p0 .LBB2_5-.Ltmp0, $4  }
0x4: {  	s4 =	rddreg [dreg:$0x2]  }
0x5: {  	s5 =	rddreg [dreg:$0x3];
	s3 =	simm.s32 $0x0  }
0x6: {  	[smem:$0x7FF] =	sst s3  }
0x7: {  	s0 =	rddreg [dreg:$0x4];
	_ =	strace $0x80000047  }
0x8: {  	s7 =	srdreg.scid  }
0x9: {  	s8 =	sshll.u32 s2, $0x1;
	s11 =	sadd.s32 $0xE00, s6;
	s12 =	simm.s32 $0x4E30  }
0xa: {  	s13 =	simm.s32 $0x80;
	s14 =	simm.s32 $0x4FC0;
	s15 =	simm.s32 $0x5140  }
0xb: {  	s16 =	simm.s32 $0x1;
	s17 =	simm.s32 $0x5040;
	s7 =	sand.u32 $0x1, s7  }
0xc: {  	s18 =	simm.s32 $0x7940;
	s19 =	simm.s32 $0x50C0;
	s8 =	sor.u32 s7, s8  }
0xd: {  	s21 =	simm.s32 $0x4E40;
	s22 =	simm.s32 $0x0;
	s9 =	smul.u32 $0xF00, s8  }
0xe: {  	s29 =	ssub.s32 $0x2, s7;
	s10 =	smul.u32 $0x30, s8;
	s28 =	sshll.u32 s8, $0x1  }
0xf: {  	s20 =	smul.u32 $0x4E20, s8;
	s30 =	sshrl.u32 s29, $0x1;
	s4 =	sadd.s32 s4, s28  }
0x10: {  	s5 =	sadd.s32 s5, s28;
	s9 =	sadd.s32 s9, s6;
	s10 =	sadd.s32 s10, s6  }
0x11: {  	s31 =	sshrl.u32 s20, $0x3;
	v0 =	vmov s20;
	s20 =	simm.s32 $0xA140;
	s6 =	sadd.s32 $0xAC00, s9  }
0x12: {  	s7 =	sadd.s32 $0x19C00, s10;
	s9 =	ssub.s32 s29, s30;
	s8 =	sadd.s32 s11, s31  }
0x13: {  	v1 =	vimm.s32 $0x0;
	v2 =	vlaneseq.u32;
	s10 =	simm.s32 $0x2;
	s11 =	simm.s32 $0x4E20;
	s9 =	smax.u32 s9, $0x1  }
.LBB2_2:
0x14: {  	s23 =	simm.s32 $0x0  }
0x15: {  	[tilespmem:s23], [sflag:$0x2] =	stream.linear.gather [hbm4b:s8+s23], $0x4E20, $0x38;
	[tilespmem:$0xC940] =	vst v63  }
0x16: {  	_ =	swait.ge [sflag:s10], $0x4E20  }
0x17: {  	[sflag:s10] =	ssyncset.done $0x0  }
0x18: {  	[sflag:s10] =	ssyncadd.s32 $0xFFFFB1E0  }
0x19: {  	[tilespmem:s11], [sflag:$0x2] =	stream.linear.gather [hbm4b:s4+s23], $0x10, $0x38;
	[tilespmem:$0xC940] =	vst v63  }
0x1a: {  	_ =	swait.ge [sflag:s10], $0x10  }
0x1b: {  	[sflag:s10] =	ssyncset.done $0x0  }
0x1c: {  	[sflag:s10] =	ssyncadd.s32 $0xFFFFFFF0  }
0x1d: {  	[tilespmem:s12], [sflag:$0x2] =	stream.linear.gather [hbm4b:s5+s23], $0x10, $0x38;
	[tilespmem:$0xC940] =	vst v63  }
0x1e: {  	_ =	swait.ge [sflag:s10], $0x10  }
0x1f: {  	[sflag:s10] =	ssyncset.done $0x0  }
0x20: {  	[sflag:s10] =	ssyncadd.s32 $0xFFFFFFF0  }
0x21: {  	[tilespmem:$0x4E40] =	vst v1  }
0x22: {  	[tilespmem:$0x4FC0] =	vst v1  }
0x23: {  	[tilespmem:$0x4E50] =	vst v1  }
0x24: {  	[tilespmem:$0x4FD0] =	vst v1  }
0x25: {  	[tilespmem:$0x4E60] =	vst v1  }
0x26: {  	[tilespmem:$0x4FE0] =	vst v1  }
0x27: {  	[tilespmem:$0x4E70] =	vst v1  }
0x28: {  	[tilespmem:$0x4FF0] =	vst v1  }
0x29: {  	[tilespmem:$0x4E80] =	vst v1  }
0x2a: {  	[tilespmem:$0x5000] =	vst v1  }
0x2b: {  	[tilespmem:$0x4E90] =	vst v1  }
0x2c: {  	[tilespmem:$0x5010] =	vst v1  }
0x2d: {  	[tilespmem:$0x4EA0] =	vst v1  }
0x2e: {  	[tilespmem:$0x5020] =	vst v1  }
0x2f: {  	[tilespmem:$0x4EB0] =	vst v1  }
0x30: {  	[tilespmem:$0x5030] =	vst v1  }
0x31: {  	[tilespmem:$0x4EC0] =	vst v1  }
0x32: {  	[tilespmem:$0x5040] =	vst v1  }
0x33: {  	[tilespmem:$0x4ED0] =	vst v1  }
0x34: {  	[tilespmem:$0x5050] =	vst v1  }
0x35: {  	[tilespmem:$0x4EE0] =	vst v1  }
0x36: {  	[tilespmem:$0x5060] =	vst v1  }
0x37: {  	[tilespmem:$0x4EF0] =	vst v1  }
0x38: {  	[tilespmem:$0x5070] =	vst v1  }
0x39: {  	[tilespmem:$0x4F00] =	vst v1  }
0x3a: {  	[tilespmem:$0x5080] =	vst v1  }
0x3b: {  	[tilespmem:$0x4F10] =	vst v1  }
0x3c: {  	[tilespmem:$0x5090] =	vst v1  }
0x3d: {  	[tilespmem:$0x4F20] =	vst v1  }
0x3e: {  	[tilespmem:$0x50A0] =	vst v1  }
0x3f: {  	[tilespmem:$0x4F30] =	vst v1  }
0x40: {  	[tilespmem:$0x50B0] =	vst v1  }
0x41: {  	[tilespmem:$0x4F40] =	vst v1  }
0x42: {  	[tilespmem:$0x50C0] =	vst v1  }
0x43: {  	[tilespmem:$0x4F50] =	vst v1  }
0x44: {  	[tilespmem:$0x50D0] =	vst v1  }
0x45: {  	[tilespmem:$0x4F60] =	vst v1  }
0x46: {  	[tilespmem:$0x50E0] =	vst v1  }
0x47: {  	[tilespmem:$0x4F70] =	vst v1  }
0x48: {  	[tilespmem:$0x50F0] =	vst v1  }
0x49: {  	[tilespmem:$0x4F80] =	vst v1  }
0x4a: {  	[tilespmem:$0x5100] =	vst v1  }
0x4b: {  	[tilespmem:$0x4F90] =	vst v1  }
0x4c: {  	[tilespmem:$0x5110] =	vst v1  }
0x4d: {  	[tilespmem:$0x4FA0] =	vst v1  }
0x4e: {  	[tilespmem:$0x5120] =	vst v1  }
0x4f: {  	v3 =	vld [tilespmem:$0x4E20];
	[tilespmem:$0x4FB0] =	vst v1  }
0x50: {  	v4 =	vld [tilespmem:$0x4E30];
	[tilespmem:$0x5130] =	vst v1  }
0x51: {  	v5 =	vld [tilespmem:s23+$0x0];
	_ =	sdelay $0x3  }
0x52: {  	v6 =	vor.u32 s23, v2  }
0x53: {  	vm1 =	vle.s32 v6, v4;
	vm0 =	veq.f32 v5, v3  }
0x54: {  	vm2 =	vgt.f32 v5, v3;
	vm0 =	vmand vm1, vm0  }
0x55: {  	vm0 =	vmor vm2, vm0  }
0x56: {  	v5 =	vmpcnt.ones.xlane vm0;
	_ =	sdelay $0x1  }
0x57: {  	v5 =	vxor.u32 $0x80000000, v5  }
0x58: {  	(xrf0) =	vmax.scan.msk.u32 $0xffff, v5;
	_ =	sdelay $0x5  }
0x59: {  	[tilespmem:s23+$0x4E40] =	vst.msk vm0, v6;
	v5 =	vadd.s32 v0, v6;
	v6, _, _ =	vpop (xrf0)  }
0x5a: {  	s24 =	simm.s32 $0x10;
	[tilespmem:s23+$0x4FC0] =	vst.msk vm0, v5;
	(v2sf) =	vpush v6, $0xF  }
0x5b: {  	s25 =	simm.s32 $0x20;
	s26 =	simm.s32 $0x10;
	v5 =	vld [tilespmem:s24+$0x0]  }
.LBB2_3:
0x5c: {  	p0 =	sne.s32 s25, $0x4E10;
	_ =	sdelay $0x2  }
0x5d: {  	v6 =	vor.u32 s24, v2;
	s24 =	smov.u32 s25  }
0x5e: {  	vm1 =	vle.s32 v6, v4;
	vm0 =	veq.f32 v5, v3  }
0x5f: {  	vm2 =	vgt.f32 v5, v3;
	vm0 =	vmand vm1, vm0  }
0x60: {  	vm0 =	vmor vm2, vm0  }
0x61: {  	v5 =	vmpcnt.ones.xlane vm0;
	_ =	sdelay $0x1  }
0x62: {  	v5 =	vxor.u32 $0x80000000, v5  }
0x63: {  	(xrf0) =	vmax.scan.msk.u32 $0xffff, v5;
	_ =	sdelay $0x2  }
0x64: {  	s28 =	spop (v2sf)  }
.Ltmp1:
0x65: {  	s23 =	sadd.s32 s28, s23;
	(pc) =	sbr.rel @p0 .LBB2_3-.Ltmp1, $4  }
0x66: {  	s23 =	sadd.s32 $0x80000000, s23  }
0x67: {  	v5 =	vadd.s32 v0, v6;
	[tilespmem:s23+$0x4E40] =	vst.msk vm0, v6;
	v6, _, _ =	vpop (xrf0)  }
0x68: {  	s26 =	sadd.s32 $0x10, s26;
	[tilespmem:s23+$0x4FC0] =	vst.msk vm0, v5;
	(v2sf) =	vpush v6, $0xF  }
0x69: {  	s25 =	sadd.s32 $0x10, s25;
	v5 =	vld [tilespmem:s26+$0x0]  }
0x6a: {  	_ =	sdelay $0x2  }
0x6b: {  	v6 =	vor.u32 s24, v2  }
0x6c: {  	vm1 =	vle.s32 v6, v4;
	vm0 =	veq.f32 v5, v3  }
0x6d: {  	vm2 =	vgt.f32 v5, v3;
	vm0 =	vmand vm1, vm0  }
0x6e: {  	vm0 =	vmor vm2, vm0  }
0x6f: {  	v3 =	vmpcnt.ones.xlane vm0;
	_ =	sdelay $0x1  }
0x70: {  	v3 =	vxor.u32 $0x80000000, v3  }
0x71: {  	(xrf0) =	vmax.scan.msk.u32 $0xffff, v3;
	_ =	sdelay $0x5  }
0x72: {  	v3, _, _ =	vpop (xrf0)  }
0x73: {  	(v2sf) =	vpush v3, $0xF;
	_ =	sdelay $0x8  }
0x74: {  	s30 =	spop (v2sf)  }
0x75: {  	s23 =	sadd.s32 s30, s23  }
0x76: {  	s23 =	sadd.s32 $0x80000000, s23  }
0x77: {  	[tilespmem:s23+$0x4E40] =	vst.msk vm0, v6;
	v3 =	vadd.s32 v0, v6  }
0x78: {  	[tilespmem:s23+$0x4FC0] =	vst.msk vm0, v3  }
0x79: {  	[tilespmem:s15], [sflag:$0x1] =	stream.indirect.gather [hbm4b:s1+s13], $0x50, s14, s13, $0xb8;
	[tilespmem:$0xC940] =	vst v63  }
0x7a: {  	s31 =	spop (v2sf)  }
0x7b: {  	_ =	swait.ge [sflag:s16], $0x2800  }
0x7c: {  	[sflag:s16] =	ssyncset.done $0x0  }
0x7d: {  	[sflag:s16] =	ssyncadd.s32 $0xFFFFD800  }
0x7e: {  	[tilespmem:s18], [sflag:$0x1] =	stream.indirect.gather [hbm4b:s1+s13], $0x50, s17, s13, $0xb8;
	[tilespmem:$0xC940] =	vst v63  }
0x7f: {  	_ =	swait.ge [sflag:s16], $0x2800  }
0x80: {  	[sflag:s16] =	ssyncset.done $0x0  }
0x81: {  	[sflag:s16] =	ssyncadd.s32 $0xFFFFD800  }
0x82: {  	[tilespmem:s20], [sflag:$0x1] =	stream.indirect.gather [hbm4b:s1+s13], $0x50, s19, s13, $0xb8;
	[tilespmem:$0xC940] =	vst v63  }
0x83: {  	_ =	swait.ge [sflag:s16], $0x2800  }
0x84: {  	[sflag:s16] =	ssyncset.done $0x0  }
0x85: {  	[sflag:s16] =	ssyncadd.s32 $0xFFFFD800  }
0x86: {  	[hbm4b:s6+s3] =	stream.linear.scatter [tilespmem:s15], [sflag:$0x2], $0x7800, $0x38;
	[tilespmem:$0xC940] =	vst v63  }
0x87: {  	s22 =	sadd.s32 $0x1, s22;
	_ =	swait.ge [sflag:s10], $0x7800  }
0x88: {  	p0 =	sne.s32 s22, s9;
	[sflag:s10] =	ssyncset.done $0x0  }
.Ltmp2:
0x89: {  	[sflag:s10] =	ssyncadd.s32 $0xFFFF8800;
	(pc) =	sbr.rel @p0 .LBB2_2-.Ltmp2, $4  }
0x8a: {  	[hbm4b:s7+s3] =	stream.linear.scatter [tilespmem:s21], [sflag:$0x2], $0x180, $0x38;
	[tilespmem:$0xC940] =	vst v63  }
0x8b: {  	_ =	swait.ge [sflag:s10], $0x180  }
0x8c: {  	[sflag:s10] =	ssyncset.done $0x0  }
0x8d: {  	[sflag:s10] =	ssyncadd.s32 $0xFFFFFE80  }
.LBB2_5:
0x8e: {  	_ =	sfence.sel $0x180000  }
0x8f: {  	[bflag:$0x0] =	sbarrier.arrive $0xFFFF  }
0x90: {  	p0 =	sne.s32 s2, $0x0;
	_ =	strace $0x90000047  }
0x91: {  	s0 =	sadd.s32 @!p0 $0x100000, s0;
	[bflag:$0x2] =	sbarrier.arrive $0xFFFF  }
0x92: {  	[sflag:s0] =	ssyncadd.tile.s32 @!p0 $0x1;
	_ =	shalt  }
.Lfunc_end2:
_tile_overlayer_lowered:
.L_overlay_start_2:
0x93: {  	(tag) =	ssettag $0x2  }
0x94: {  	s0 =	rddreg [dreg:$0x0];
	s2 =	stileid.u32  }
0x95: {  	s1 =	rddreg [dreg:$0x1];
	p0 =	sne.s32 s2, $0x0  }
0x96: {  	s3 =	rddreg [dreg:$0x2];
	[bflag:$0x3] =	sbarrier.arrive $0xFFFF;
	s2 =	simm.s32 @!p0 $0x1C02  }
0x97: {  	[timem:s3], [sflag:s2] =	dma.local @!p0 [hbm:s0], s1  }
0x98: {  	s0 =	simm.s32 @!p0 $0x2  }
0x99: {  	_ =	swait.ge @!p0 [sflag:s0], s1  }
0x9a: {  	s1 =	ssub.s32 @!p0 $0x0, s1;
	[sflag:s0] =	ssyncset.done @!p0 $0x0  }
0x9b: {  	[sflag:s0] =	ssyncadd.s32 @!p0 s1  }
0x9c: {  	[bflag:$0x3] =	sbarrier.arrive $0xFFFF  }
0x9d: {  	_ =	shalt  }

</sc_bundles>
